<compile_context>
chip_gen: v7x
topology: tpu7x:2x2x1
jax: 0.10.2.dev20260603
libtpu: 0.0.44.dev20260713+nightly
codegen_flags: <defaults>
</compile_context>

<pallas_src>
import functools

import jax
import jax.numpy as jnp
from jax import lax
from jax.experimental import pallas as pl
from jax.experimental.pallas import tpu as pltpu
from jax.experimental.pallas import tpu_sc as plsc

D = 64
K = 16
PB = 256
PP = 256

_DEF = jax.lax.Precision.DEFAULT


def _dot(a, b):
    return jax.lax.dot_general(
        a, b, (((1,), (0,)), ((), ())),
        precision=_DEF, preferred_element_type=jnp.float32)


def _knn_body(xyzp_ref, xyzT_ref, feat_ref, fc1w_ref, fc1b_ref,
              wq_ref, d1w_ref, idx_ref, x_ref, qe_ref):
    n = xyzT_ref.shape[1]
    xi = xyzp_ref[...]
    xT = xyzT_ref[...]
    cross = _dot(xi, xT)
    rsum_j = jnp.sum(xT * xT, axis=0, keepdims=True)
    rsum_i = jnp.sum(xi * xi, axis=1, keepdims=True)
    d = rsum_i + rsum_j - 2.0 * cross
    iota = jax.lax.broadcasted_iota(jnp.int32, (PB, n), 1)
    cols = []
    for _ in range(K):
        idx = jnp.argmin(d, axis=1)[:, None]
        cols.append(idx)
        d = jnp.where(iota == idx, jnp.float32(jnp.inf), d)
    idx_ref[...] = jnp.concatenate(cols, axis=1)
    x = _dot(feat_ref[...], fc1w_ref[...]) + fc1b_ref[...]
    e = _dot(xi, d1w_ref[...])
    x_ref[...] = jnp.concatenate([x, e], axis=1)
    qe_ref[...] = jnp.concatenate([_dot(x, wq_ref[...]), e], axis=1)


def _knn_call(xyzp, xyzT, feat, fc1w, fc1b, wq, d1w):
    N = xyzp.shape[0]
    grid = (N // PB,)
    return pl.pallas_call(
        _knn_body,
        grid=grid,
        in_specs=[
            pl.BlockSpec((PB, 8), lambda i: (i, 0)),
            pl.BlockSpec((8, N), lambda i: (0, 0)),
            pl.BlockSpec((PB, D), lambda i: (i, 0)),
            pl.BlockSpec((D, D), lambda i: (0, 0)),
            pl.BlockSpec((1, D), lambda i: (0, 0)),
            pl.BlockSpec((D, D), lambda i: (0, 0)),
            pl.BlockSpec((8, D), lambda i: (0, 0)),
        ],
        out_specs=[
            pl.BlockSpec((PB, K), lambda i: (i, 0)),
            pl.BlockSpec((PB, 128), lambda i: (i, 0)),
            pl.BlockSpec((PB, 128), lambda i: (i, 0)),
        ],
        out_shape=[
            jax.ShapeDtypeStruct((N, K), jnp.int32),
            jax.ShapeDtypeStruct((N, 128), jnp.float32),
            jax.ShapeDtypeStruct((N, 128), jnp.float32),
        ],
    )(xyzp, xyzT, feat, fc1w, fc1b, wq, d1w)


def _sc_gather(xt, idx2d):
    Ri = idx2d.shape[0]
    W = xt.shape[1]
    M = Ri * 128
    info = plsc.get_sparse_core_info()
    NW = info.num_cores * info.num_subcores
    rows_per_w = Ri // NW
    mesh = plsc.VectorSubcoreMesh(core_axis_name="c", subcore_axis_name="s")

    @functools.partial(
        pl.kernel,
        mesh=mesh,
        out_type=jax.ShapeDtypeStruct((M, W), jnp.float32),
        scratch_types=[
            pltpu.VMEM((128,), jnp.int32),
            pltpu.VMEM((128, W), jnp.float32),
            pltpu.VMEM((128, W), jnp.float32),
            pltpu.SemaphoreType.DMA,
            pltpu.SemaphoreType.DMA,
            pltpu.SemaphoreType.DMA,
        ],
    )
    def gather_k(xt_hbm, idx_hbm, gx_out, idx_v, rx0, rx1, gsem, osem0, osem1):
        wid = lax.axis_index("s") * info.num_cores + lax.axis_index("c")
        base = wid * rows_per_w
        rx = (rx0, rx1)
        osem = (osem0, osem1)
        pending = [None, None]
        for i in range(rows_per_w):
            p = i % 2
            if pending[p] is not None:
                pending[p].wait()
            r = base + i
            pltpu.sync_copy(idx_hbm.at[r], idx_v)
            pltpu.async_copy(xt_hbm.at[idx_v], rx[p], gsem).wait()
            cp = pltpu.async_copy(rx[p], gx_out.at[pl.ds(r * 128, 128)],
                                  osem[p])
            pending[p] = cp
        pending[0].wait()
        pending[1].wait()

    return gather_k(xt, idx2d)


def _rep16(a, pp):
    c = a.shape[-1]
    return jnp.broadcast_to(a[:, None, :], (pp, K, c)).reshape(pp * K, c)


def _dense_body(qe_ref, gx_ref, feat_ref,
                wk_ref, wv_ref, d1b_ref, d2w_ref, d2b_ref,
                g1w_ref, g1b_ref, g2w_ref, g2b_ref, fc2w_ref, fc2b_ref,
                attn_ref, res_ref):
    xj = gx_ref[:, :D]
    ej = gx_ref[:, D:]
    kj = _dot(xj, wk_ref[...])
    vj = _dot(xj, wv_ref[...])
    ei = _rep16(qe_ref[:, D:], PP)
    pos = jnp.maximum(ei - ej + d1b_ref[...], 0.0)
    pos = _dot(pos, d2w_ref[...]) + d2b_ref[...]
    g = _rep16(qe_ref[:, :D], PP) - kj + pos
    a = jnp.maximum(_dot(g, g1w_ref[...]) + g1b_ref[...], 0.0)
    a = _dot(a, g2w_ref[...]) + g2b_ref[...]
    a3 = a.reshape(PP, K, D) * jnp.float32(0.125)
    m = jnp.max(a3, axis=1, keepdims=True)
    e = jnp.exp(a3 - m)
    s = jnp.sum(e, axis=1, keepdims=True)
    p3 = e / s
    attn_ref[...] = p3
    w = p3 * (vj + pos).reshape(PP, K, D)
    r = jnp.sum(w, axis=1)
    res_ref[...] = _dot(r, fc2w_ref[...]) + fc2b_ref[...] + feat_ref[...]


def _dense_call(qe, gx, feat2, p):
    N = qe.shape[0]
    grid = (N // PP,)
    wfull = lambda shape: pl.BlockSpec(shape, lambda i: (0, 0))
    return pl.pallas_call(
        _dense_body,
        grid=grid,
        in_specs=[
            pl.BlockSpec((PP, 128), lambda i: (i, 0)),
            pl.BlockSpec((PP * K, 128), lambda i: (i, 0)),
            pl.BlockSpec((PP, D), lambda i: (i, 0)),
            wfull((D, D)), wfull((D, D)),
            wfull((1, D)), wfull((D, D)), wfull((1, D)),
            wfull((D, D)), wfull((1, D)), wfull((D, D)), wfull((1, D)),
            wfull((D, D)), wfull((1, D)),
        ],
        out_specs=[
            pl.BlockSpec((PP, K, D), lambda i: (i, 0, 0)),
            pl.BlockSpec((PP, D), lambda i: (i, 0)),
        ],
        out_shape=[
            jax.ShapeDtypeStruct((N, K, D), jnp.float32),
            jax.ShapeDtypeStruct((N, D), jnp.float32),
        ],
    )(qe, gx, feat2,
      p['wk'], p['wv'],
      p['delta1_b'], p['delta2_w'], p['delta2_b'],
      p['gamma1_w'], p['gamma1_b'], p['gamma2_w'], p['gamma2_b'],
      p['fc2_w'], p['fc2_b'])


def kernel(xyz, features, params):
    p = params
    B, N, _ = xyz.shape
    xyzp = jnp.pad(xyz, ((0, 0), (0, 0), (0, 5)))
    xyzT = jnp.swapaxes(xyzp, 1, 2)
    fc1b = p['fc1_b'].reshape(1, D)
    d1w = jnp.pad(p['delta1_w'], ((0, 5), (0, 0)))
    pr = {
        'wk': p['wk'], 'wv': p['wv'],
        'delta1_b': p['delta1_b'].reshape(1, D),
        'delta2_w': p['delta2_w'], 'delta2_b': p['delta2_b'].reshape(1, D),
        'gamma1_w': p['gamma1_w'], 'gamma1_b': p['gamma1_b'].reshape(1, D),
        'gamma2_w': p['gamma2_w'], 'gamma2_b': p['gamma2_b'].reshape(1, D),
        'fc2_w': p['fc2_w'], 'fc2_b': p['fc2_b'].reshape(1, D),
    }

    knn = [_knn_call(xyzp[b], xyzT[b], features[b], p['fc1_w'], fc1b,
                     p['wq'], d1w) for b in range(B)]
    gx = [_sc_gather(knn[b][1], knn[b][0].reshape(N * K // 128, 128))
          for b in range(B)]
    outs = [_dense_call(knn[b][2], gx[b], features[b], pr) for b in range(B)]

    res = jnp.stack([o[1] for o in outs])
    attn = jnp.stack([o[0] for o in outs])
    return res, attn

# --- scband reference (transcript-rebuilt; emitter-appended) ---
"""Pipeline reference for scband-point-transformer-seg-v0-65068754534721 (READ-ONLY COPY).

The authoritative reference and input builder live on the scoring server;
editing this copy changes nothing except your own understanding.
"""

import jax, jax.numpy as jnp
import numpy as np

D_POINTS = 64
D_MODEL = 64
K = 16


def _square_distance(src, dst):
    # src [B,N,C], dst [B,M,C] -> [B,N,M]
    return (jnp.sum(src ** 2, axis=-1)[:, :, None]
            + jnp.sum(dst ** 2, axis=-1)[:, None, :]
            - 2.0 * jnp.einsum('bnc,bmc->bnm', src, dst))


def _index_points(points, idx):
    # points [B,N,C], idx [B,M,K] -> [B,M,K,C]
    B = points.shape[0]
    batch = jnp.arange(B)[:, None, None]
    return points[batch, idx]


def _linear_init(key, fan_in, fan_out, bias=True):
    kw, kb = jax.random.split(key)
    lim = 1.0 / np.sqrt(fan_in)
    W = jax.random.uniform(kw, (fan_in, fan_out), minval=-lim, maxval=lim, dtype=jnp.float32)
    if bias:
        b = jax.random.uniform(kb, (fan_out,), minval=-lim, maxval=lim, dtype=jnp.float32)
        return W, b
    return W, None


def _init_params(key):
    ks = jax.random.split(key, 9)
    p = {}
    p['fc1_w'], p['fc1_b'] = _linear_init(ks[0], D_POINTS, D_MODEL)
    p['fc2_w'], p['fc2_b'] = _linear_init(ks[1], D_MODEL, D_POINTS)
    p['delta1_w'], p['delta1_b'] = _linear_init(ks[2], 3, D_MODEL)
    p['delta2_w'], p['delta2_b'] = _linear_init(ks[3], D_MODEL, D_MODEL)
    p['gamma1_w'], p['gamma1_b'] = _linear_init(ks[4], D_MODEL, D_MODEL)
    p['gamma2_w'], p['gamma2_b'] = _linear_init(ks[5], D_MODEL, D_MODEL)
    p['wq'], _ = _linear_init(ks[6], D_MODEL, D_MODEL, bias=False)
    p['wk'], _ = _linear_init(ks[7], D_MODEL, D_MODEL, bias=False)
    p['wv'], _ = _linear_init(ks[8], D_MODEL, D_MODEL, bias=False)
    return p


def setup_inputs(seed: int = 0) -> dict:
    key = jax.random.key(seed)
    k1, k2, k3 = jax.random.split(key, 3)
    xyz = jax.random.uniform(k1, (2, 4096, 3), dtype=jnp.float32)
    features = jax.random.normal(k2, (2, 4096, D_POINTS), dtype=jnp.float32)
    params = _init_params(k3)
    return {'xyz': xyz, 'features': features, 'params': params}


def reference(xyz, features, params):
    p = params
    dists = _square_distance(xyz, xyz)                       # [B,N,N]
    knn_idx = jnp.argsort(dists, axis=-1)[:, :, :K]          # [B,N,K]
    knn_xyz = _index_points(xyz, knn_idx)                    # [B,N,K,3]
    pre = features
    x = features @ p['fc1_w'] + p['fc1_b']                   # [B,N,D]
    q = x @ p['wq']                                          # [B,N,D]
    k = _index_points(x @ p['wk'], knn_idx)                  # [B,N,K,D]
    v = _index_points(x @ p['wv'], knn_idx)                  # [B,N,K,D]
    rel = xyz[:, :, None, :] - knn_xyz                       # [B,N,K,3]
    pos_enc = jax.nn.relu(rel @ p['delta1_w'] + p['delta1_b']) @ p['delta2_w'] + p['delta2_b']
    g = q[:, :, None, :] - k + pos_enc
    attn = jax.nn.relu(g @ p['gamma1_w'] + p['gamma1_b']) @ p['gamma2_w'] + p['gamma2_b']
    attn = jax.nn.softmax(attn / np.sqrt(D_MODEL), axis=-2)  # softmax over K neighbors
    res = jnp.einsum('bmnf,bmnf->bmf', attn, v + pos_enc)
    res = res @ p['fc2_w'] + p['fc2_b'] + pre
    return res, attn

if __name__ == "__main__":
    import jax
    _d = setup_inputs()
    print(jax.jit(kernel)(*tuple(_d.values())))

</pallas_src>

<mosaic_0001>
#map = affine_map<(d0, d1) -> (0, 0)>
module attributes {stable_mosaic.version = 14 : i64} {
  func.func @gather_k(%arg0: i32, %arg1: i32, %arg2: memref<4096x128xf32, #tpu.memory_space<hbm>>, %arg3: memref<512x128xi32, #tpu.memory_space<hbm>>, %arg4: memref<65536x128xf32, #tpu.memory_space<hbm>>, %arg5: memref<128xi32, #tpu.memory_space<vmem>>, %arg6: memref<128x128xf32, #tpu.memory_space<vmem>>, %arg7: memref<128x128xf32, #tpu.memory_space<vmem>>, %arg8: memref<!tpu.dma_semaphore, #tpu.memory_space<semaphore_mem>>, %arg9: memref<!tpu.dma_semaphore, #tpu.memory_space<semaphore_mem>>, %arg10: memref<!tpu.dma_semaphore, #tpu.memory_space<semaphore_mem>>) attributes {dimension_semantics = [#tpu.dimension_semantics<core_parallel>, #tpu.dimension_semantics<subcore_parallel>], iteration_bounds = array<i64: 2, 16>, scalar_prefetch = 0 : i64, scratch_operands = 6 : i64, tpu.core_type = #tpu.core_type<sc_vector_subcore>, window_params = [{transform_indices = #map}, {transform_indices = #map}, {transform_indices = #map}]} {
    %mul3A = arith.constant 2 : i32
    %mul3A_0 = arith.muli %arg1, %mul3A : i32
    %add3A = arith.addi %mul3A_0, %arg0 : i32
    %mul3A_1 = arith.constant 16 : i32
    %mul3A_2 = arith.muli %add3A, %mul3A_1 : i32
    %add3A_3 = arith.constant 0 : i32
    %add3A_4 = arith.addi %mul3A_2, %add3A_3 : i32
    "tpu.region"() ({
      %run_scoped3A = tpu.sem_alloc : memref<!tpu.dma_semaphore, #tpu.memory_space<semaphore_mem>>
      %dma_start3A_289 = arith.constant 0 : i32
      %dma_start3A_290 = tpu.memref_slice %arg3[%add3A_4, %dma_start3A_289] : memref<512x128xi32, #tpu.memory_space<hbm>> -> memref<1x128xi32, #tpu.memory_space<hbm>>
      %dma_start3A_291 = tpu.memref_squeeze %dma_start3A_290 : memref<1x128xi32, #tpu.memory_space<hbm>> -> memref<128xi32, #tpu.memory_space<hbm>>
      %dma_start3A_292 = arith.constant 0 : i32
      %dma_start3A_293 = tpu.memref_slice %arg3[%add3A_4, %dma_start3A_292] : memref<512x128xi32, #tpu.memory_space<hbm>> -> memref<1x128xi32, #tpu.memory_space<hbm>>
      %dma_start3A_294 = tpu.memref_squeeze %dma_start3A_293 : memref<1x128xi32, #tpu.memory_space<hbm>> -> memref<128xi32, #tpu.memory_space<hbm>>
      tpu.enqueue_dma source(%dma_start3A_294 : memref<128xi32, #tpu.memory_space<hbm>>) target(%arg5 : memref<128xi32, #tpu.memory_space<vmem>>) target_semaphore(%run_scoped3A : memref<!tpu.dma_semaphore, #tpu.memory_space<semaphore_mem>>)
      %dma_wait3A_295 = arith.constant 0 : i32
      %dma_wait3A_296 = tpu.memref_slice %arg3[%add3A_4, %dma_wait3A_295] : memref<512x128xi32, #tpu.memory_space<hbm>> -> memref<1x128xi32, #tpu.memory_space<hbm>>
      %dma_wait3A_297 = tpu.memref_squeeze %dma_wait3A_296 : memref<1x128xi32, #tpu.memory_space<hbm>> -> memref<128xi32, #tpu.memory_space<hbm>>
      %dma_wait3A_298 = arith.constant 0 : i32
      %dma_wait3A_299 = tpu.memref_slice %arg3[%add3A_4, %dma_wait3A_298] : memref<512x128xi32, #tpu.memory_space<hbm>> -> memref<1x128xi32, #tpu.memory_space<hbm>>
      %dma_wait3A_300 = tpu.memref_squeeze %dma_wait3A_299 : memref<1x128xi32, #tpu.memory_space<hbm>> -> memref<128xi32, #tpu.memory_space<hbm>>
      tpu.wait_dma2 semaphore(%run_scoped3A : memref<!tpu.dma_semaphore, #tpu.memory_space<semaphore_mem>>) src(%dma_wait3A_300 : memref<128xi32, #tpu.memory_space<hbm>>) dst(%arg5 : memref<128xi32, #tpu.memory_space<vmem>>)
      tpu.yield
    }) : () -> ()
    %dma_start3A = arith.constant 0 : i32
    %dma_start3A_5 = arith.constant 0 : i32
    %dma_start3A_6 = tpu.memref_slice %arg2[%dma_start3A, %dma_start3A_5] : memref<4096x128xf32, #tpu.memory_space<hbm>> -> memref<4096x128xf32, #tpu.memory_space<hbm>>
    tpu.enqueue_indirect_dma source(%dma_start3A_6 : memref<4096x128xf32, #tpu.memory_space<hbm>>) target(%arg6 : memref<128x128xf32, #tpu.memory_space<vmem>>) offsets(%arg5 : memref<128xi32, #tpu.memory_space<vmem>>) semaphore(%arg8 : memref<!tpu.dma_semaphore, #tpu.memory_space<semaphore_mem>>)
    %dma_wait3A = arith.constant 0 : i32
    %dma_wait3A_7 = arith.constant 0 : i32
    %dma_wait3A_8 = tpu.memref_slice %arg2[%dma_wait3A, %dma_wait3A_7] : memref<4096x128xf32, #tpu.memory_space<hbm>> -> memref<4096x128xf32, #tpu.memory_space<hbm>>
    tpu.wait_indirect_dma semaphore(%arg8 : memref<!tpu.dma_semaphore, #tpu.memory_space<semaphore_mem>>) src(%dma_wait3A_8 : memref<4096x128xf32, #tpu.memory_space<hbm>>) dst(%arg6 : memref<128x128xf32, #tpu.memory_space<vmem>>)
    %mul3A_9 = arith.constant 128 : i32
    %mul3A_10 = arith.muli %add3A_4, %mul3A_9 : i32
    %dma_start3A_11 = arith.constant 0 : i32
    %dma_start3A_12 = tpu.memref_slice %arg4[%mul3A_10, %dma_start3A_11] : memref<65536x128xf32, #tpu.memory_space<hbm>> -> memref<128x128xf32, #tpu.memory_space<hbm>>
    %dma_start3A_13 = arith.constant 0 : i32
    %dma_start3A_14 = tpu.memref_slice %arg4[%mul3A_10, %dma_start3A_13] : memref<65536x128xf32, #tpu.memory_space<hbm>> -> memref<128x128xf32, #tpu.memory_space<hbm>>
    tpu.enqueue_dma source(%arg6 : memref<128x128xf32, #tpu.memory_space<vmem>>) target(%dma_start3A_14 : memref<128x128xf32, #tpu.memory_space<hbm>>) target_semaphore(%arg9 : memref<!tpu.dma_semaphore, #tpu.memory_space<semaphore_mem>>)
    %add3A_15 = arith.constant 1 : i32
    %add3A_16 = arith.addi %mul3A_2, %add3A_15 : i32
    "tpu.region"() ({
      %run_scoped3A = tpu.sem_alloc : memref<!tpu.dma_semaphore, #tpu.memory_space<semaphore_mem>>
      %dma_start3A_289 = arith.constant 0 : i32
      %dma_start3A_290 = tpu.memref_slice %arg3[%add3A_16, %dma_start3A_289] : memref<512x128xi32, #tpu.memory_space<hbm>> -> memref<1x128xi32, #tpu.memory_space<hbm>>
      %dma_start3A_291 = tpu.memref_squeeze %dma_start3A_290 : memref<1x128xi32, #tpu.memory_space<hbm>> -> memref<128xi32, #tpu.memory_space<hbm>>
      %dma_start3A_292 = arith.constant 0 : i32
      %dma_start3A_293 = tpu.memref_slice %arg3[%add3A_16, %dma_start3A_292] : memref<512x128xi32, #tpu.memory_space<hbm>> -> memref<1x128xi32, #tpu.memory_space<hbm>>
      %dma_start3A_294 = tpu.memref_squeeze %dma_start3A_293 : memref<1x128xi32, #tpu.memory_space<hbm>> -> memref<128xi32, #tpu.memory_space<hbm>>
      tpu.enqueue_dma source(%dma_start3A_294 : memref<128xi32, #tpu.memory_space<hbm>>) target(%arg5 : memref<128xi32, #tpu.memory_space<vmem>>) target_semaphore(%run_scoped3A : memref<!tpu.dma_semaphore, #tpu.memory_space<semaphore_mem>>)
      %dma_wait3A_295 = arith.constant 0 : i32
      %dma_wait3A_296 = tpu.memref_slice %arg3[%add3A_16, %dma_wait3A_295] : memref<512x128xi32, #tpu.memory_space<hbm>> -> memref<1x128xi32, #tpu.memory_space<hbm>>
      %dma_wait3A_297 = tpu.memref_squeeze %dma_wait3A_296 : memref<1x128xi32, #tpu.memory_space<hbm>> -> memref<128xi32, #tpu.memory_space<hbm>>
      %dma_wait3A_298 = arith.constant 0 : i32
      %dma_wait3A_299 = tpu.memref_slice %arg3[%add3A_16, %dma_wait3A_298] : memref<512x128xi32, #tpu.memory_space<hbm>> -> memref<1x128xi32, #tpu.memory_space<hbm>>
      %dma_wait3A_300 = tpu.memref_squeeze %dma_wait3A_299 : memref<1x128xi32, #tpu.memory_space<hbm>> -> memref<128xi32, #tpu.memory_space<hbm>>
      tpu.wait_dma2 semaphore(%run_scoped3A : memref<!tpu.dma_semaphore, #tpu.memory_space<semaphore_mem>>) src(%dma_wait3A_300 : memref<128xi32, #tpu.memory_space<hbm>>) dst(%arg5 : memref<128xi32, #tpu.memory_space<vmem>>)
      tpu.yield
    }) : () -> ()
    %dma_start3A_17 = arith.constant 0 : i32
    %dma_start3A_18 = arith.constant 0 : i32
    %dma_start3A_19 = tpu.memref_slice %arg2[%dma_start3A_17, %dma_start3A_18] : memref<4096x128xf32, #tpu.memory_space<hbm>> -> memref<4096x128xf32, #tpu.memory_space<hbm>>
    tpu.enqueue_indirect_dma source(%dma_start3A_19 : memref<4096x128xf32, #tpu.memory_space<hbm>>) target(%arg7 : memref<128x128xf32, #tpu.memory_space<vmem>>) offsets(%arg5 : memref<128xi32, #tpu.memory_space<vmem>>) semaphore(%arg8 : memref<!tpu.dma_semaphore, #tpu.memory_space<semaphore_mem>>)
    %dma_wait3A_20 = arith.constant 0 : i32
    %dma_wait3A_21 = arith.constant 0 : i32
    %dma_wait3A_22 = tpu.memref_slice %arg2[%dma_wait3A_20, %dma_wait3A_21] : memref<4096x128xf32, #tpu.memory_space<hbm>> -> memref<4096x128xf32, #tpu.memory_space<hbm>>
    tpu.wait_indirect_dma semaphore(%arg8 : memref<!tpu.dma_semaphore, #tpu.memory_space<semaphore_mem>>) src(%dma_wait3A_22 : memref<4096x128xf32, #tpu.memory_space<hbm>>) dst(%arg7 : memref<128x128xf32, #tpu.memory_space<vmem>>)
    %mul3A_23 = arith.constant 128 : i32
    %mul3A_24 = arith.muli %add3A_16, %mul3A_23 : i32
    %dma_start3A_25 = arith.constant 0 : i32
    %dma_start3A_26 = tpu.memref_slice %arg4[%mul3A_24, %dma_start3A_25] : memref<65536x128xf32, #tpu.memory_space<hbm>> -> memref<128x128xf32, #tpu.memory_space<hbm>>
    %dma_start3A_27 = arith.constant 0 : i32
    %dma_start3A_28 = tpu.memref_slice %arg4[%mul3A_24, %dma_start3A_27] : memref<65536x128xf32, #tpu.memory_space<hbm>> -> memref<128x128xf32, #tpu.memory_space<hbm>>
    tpu.enqueue_dma source(%arg7 : memref<128x128xf32, #tpu.memory_space<vmem>>) target(%dma_start3A_28 : memref<128x128xf32, #tpu.memory_space<hbm>>) target_semaphore(%arg10 : memref<!tpu.dma_semaphore, #tpu.memory_space<semaphore_mem>>)
    %dma_wait3A_29 = arith.constant 0 : i32
    %dma_wait3A_30 = tpu.memref_slice %arg4[%mul3A_10, %dma_wait3A_29] : memref<65536x128xf32, #tpu.memory_space<hbm>> -> memref<128x128xf32, #tpu.memory_space<hbm>>
    %dma_wait3A_31 = arith.constant 0 : i32
    %dma_wait3A_32 = tpu.memref_slice %arg4[%mul3A_10, %dma_wait3A_31] : memref<65536x128xf32, #tpu.memory_space<hbm>> -> memref<128x128xf32, #tpu.memory_space<hbm>>
    tpu.wait_dma2 semaphore(%arg9 : memref<!tpu.dma_semaphore, #tpu.memory_space<semaphore_mem>>) src(%arg6 : memref<128x128xf32, #tpu.memory_space<vmem>>) dst(%dma_wait3A_32 : memref<128x128xf32, #tpu.memory_space<hbm>>)
    %add3A_33 = arith.constant 2 : i32
    %add3A_34 = arith.addi %mul3A_2, %add3A_33 : i32
    "tpu.region"() ({
      %run_scoped3A = tpu.sem_alloc : memref<!tpu.dma_semaphore, #tpu.memory_space<semaphore_mem>>
      %dma_start3A_289 = arith.constant 0 : i32
      %dma_start3A_290 = tpu.memref_slice %arg3[%add3A_34, %dma_start3A_289] : memref<512x128xi32, #tpu.memory_space<hbm>> -> memref<1x128xi32, #tpu.memory_space<hbm>>
      %dma_start3A_291 = tpu.memref_squeeze %dma_start3A_290 : memref<1x128xi32, #tpu.memory_space<hbm>> -> memref<128xi32, #tpu.memory_space<hbm>>
      %dma_start3A_292 = arith.constant 0 : i32
      %dma_start3A_293 = tpu.memref_slice %arg3[%add3A_34, %dma_start3A_292] : memref<512x128xi32, #tpu.memory_space<hbm>> -> memref<1x128xi32, #tpu.memory_space<hbm>>
      %dma_start3A_294 = tpu.memref_squeeze %dma_start3A_293 : memref<1x128xi32, #tpu.memory_space<hbm>> -> memref<128xi32, #tpu.memory_space<hbm>>
      tpu.enqueue_dma source(%dma_start3A_294 : memref<128xi32, #tpu.memory_space<hbm>>) target(%arg5 : memref<128xi32, #tpu.memory_space<vmem>>) target_semaphore(%run_scoped3A : memref<!tpu.dma_semaphore, #tpu.memory_space<semaphore_mem>>)
      %dma_wait3A_295 = arith.constant 0 : i32
      %dma_wait3A_296 = tpu.memref_slice %arg3[%add3A_34, %dma_wait3A_295] : memref<512x128xi32, #tpu.memory_space<hbm>> -> memref<1x128xi32, #tpu.memory_space<hbm>>
      %dma_wait3A_297 = tpu.memref_squeeze %dma_wait3A_296 : memref<1x128xi32, #tpu.memory_space<hbm>> -> memref<128xi32, #tpu.memory_space<hbm>>
      %dma_wait3A_298 = arith.constant 0 : i32
      %dma_wait3A_299 = tpu.memref_slice %arg3[%add3A_34, %dma_wait3A_298] : memref<512x128xi32, #tpu.memory_space<hbm>> -> memref<1x128xi32, #tpu.memory_space<hbm>>
      %dma_wait3A_300 = tpu.memref_squeeze %dma_wait3A_299 : memref<1x128xi32, #tpu.memory_space<hbm>> -> memref<128xi32, #tpu.memory_space<hbm>>
      tpu.wait_dma2 semaphore(%run_scoped3A : memref<!tpu.dma_semaphore, #tpu.memory_space<semaphore_mem>>) src(%dma_wait3A_300 : memref<128xi32, #tpu.memory_space<hbm>>) dst(%arg5 : memref<128xi32, #tpu.memory_space<vmem>>)
      tpu.yield
    }) : () -> ()
    %dma_start3A_35 = arith.constant 0 : i32
    %dma_start3A_36 = arith.constant 0 : i32
    %dma_start3A_37 = tpu.memref_slice %arg2[%dma_start3A_35, %dma_start3A_36] : memref<4096x128xf32, #tpu.memory_space<hbm>> -> memref<4096x128xf32, #tpu.memory_space<hbm>>
    tpu.enqueue_indirect_dma source(%dma_start3A_37 : memref<4096x128xf32, #tpu.memory_space<hbm>>) target(%arg6 : memref<128x128xf32, #tpu.memory_space<vmem>>) offsets(%arg5 : memref<128xi32, #tpu.memory_space<vmem>>) semaphore(%arg8 : memref<!tpu.dma_semaphore, #tpu.memory_space<semaphore_mem>>)
    %dma_wait3A_38 = arith.constant 0 : i32
    %dma_wait3A_39 = arith.constant 0 : i32
    %dma_wait3A_40 = tpu.memref_slice %arg2[%dma_wait3A_38, %dma_wait3A_39] : memref<4096x128xf32, #tpu.memory_space<hbm>> -> memref<4096x128xf32, #tpu.memory_space<hbm>>
    tpu.wait_indirect_dma semaphore(%arg8 : memref<!tpu.dma_semaphore, #tpu.memory_space<semaphore_mem>>) src(%dma_wait3A_40 : memref<4096x128xf32, #tpu.memory_space<hbm>>) dst(%arg6 : memref<128x128xf32, #tpu.memory_space<vmem>>)
    %mul3A_41 = arith.constant 128 : i32
    %mul3A_42 = arith.muli %add3A_34, %mul3A_41 : i32
    %dma_start3A_43 = arith.constant 0 : i32
    %dma_start3A_44 = tpu.memref_slice %arg4[%mul3A_42, %dma_start3A_43] : memref<65536x128xf32, #tpu.memory_space<hbm>> -> memref<128x128xf32, #tpu.memory_space<hbm>>
    %dma_start3A_45 = arith.constant 0 : i32
    %dma_start3A_46 = tpu.memref_slice %arg4[%mul3A_42, %dma_start3A_45] : memref<65536x128xf32, #tpu.memory_space<hbm>> -> memref<128x128xf32, #tpu.memory_space<hbm>>
    tpu.enqueue_dma source(%arg6 : memref<128x128xf32, #tpu.memory_space<vmem>>) target(%dma_start3A_46 : memref<128x128xf32, #tpu.memory_space<hbm>>) target_semaphore(%arg9 : memref<!tpu.dma_semaphore, #tpu.memory_space<semaphore_mem>>)
    %dma_wait3A_47 = arith.constant 0 : i32
    %dma_wait3A_48 = tpu.memref_slice %arg4[%mul3A_24, %dma_wait3A_47] : memref<65536x128xf32, #tpu.memory_space<hbm>> -> memref<128x128xf32, #tpu.memory_space<hbm>>
    %dma_wait3A_49 = arith.constant 0 : i32
    %dma_wait3A_50 = tpu.memref_slice %arg4[%mul3A_24, %dma_wait3A_49] : memref<65536x128xf32, #tpu.memory_space<hbm>> -> memref<128x128xf32, #tpu.memory_space<hbm>>
    tpu.wait_dma2 semaphore(%arg10 : memref<!tpu.dma_semaphore, #tpu.memory_space<semaphore_mem>>) src(%arg7 : memref<128x128xf32, #tpu.memory_space<vmem>>) dst(%dma_wait3A_50 : memref<128x128xf32, #tpu.memory_space<hbm>>)
    %add3A_51 = arith.constant 3 : i32
    %add3A_52 = arith.addi %mul3A_2, %add3A_51 : i32
    "tpu.region"() ({
      %run_scoped3A = tpu.sem_alloc : memref<!tpu.dma_semaphore, #tpu.memory_space<semaphore_mem>>
      %dma_start3A_289 = arith.constant 0 : i32
      %dma_start3A_290 = tpu.memref_slice %arg3[%add3A_52, %dma_start3A_289] : memref<512x128xi32, #tpu.memory_space<hbm>> -> memref<1x128xi32, #tpu.memory_space<hbm>>
      %dma_start3A_291 = tpu.memref_squeeze %dma_start3A_290 : memref<1x128xi32, #tpu.memory_space<hbm>> -> memref<128xi32, #tpu.memory_space<hbm>>
      %dma_start3A_292 = arith.constant 0 : i32
      %dma_start3A_293 = tpu.memref_slice %arg3[%add3A_52, %dma_start3A_292] : memref<512x128xi32, #tpu.memory_space<hbm>> -> memref<1x128xi32, #tpu.memory_space<hbm>>
      %dma_start3A_294 = tpu.memref_squeeze %dma_start3A_293 : memref<1x128xi32, #tpu.memory_space<hbm>> -> memref<128xi32, #tpu.memory_space<hbm>>
      tpu.enqueue_dma source(%dma_start3A_294 : memref<128xi32, #tpu.memory_space<hbm>>) target(%arg5 : memref<128xi32, #tpu.memory_space<vmem>>) target_semaphore(%run_scoped3A : memref<!tpu.dma_semaphore, #tpu.memory_space<semaphore_mem>>)
      %dma_wait3A_295 = arith.constant 0 : i32
      %dma_wait3A_296 = tpu.memref_slice %arg3[%add3A_52, %dma_wait3A_295] : memref<512x128xi32, #tpu.memory_space<hbm>> -> memref<1x128xi32, #tpu.memory_space<hbm>>
      %dma_wait3A_297 = tpu.memref_squeeze %dma_wait3A_296 : memref<1x128xi32, #tpu.memory_space<hbm>> -> memref<128xi32, #tpu.memory_space<hbm>>
      %dma_wait3A_298 = arith.constant 0 : i32
      %dma_wait3A_299 = tpu.memref_slice %arg3[%add3A_52, %dma_wait3A_298] : memref<512x128xi32, #tpu.memory_space<hbm>> -> memref<1x128xi32, #tpu.memory_space<hbm>>
      %dma_wait3A_300 = tpu.memref_squeeze %dma_wait3A_299 : memref<1x128xi32, #tpu.memory_space<hbm>> -> memref<128xi32, #tpu.memory_space<hbm>>
      tpu.wait_dma2 semaphore(%run_scoped3A : memref<!tpu.dma_semaphore, #tpu.memory_space<semaphore_mem>>) src(%dma_wait3A_300 : memref<128xi32, #tpu.memory_space<hbm>>) dst(%arg5 : memref<128xi32, #tpu.memory_space<vmem>>)
      tpu.yield
    }) : () -> ()
    %dma_start3A_53 = arith.constant 0 : i32
    %dma_start3A_54 = arith.constant 0 : i32
    %dma_start3A_55 = tpu.memref_slice %arg2[%dma_start3A_53, %dma_start3A_54] : memref<4096x128xf32, #tpu.memory_space<hbm>> -> memref<4096x128xf32, #tpu.memory_space<hbm>>
    tpu.enqueue_indirect_dma source(%dma_start3A_55 : memref<4096x128xf32, #tpu.memory_space<hbm>>) target(%arg7 : memref<128x128xf32, #tpu.memory_space<vmem>>) offsets(%arg5 : memref<128xi32, #tpu.memory_space<vmem>>) semaphore(%arg8 : memref<!tpu.dma_semaphore, #tpu.memory_space<semaphore_mem>>)
    %dma_wait3A_56 = arith.constant 0 : i32
    %dma_wait3A_57 = arith.constant 0 : i32
    %dma_wait3A_58 = tpu.memref_slice %arg2[%dma_wait3A_56, %dma_wait3A_57] : memref<4096x128xf32, #tpu.memory_space<hbm>> -> memref<4096x128xf32, #tpu.memory_space<hbm>>
    tpu.wait_indirect_dma semaphore(%arg8 : memref<!tpu.dma_semaphore, #tpu.memory_space<semaphore_mem>>) src(%dma_wait3A_58 : memref<4096x128xf32, #tpu.memory_space<hbm>>) dst(%arg7 : memref<128x128xf32, #tpu.memory_space<vmem>>)
    %mul3A_59 = arith.constant 128 : i32
    %mul3A_60 = arith.muli %add3A_52, %mul3A_59 : i32
    %dma_start3A_61 = arith.constant 0 : i32
    %dma_start3A_62 = tpu.memref_slice %arg4[%mul3A_60, %dma_start3A_61] : memref<65536x128xf32, #tpu.memory_space<hbm>> -> memref<128x128xf32, #tpu.memory_space<hbm>>
    %dma_start3A_63 = arith.constant 0 : i32
    %dma_start3A_64 = tpu.memref_slice %arg4[%mul3A_60, %dma_start3A_63] : memref<65536x128xf32, #tpu.memory_space<hbm>> -> memref<128x128xf32, #tpu.memory_space<hbm>>
    tpu.enqueue_dma source(%arg7 : memref<128x128xf32, #tpu.memory_space<vmem>>) target(%dma_start3A_64 : memref<128x128xf32, #tpu.memory_space<hbm>>) target_semaphore(%arg10 : memref<!tpu.dma_semaphore, #tpu.memory_space<semaphore_mem>>)
    %dma_wait3A_65 = arith.constant 0 : i32
    %dma_wait3A_66 = tpu.memref_slice %arg4[%mul3A_42, %dma_wait3A_65] : memref<65536x128xf32, #tpu.memory_space<hbm>> -> memref<128x128xf32, #tpu.memory_space<hbm>>
    %dma_wait3A_67 = arith.constant 0 : i32
    %dma_wait3A_68 = tpu.memref_slice %arg4[%mul3A_42, %dma_wait3A_67] : memref<65536x128xf32, #tpu.memory_space<hbm>> -> memref<128x128xf32, #tpu.memory_space<hbm>>
    tpu.wait_dma2 semaphore(%arg9 : memref<!tpu.dma_semaphore, #tpu.memory_space<semaphore_mem>>) src(%arg6 : memref<128x128xf32, #tpu.memory_space<vmem>>) dst(%dma_wait3A_68 : memref<128x128xf32, #tpu.memory_space<hbm>>)
    %add3A_69 = arith.constant 4 : i32
    %add3A_70 = arith.addi %mul3A_2, %add3A_69 : i32
    "tpu.region"() ({
      %run_scoped3A = tpu.sem_alloc : memref<!tpu.dma_semaphore, #tpu.memory_space<semaphore_mem>>
      %dma_start3A_289 = arith.constant 0 : i32
      %dma_start3A_290 = tpu.memref_slice %arg3[%add3A_70, %dma_start3A_289] : memref<512x128xi32, #tpu.memory_space<hbm>> -> memref<1x128xi32, #tpu.memory_space<hbm>>
      %dma_start3A_291 = tpu.memref_squeeze %dma_start3A_290 : memref<1x128xi32, #tpu.memory_space<hbm>> -> memref<128xi32, #tpu.memory_space<hbm>>
      %dma_start3A_292 = arith.constant 0 : i32
      %dma_start3A_293 = tpu.memref_slice %arg3[%add3A_70, %dma_start3A_292] : memref<512x128xi32, #tpu.memory_space<hbm>> -> memref<1x128xi32, #tpu.memory_space<hbm>>
      %dma_start3A_294 = tpu.memref_squeeze %dma_start3A_293 : memref<1x128xi32, #tpu.memory_space<hbm>> -> memref<128xi32, #tpu.memory_space<hbm>>
      tpu.enqueue_dma source(%dma_start3A_294 : memref<128xi32, #tpu.memory_space<hbm>>) target(%arg5 : memref<128xi32, #tpu.memory_space<vmem>>) target_semaphore(%run_scoped3A : memref<!tpu.dma_semaphore, #tpu.memory_space<semaphore_mem>>)
      %dma_wait3A_295 = arith.constant 0 : i32
      %dma_wait3A_296 = tpu.memref_slice %arg3[%add3A_70, %dma_wait3A_295] : memref<512x128xi32, #tpu.memory_space<hbm>> -> memref<1x128xi32, #tpu.memory_space<hbm>>
      %dma_wait3A_297 = tpu.memref_squeeze %dma_wait3A_296 : memref<1x128xi32, #tpu.memory_space<hbm>> -> memref<128xi32, #tpu.memory_space<hbm>>
      %dma_wait3A_298 = arith.constant 0 : i32
      %dma_wait3A_299 = tpu.memref_slice %arg3[%add3A_70, %dma_wait3A_298] : memref<512x128xi32, #tpu.memory_space<hbm>> -> memref<1x128xi32, #tpu.memory_space<hbm>>
      %dma_wait3A_300 = tpu.memref_squeeze %dma_wait3A_299 : memref<1x128xi32, #tpu.memory_space<hbm>> -> memref<128xi32, #tpu.memory_space<hbm>>
      tpu.wait_dma2 semaphore(%run_scoped3A : memref<!tpu.dma_semaphore, #tpu.memory_space<semaphore_mem>>) src(%dma_wait3A_300 : memref<128xi32, #tpu.memory_space<hbm>>) dst(%arg5 : memref<128xi32, #tpu.memory_space<vmem>>)
      tpu.yield
    }) : () -> ()
    %dma_start3A_71 = arith.constant 0 : i32
    %dma_start3A_72 = arith.constant 0 : i32
    %dma_start3A_73 = tpu.memref_slice %arg2[%dma_start3A_71, %dma_start3A_72] : memref<4096x128xf32, #tpu.memory_space<hbm>> -> memref<4096x128xf32, #tpu.memory_space<hbm>>
    tpu.enqueue_indirect_dma source(%dma_start3A_73 : memref<4096x128xf32, #tpu.memory_space<hbm>>) target(%arg6 : memref<128x128xf32, #tpu.memory_space<vmem>>) offsets(%arg5 : memref<128xi32, #tpu.memory_space<vmem>>) semaphore(%arg8 : memref<!tpu.dma_semaphore, #tpu.memory_space<semaphore_mem>>)
    %dma_wait3A_74 = arith.constant 0 : i32
    %dma_wait3A_75 = arith.constant 0 : i32
    %dma_wait3A_76 = tpu.memref_slice %arg2[%dma_wait3A_74, %dma_wait3A_75] : memref<4096x128xf32, #tpu.memory_space<hbm>> -> memref<4096x128xf32, #tpu.memory_space<hbm>>
    tpu.wait_indirect_dma semaphore(%arg8 : memref<!tpu.dma_semaphore, #tpu.memory_space<semaphore_mem>>) src(%dma_wait3A_76 : memref<4096x128xf32, #tpu.memory_space<hbm>>) dst(%arg6 : memref<128x128xf32, #tpu.memory_space<vmem>>)
    %mul3A_77 = arith.constant 128 : i32
    %mul3A_78 = arith.muli %add3A_70, %mul3A_77 : i32
    %dma_start3A_79 = arith.constant 0 : i32
    %dma_start3A_80 = tpu.memref_slice %arg4[%mul3A_78, %dma_start3A_79] : memref<65536x128xf32, #tpu.memory_space<hbm>> -> memref<128x128xf32, #tpu.memory_space<hbm>>
    %dma_start3A_81 = arith.constant 0 : i32
    %dma_start3A_82 = tpu.memref_slice %arg4[%mul3A_78, %dma_start3A_81] : memref<65536x128xf32, #tpu.memory_space<hbm>> -> memref<128x128xf32, #tpu.memory_space<hbm>>
    tpu.enqueue_dma source(%arg6 : memref<128x128xf32, #tpu.memory_space<vmem>>) target(%dma_start3A_82 : memref<128x128xf32, #tpu.memory_space<hbm>>) target_semaphore(%arg9 : memref<!tpu.dma_semaphore, #tpu.memory_space<semaphore_mem>>)
    %dma_wait3A_83 = arith.constant 0 : i32
    %dma_wait3A_84 = tpu.memref_slice %arg4[%mul3A_60, %dma_wait3A_83] : memref<65536x128xf32, #tpu.memory_space<hbm>> -> memref<128x128xf32, #tpu.memory_space<hbm>>
    %dma_wait3A_85 = arith.constant 0 : i32
    %dma_wait3A_86 = tpu.memref_slice %arg4[%mul3A_60, %dma_wait3A_85] : memref<65536x128xf32, #tpu.memory_space<hbm>> -> memref<128x128xf32, #tpu.memory_space<hbm>>
    tpu.wait_dma2 semaphore(%arg10 : memref<!tpu.dma_semaphore, #tpu.memory_space<semaphore_mem>>) src(%arg7 : memref<128x128xf32, #tpu.memory_space<vmem>>) dst(%dma_wait3A_86 : memref<128x128xf32, #tpu.memory_space<hbm>>)
    %add3A_87 = arith.constant 5 : i32
    %add3A_88 = arith.addi %mul3A_2, %add3A_87 : i32
    "tpu.region"() ({
      %run_scoped3A = tpu.sem_alloc : memref<!tpu.dma_semaphore, #tpu.memory_space<semaphore_mem>>
      %dma_start3A_289 = arith.constant 0 : i32
      %dma_start3A_290 = tpu.memref_slice %arg3[%add3A_88, %dma_start3A_289] : memref<512x128xi32, #tpu.memory_space<hbm>> -> memref<1x128xi32, #tpu.memory_space<hbm>>
      %dma_start3A_291 = tpu.memref_squeeze %dma_start3A_290 : memref<1x128xi32, #tpu.memory_space<hbm>> -> memref<128xi32, #tpu.memory_space<hbm>>
      %dma_start3A_292 = arith.constant 0 : i32
      %dma_start3A_293 = tpu.memref_slice %arg3[%add3A_88, %dma_start3A_292] : memref<512x128xi32, #tpu.memory_space<hbm>> -> memref<1x128xi32, #tpu.memory_space<hbm>>
      %dma_start3A_294 = tpu.memref_squeeze %dma_start3A_293 : memref<1x128xi32, #tpu.memory_space<hbm>> -> memref<128xi32, #tpu.memory_space<hbm>>
      tpu.enqueue_dma source(%dma_start3A_294 : memref<128xi32, #tpu.memory_space<hbm>>) target(%arg5 : memref<128xi32, #tpu.memory_space<vmem>>) target_semaphore(%run_scoped3A : memref<!tpu.dma_semaphore, #tpu.memory_space<semaphore_mem>>)
      %dma_wait3A_295 = arith.constant 0 : i32
      %dma_wait3A_296 = tpu.memref_slice %arg3[%add3A_88, %dma_wait3A_295] : memref<512x128xi32, #tpu.memory_space<hbm>> -> memref<1x128xi32, #tpu.memory_space<hbm>>
      %dma_wait3A_297 = tpu.memref_squeeze %dma_wait3A_296 : memref<1x128xi32, #tpu.memory_space<hbm>> -> memref<128xi32, #tpu.memory_space<hbm>>
      %dma_wait3A_298 = arith.constant 0 : i32
      %dma_wait3A_299 = tpu.memref_slice %arg3[%add3A_88, %dma_wait3A_298] : memref<512x128xi32, #tpu.memory_space<hbm>> -> memref<1x128xi32, #tpu.memory_space<hbm>>
      %dma_wait3A_300 = tpu.memref_squeeze %dma_wait3A_299 : memref<1x128xi32, #tpu.memory_space<hbm>> -> memref<128xi32, #tpu.memory_space<hbm>>
      tpu.wait_dma2 semaphore(%run_scoped3A : memref<!tpu.dma_semaphore, #tpu.memory_space<semaphore_mem>>) src(%dma_wait3A_300 : memref<128xi32, #tpu.memory_space<hbm>>) dst(%arg5 : memref<128xi32, #tpu.memory_space<vmem>>)
      tpu.yield
    }) : () -> ()
    %dma_start3A_89 = arith.constant 0 : i32
    %dma_start3A_90 = arith.constant 0 : i32
    %dma_start3A_91 = tpu.memref_slice %arg2[%dma_start3A_89, %dma_start3A_90] : memref<4096x128xf32, #tpu.memory_space<hbm>> -> memref<4096x128xf32, #tpu.memory_space<hbm>>
    tpu.enqueue_indirect_dma source(%dma_start3A_91 : memref<4096x128xf32, #tpu.memory_space<hbm>>) target(%arg7 : memref<128x128xf32, #tpu.memory_space<vmem>>) offsets(%arg5 : memref<128xi32, #tpu.memory_space<vmem>>) semaphore(%arg8 : memref<!tpu.dma_semaphore, #tpu.memory_space<semaphore_mem>>)
    %dma_wait3A_92 = arith.constant 0 : i32
    %dma_wait3A_93 = arith.constant 0 : i32
    %dma_wait3A_94 = tpu.memref_slice %arg2[%dma_wait3A_92, %dma_wait3A_93] : memref<4096x128xf32, #tpu.memory_space<hbm>> -> memref<4096x128xf32, #tpu.memory_space<hbm>>
    tpu.wait_indirect_dma semaphore(%arg8 : memref<!tpu.dma_semaphore, #tpu.memory_space<semaphore_mem>>) src(%dma_wait3A_94 : memref<4096x128xf32, #tpu.memory_space<hbm>>) dst(%arg7 : memref<128x128xf32, #tpu.memory_space<vmem>>)
    %mul3A_95 = arith.constant 128 : i32
    %mul3A_96 = arith.muli %add3A_88, %mul3A_95 : i32
    %dma_start3A_97 = arith.constant 0 : i32
    %dma_start3A_98 = tpu.memref_slice %arg4[%mul3A_96, %dma_start3A_97] : memref<65536x128xf32, #tpu.memory_space<hbm>> -> memref<128x128xf32, #tpu.memory_space<hbm>>
    %dma_start3A_99 = arith.constant 0 : i32
    %dma_start3A_100 = tpu.memref_slice %arg4[%mul3A_96, %dma_start3A_99] : memref<65536x128xf32, #tpu.memory_space<hbm>> -> memref<128x128xf32, #tpu.memory_space<hbm>>
    tpu.enqueue_dma source(%arg7 : memref<128x128xf32, #tpu.memory_space<vmem>>) target(%dma_start3A_100 : memref<128x128xf32, #tpu.memory_space<hbm>>) target_semaphore(%arg10 : memref<!tpu.dma_semaphore, #tpu.memory_space<semaphore_mem>>)
    %dma_wait3A_101 = arith.constant 0 : i32
    %dma_wait3A_102 = tpu.memref_slice %arg4[%mul3A_78, %dma_wait3A_101] : memref<65536x128xf32, #tpu.memory_space<hbm>> -> memref<128x128xf32, #tpu.memory_space<hbm>>
    %dma_wait3A_103 = arith.constant 0 : i32
    %dma_wait3A_104 = tpu.memref_slice %arg4[%mul3A_78, %dma_wait3A_103] : memref<65536x128xf32, #tpu.memory_space<hbm>> -> memref<128x128xf32, #tpu.memory_space<hbm>>
    tpu.wait_dma2 semaphore(%arg9 : memref<!tpu.dma_semaphore, #tpu.memory_space<semaphore_mem>>) src(%arg6 : memref<128x128xf32, #tpu.memory_space<vmem>>) dst(%dma_wait3A_104 : memref<128x128xf32, #tpu.memory_space<hbm>>)
    %add3A_105 = arith.constant 6 : i32
    %add3A_106 = arith.addi %mul3A_2, %add3A_105 : i32
    "tpu.region"() ({
      %run_scoped3A = tpu.sem_alloc : memref<!tpu.dma_semaphore, #tpu.memory_space<semaphore_mem>>
      %dma_start3A_289 = arith.constant 0 : i32
      %dma_start3A_290 = tpu.memref_slice %arg3[%add3A_106, %dma_start3A_289] : memref<512x128xi32, #tpu.memory_space<hbm>> -> memref<1x128xi32, #tpu.memory_space<hbm>>
      %dma_start3A_291 = tpu.memref_squeeze %dma_start3A_290 : memref<1x128xi32, #tpu.memory_space<hbm>> -> memref<128xi32, #tpu.memory_space<hbm>>
      %dma_start3A_292 = arith.constant 0 : i32
      %dma_start3A_293 = tpu.memref_slice %arg3[%add3A_106, %dma_start3A_292] : memref<512x128xi32, #tpu.memory_space<hbm>> -> memref<1x128xi32, #tpu.memory_space<hbm>>
      %dma_start3A_294 = tpu.memref_squeeze %dma_start3A_293 : memref<1x128xi32, #tpu.memory_space<hbm>> -> memref<128xi32, #tpu.memory_space<hbm>>
      tpu.enqueue_dma source(%dma_start3A_294 : memref<128xi32, #tpu.memory_space<hbm>>) target(%arg5 : memref<128xi32, #tpu.memory_space<vmem>>) target_semaphore(%run_scoped3A : memref<!tpu.dma_semaphore, #tpu.memory_space<semaphore_mem>>)
      %dma_wait3A_295 = arith.constant 0 : i32
      %dma_wait3A_296 = tpu.memref_slice %arg3[%add3A_106, %dma_wait3A_295] : memref<512x128xi32, #tpu.memory_space<hbm>> -> memref<1x128xi32, #tpu.memory_space<hbm>>
      %dma_wait3A_297 = tpu.memref_squeeze %dma_wait3A_296 : memref<1x128xi32, #tpu.memory_space<hbm>> -> memref<128xi32, #tpu.memory_space<hbm>>
      %dma_wait3A_298 = arith.constant 0 : i32
      %dma_wait3A_299 = tpu.memref_slice %arg3[%add3A_106, %dma_wait3A_298] : memref<512x128xi32, #tpu.memory_space<hbm>> -> memref<1x128xi32, #tpu.memory_space<hbm>>
      %dma_wait3A_300 = tpu.memref_squeeze %dma_wait3A_299 : memref<1x128xi32, #tpu.memory_space<hbm>> -> memref<128xi32, #tpu.memory_space<hbm>>
      tpu.wait_dma2 semaphore(%run_scoped3A : memref<!tpu.dma_semaphore, #tpu.memory_space<semaphore_mem>>) src(%dma_wait3A_300 : memref<128xi32, #tpu.memory_space<hbm>>) dst(%arg5 : memref<128xi32, #tpu.memory_space<vmem>>)
      tpu.yield
    }) : () -> ()
    %dma_start3A_107 = arith.constant 0 : i32
    %dma_start3A_108 = arith.constant 0 : i32
    %dma_start3A_109 = tpu.memref_slice %arg2[%dma_start3A_107, %dma_start3A_108] : memref<4096x128xf32, #tpu.memory_space<hbm>> -> memref<4096x128xf32, #tpu.memory_space<hbm>>
    tpu.enqueue_indirect_dma source(%dma_start3A_109 : memref<4096x128xf32, #tpu.memory_space<hbm>>) target(%arg6 : memref<128x128xf32, #tpu.memory_space<vmem>>) offsets(%arg5 : memref<128xi32, #tpu.memory_space<vmem>>) semaphore(%arg8 : memref<!tpu.dma_semaphore, #tpu.memory_space<semaphore_mem>>)
    %dma_wait3A_110 = arith.constant 0 : i32
    %dma_wait3A_111 = arith.constant 0 : i32
    %dma_wait3A_112 = tpu.memref_slice %arg2[%dma_wait3A_110, %dma_wait3A_111] : memref<4096x128xf32, #tpu.memory_space<hbm>> -> memref<4096x128xf32, #tpu.memory_space<hbm>>
    tpu.wait_indirect_dma semaphore(%arg8 : memref<!tpu.dma_semaphore, #tpu.memory_space<semaphore_mem>>) src(%dma_wait3A_112 : memref<4096x128xf32, #tpu.memory_space<hbm>>) dst(%arg6 : memref<128x128xf32, #tpu.memory_space<vmem>>)
    %mul3A_113 = arith.constant 128 : i32
    %mul3A_114 = arith.muli %add3A_106, %mul3A_113 : i32
    %dma_start3A_115 = arith.constant 0 : i32
    %dma_start3A_116 = tpu.memref_slice %arg4[%mul3A_114, %dma_start3A_115] : memref<65536x128xf32, #tpu.memory_space<hbm>> -> memref<128x128xf32, #tpu.memory_space<hbm>>
    %dma_start3A_117 = arith.constant 0 : i32
    %dma_start3A_118 = tpu.memref_slice %arg4[%mul3A_114, %dma_start3A_117] : memref<65536x128xf32, #tpu.memory_space<hbm>> -> memref<128x128xf32, #tpu.memory_space<hbm>>
    tpu.enqueue_dma source(%arg6 : memref<128x128xf32, #tpu.memory_space<vmem>>) target(%dma_start3A_118 : memref<128x128xf32, #tpu.memory_space<hbm>>) target_semaphore(%arg9 : memref<!tpu.dma_semaphore, #tpu.memory_space<semaphore_mem>>)
    %dma_wait3A_119 = arith.constant 0 : i32
    %dma_wait3A_120 = tpu.memref_slice %arg4[%mul3A_96, %dma_wait3A_119] : memref<65536x128xf32, #tpu.memory_space<hbm>> -> memref<128x128xf32, #tpu.memory_space<hbm>>
    %dma_wait3A_121 = arith.constant 0 : i32
    %dma_wait3A_122 = tpu.memref_slice %arg4[%mul3A_96, %dma_wait3A_121] : memref<65536x128xf32, #tpu.memory_space<hbm>> -> memref<128x128xf32, #tpu.memory_space<hbm>>
    tpu.wait_dma2 semaphore(%arg10 : memref<!tpu.dma_semaphore, #tpu.memory_space<semaphore_mem>>) src(%arg7 : memref<128x128xf32, #tpu.memory_space<vmem>>) dst(%dma_wait3A_122 : memref<128x128xf32, #tpu.memory_space<hbm>>)
    %add3A_123 = arith.constant 7 : i32
    %add3A_124 = arith.addi %mul3A_2, %add3A_123 : i32
    "tpu.region"() ({
      %run_scoped3A = tpu.sem_alloc : memref<!tpu.dma_semaphore, #tpu.memory_space<semaphore_mem>>
      %dma_start3A_289 = arith.constant 0 : i32
      %dma_start3A_290 = tpu.memref_slice %arg3[%add3A_124, %dma_start3A_289] : memref<512x128xi32, #tpu.memory_space<hbm>> -> memref<1x128xi32, #tpu.memory_space<hbm>>
      %dma_start3A_291 = tpu.memref_squeeze %dma_start3A_290 : memref<1x128xi32, #tpu.memory_space<hbm>> -> memref<128xi32, #tpu.memory_space<hbm>>
      %dma_start3A_292 = arith.constant 0 : i32
      %dma_start3A_293 = tpu.memref_slice %arg3[%add3A_124, %dma_start3A_292] : memref<512x128xi32, #tpu.memory_space<hbm>> -> memref<1x128xi32, #tpu.memory_space<hbm>>
      %dma_start3A_294 = tpu.memref_squeeze %dma_start3A_293 : memref<1x128xi32, #tpu.memory_space<hbm>> -> memref<128xi32, #tpu.memory_space<hbm>>
      tpu.enqueue_dma source(%dma_start3A_294 : memref<128xi32, #tpu.memory_space<hbm>>) target(%arg5 : memref<128xi32, #tpu.memory_space<vmem>>) target_semaphore(%run_scoped3A : memref<!tpu.dma_semaphore, #tpu.memory_space<semaphore_mem>>)
      %dma_wait3A_295 = arith.constant 0 : i32
      %dma_wait3A_296 = tpu.memref_slice %arg3[%add3A_124, %dma_wait3A_295] : memref<512x128xi32, #tpu.memory_space<hbm>> -> memref<1x128xi32, #tpu.memory_space<hbm>>
      %dma_wait3A_297 = tpu.memref_squeeze %dma_wait3A_296 : memref<1x128xi32, #tpu.memory_space<hbm>> -> memref<128xi32, #tpu.memory_space<hbm>>
      %dma_wait3A_298 = arith.constant 0 : i32
      %dma_wait3A_299 = tpu.memref_slice %arg3[%add3A_124, %dma_wait3A_298] : memref<512x128xi32, #tpu.memory_space<hbm>> -> memref<1x128xi32, #tpu.memory_space<hbm>>
      %dma_wait3A_300 = tpu.memref_squeeze %dma_wait3A_299 : memref<1x128xi32, #tpu.memory_space<hbm>> -> memref<128xi32, #tpu.memory_space<hbm>>
      tpu.wait_dma2 semaphore(%run_scoped3A : memref<!tpu.dma_semaphore, #tpu.memory_space<semaphore_mem>>) src(%dma_wait3A_300 : memref<128xi32, #tpu.memory_space<hbm>>) dst(%arg5 : memref<128xi32, #tpu.memory_space<vmem>>)
      tpu.yield
    }) : () -> ()
    %dma_start3A_125 = arith.constant 0 : i32
    %dma_start3A_126 = arith.constant 0 : i32
    %dma_start3A_127 = tpu.memref_slice %arg2[%dma_start3A_125, %dma_start3A_126] : memref<4096x128xf32, #tpu.memory_space<hbm>> -> memref<4096x128xf32, #tpu.memory_space<hbm>>
    tpu.enqueue_indirect_dma source(%dma_start3A_127 : memref<4096x128xf32, #tpu.memory_space<hbm>>) target(%arg7 : memref<128x128xf32, #tpu.memory_space<vmem>>) offsets(%arg5 : memref<128xi32, #tpu.memory_space<vmem>>) semaphore(%arg8 : memref<!tpu.dma_semaphore, #tpu.memory_space<semaphore_mem>>)
    %dma_wait3A_128 = arith.constant 0 : i32
    %dma_wait3A_129 = arith.constant 0 : i32
    %dma_wait3A_130 = tpu.memref_slice %arg2[%dma_wait3A_128, %dma_wait3A_129] : memref<4096x128xf32, #tpu.memory_space<hbm>> -> memref<4096x128xf32, #tpu.memory_space<hbm>>
    tpu.wait_indirect_dma semaphore(%arg8 : memref<!tpu.dma_semaphore, #tpu.memory_space<semaphore_mem>>) src(%dma_wait3A_130 : memref<4096x128xf32, #tpu.memory_space<hbm>>) dst(%arg7 : memref<128x128xf32, #tpu.memory_space<vmem>>)
    %mul3A_131 = arith.constant 128 : i32
    %mul3A_132 = arith.muli %add3A_124, %mul3A_131 : i32
    %dma_start3A_133 = arith.constant 0 : i32
    %dma_start3A_134 = tpu.memref_slice %arg4[%mul3A_132, %dma_start3A_133] : memref<65536x128xf32, #tpu.memory_space<hbm>> -> memref<128x128xf32, #tpu.memory_space<hbm>>
    %dma_start3A_135 = arith.constant 0 : i32
    %dma_start3A_136 = tpu.memref_slice %arg4[%mul3A_132, %dma_start3A_135] : memref<65536x128xf32, #tpu.memory_space<hbm>> -> memref<128x128xf32, #tpu.memory_space<hbm>>
    tpu.enqueue_dma source(%arg7 : memref<128x128xf32, #tpu.memory_space<vmem>>) target(%dma_start3A_136 : memref<128x128xf32, #tpu.memory_space<hbm>>) target_semaphore(%arg10 : memref<!tpu.dma_semaphore, #tpu.memory_space<semaphore_mem>>)
    %dma_wait3A_137 = arith.constant 0 : i32
    %dma_wait3A_138 = tpu.memref_slice %arg4[%mul3A_114, %dma_wait3A_137] : memref<65536x128xf32, #tpu.memory_space<hbm>> -> memref<128x128xf32, #tpu.memory_space<hbm>>
    %dma_wait3A_139 = arith.constant 0 : i32
    %dma_wait3A_140 = tpu.memref_slice %arg4[%mul3A_114, %dma_wait3A_139] : memref<65536x128xf32, #tpu.memory_space<hbm>> -> memref<128x128xf32, #tpu.memory_space<hbm>>
    tpu.wait_dma2 semaphore(%arg9 : memref<!tpu.dma_semaphore, #tpu.memory_space<semaphore_mem>>) src(%arg6 : memref<128x128xf32, #tpu.memory_space<vmem>>) dst(%dma_wait3A_140 : memref<128x128xf32, #tpu.memory_space<hbm>>)
    %add3A_141 = arith.constant 8 : i32
    %add3A_142 = arith.addi %mul3A_2, %add3A_141 : i32
    "tpu.region"() ({
      %run_scoped3A = tpu.sem_alloc : memref<!tpu.dma_semaphore, #tpu.memory_space<semaphore_mem>>
      %dma_start3A_289 = arith.constant 0 : i32
      %dma_start3A_290 = tpu.memref_slice %arg3[%add3A_142, %dma_start3A_289] : memref<512x128xi32, #tpu.memory_space<hbm>> -> memref<1x128xi32, #tpu.memory_space<hbm>>
      %dma_start3A_291 = tpu.memref_squeeze %dma_start3A_290 : memref<1x128xi32, #tpu.memory_space<hbm>> -> memref<128xi32, #tpu.memory_space<hbm>>
      %dma_start3A_292 = arith.constant 0 : i32
      %dma_start3A_293 = tpu.memref_slice %arg3[%add3A_142, %dma_start3A_292] : memref<512x128xi32, #tpu.memory_space<hbm>> -> memref<1x128xi32, #tpu.memory_space<hbm>>
      %dma_start3A_294 = tpu.memref_squeeze %dma_start3A_293 : memref<1x128xi32, #tpu.memory_space<hbm>> -> memref<128xi32, #tpu.memory_space<hbm>>
      tpu.enqueue_dma source(%dma_start3A_294 : memref<128xi32, #tpu.memory_space<hbm>>) target(%arg5 : memref<128xi32, #tpu.memory_space<vmem>>) target_semaphore(%run_scoped3A : memref<!tpu.dma_semaphore, #tpu.memory_space<semaphore_mem>>)
      %dma_wait3A_295 = arith.constant 0 : i32
      %dma_wait3A_296 = tpu.memref_slice %arg3[%add3A_142, %dma_wait3A_295] : memref<512x128xi32, #tpu.memory_space<hbm>> -> memref<1x128xi32, #tpu.memory_space<hbm>>
      %dma_wait3A_297 = tpu.memref_squeeze %dma_wait3A_296 : memref<1x128xi32, #tpu.memory_space<hbm>> -> memref<128xi32, #tpu.memory_space<hbm>>
      %dma_wait3A_298 = arith.constant 0 : i32
      %dma_wait3A_299 = tpu.memref_slice %arg3[%add3A_142, %dma_wait3A_298] : memref<512x128xi32, #tpu.memory_space<hbm>> -> memref<1x128xi32, #tpu.memory_space<hbm>>
      %dma_wait3A_300 = tpu.memref_squeeze %dma_wait3A_299 : memref<1x128xi32, #tpu.memory_space<hbm>> -> memref<128xi32, #tpu.memory_space<hbm>>
      tpu.wait_dma2 semaphore(%run_scoped3A : memref<!tpu.dma_semaphore, #tpu.memory_space<semaphore_mem>>) src(%dma_wait3A_300 : memref<128xi32, #tpu.memory_space<hbm>>) dst(%arg5 : memref<128xi32, #tpu.memory_space<vmem>>)
      tpu.yield
    }) : () -> ()
    %dma_start3A_143 = arith.constant 0 : i32
    %dma_start3A_144 = arith.constant 0 : i32
    %dma_start3A_145 = tpu.memref_slice %arg2[%dma_start3A_143, %dma_start3A_144] : memref<4096x128xf32, #tpu.memory_space<hbm>> -> memref<4096x128xf32, #tpu.memory_space<hbm>>
    tpu.enqueue_indirect_dma source(%dma_start3A_145 : memref<4096x128xf32, #tpu.memory_space<hbm>>) target(%arg6 : memref<128x128xf32, #tpu.memory_space<vmem>>) offsets(%arg5 : memref<128xi32, #tpu.memory_space<vmem>>) semaphore(%arg8 : memref<!tpu.dma_semaphore, #tpu.memory_space<semaphore_mem>>)
    %dma_wait3A_146 = arith.constant 0 : i32
    %dma_wait3A_147 = arith.constant 0 : i32
    %dma_wait3A_148 = tpu.memref_slice %arg2[%dma_wait3A_146, %dma_wait3A_147] : memref<4096x128xf32, #tpu.memory_space<hbm>> -> memref<4096x128xf32, #tpu.memory_space<hbm>>
    tpu.wait_indirect_dma semaphore(%arg8 : memref<!tpu.dma_semaphore, #tpu.memory_space<semaphore_mem>>) src(%dma_wait3A_148 : memref<4096x128xf32, #tpu.memory_space<hbm>>) dst(%arg6 : memref<128x128xf32, #tpu.memory_space<vmem>>)
    %mul3A_149 = arith.constant 128 : i32
    %mul3A_150 = arith.muli %add3A_142, %mul3A_149 : i32
    %dma_start3A_151 = arith.constant 0 : i32
    %dma_start3A_152 = tpu.memref_slice %arg4[%mul3A_150, %dma_start3A_151] : memref<65536x128xf32, #tpu.memory_space<hbm>> -> memref<128x128xf32, #tpu.memory_space<hbm>>
    %dma_start3A_153 = arith.constant 0 : i32
    %dma_start3A_154 = tpu.memref_slice %arg4[%mul3A_150, %dma_start3A_153] : memref<65536x128xf32, #tpu.memory_space<hbm>> -> memref<128x128xf32, #tpu.memory_space<hbm>>
    tpu.enqueue_dma source(%arg6 : memref<128x128xf32, #tpu.memory_space<vmem>>) target(%dma_start3A_154 : memref<128x128xf32, #tpu.memory_space<hbm>>) target_semaphore(%arg9 : memref<!tpu.dma_semaphore, #tpu.memory_space<semaphore_mem>>)
    %dma_wait3A_155 = arith.constant 0 : i32
    %dma_wait3A_156 = tpu.memref_slice %arg4[%mul3A_132, %dma_wait3A_155] : memref<65536x128xf32, #tpu.memory_space<hbm>> -> memref<128x128xf32, #tpu.memory_space<hbm>>
    %dma_wait3A_157 = arith.constant 0 : i32
    %dma_wait3A_158 = tpu.memref_slice %arg4[%mul3A_132, %dma_wait3A_157] : memref<65536x128xf32, #tpu.memory_space<hbm>> -> memref<128x128xf32, #tpu.memory_space<hbm>>
    tpu.wait_dma2 semaphore(%arg10 : memref<!tpu.dma_semaphore, #tpu.memory_space<semaphore_mem>>) src(%arg7 : memref<128x128xf32, #tpu.memory_space<vmem>>) dst(%dma_wait3A_158 : memref<128x128xf32, #tpu.memory_space<hbm>>)
    %add3A_159 = arith.constant 9 : i32
    %add3A_160 = arith.addi %mul3A_2, %add3A_159 : i32
    "tpu.region"() ({
      %run_scoped3A = tpu.sem_alloc : memref<!tpu.dma_semaphore, #tpu.memory_space<semaphore_mem>>
      %dma_start3A_289 = arith.constant 0 : i32
      %dma_start3A_290 = tpu.memref_slice %arg3[%add3A_160, %dma_start3A_289] : memref<512x128xi32, #tpu.memory_space<hbm>> -> memref<1x128xi32, #tpu.memory_space<hbm>>
      %dma_start3A_291 = tpu.memref_squeeze %dma_start3A_290 : memref<1x128xi32, #tpu.memory_space<hbm>> -> memref<128xi32, #tpu.memory_space<hbm>>
      %dma_start3A_292 = arith.constant 0 : i32
      %dma_start3A_293 = tpu.memref_slice %arg3[%add3A_160, %dma_start3A_292] : memref<512x128xi32, #tpu.memory_space<hbm>> -> memref<1x128xi32, #tpu.memory_space<hbm>>
      %dma_start3A_294 = tpu.memref_squeeze %dma_start3A_293 : memref<1x128xi32, #tpu.memory_space<hbm>> -> memref<128xi32, #tpu.memory_space<hbm>>
      tpu.enqueue_dma source(%dma_start3A_294 : memref<128xi32, #tpu.memory_space<hbm>>) target(%arg5 : memref<128xi32, #tpu.memory_space<vmem>>) target_semaphore(%run_scoped3A : memref<!tpu.dma_semaphore, #tpu.memory_space<semaphore_mem>>)
      %dma_wait3A_295 = arith.constant 0 : i32
      %dma_wait3A_296 = tpu.memref_slice %arg3[%add3A_160, %dma_wait3A_295] : memref<512x128xi32, #tpu.memory_space<hbm>> -> memref<1x128xi32, #tpu.memory_space<hbm>>
      %dma_wait3A_297 = tpu.memref_squeeze %dma_wait3A_296 : memref<1x128xi32, #tpu.memory_space<hbm>> -> memref<128xi32, #tpu.memory_space<hbm>>
      %dma_wait3A_298 = arith.constant 0 : i32
      %dma_wait3A_299 = tpu.memref_slice %arg3[%add3A_160, %dma_wait3A_298] : memref<512x128xi32, #tpu.memory_space<hbm>> -> memref<1x128xi32, #tpu.memory_space<hbm>>
      %dma_wait3A_300 = tpu.memref_squeeze %dma_wait3A_299 : memref<1x128xi32, #tpu.memory_space<hbm>> -> memref<128xi32, #tpu.memory_space<hbm>>
      tpu.wait_dma2 semaphore(%run_scoped3A : memref<!tpu.dma_semaphore, #tpu.memory_space<semaphore_mem>>) src(%dma_wait3A_300 : memref<128xi32, #tpu.memory_space<hbm>>) dst(%arg5 : memref<128xi32, #tpu.memory_space<vmem>>)
      tpu.yield
    }) : () -> ()
    %dma_start3A_161 = arith.constant 0 : i32
    %dma_start3A_162 = arith.constant 0 : i32
    %dma_start3A_163 = tpu.memref_slice %arg2[%dma_start3A_161, %dma_start3A_162] : memref<4096x128xf32, #tpu.memory_space<hbm>> -> memref<4096x128xf32, #tpu.memory_space<hbm>>
    tpu.enqueue_indirect_dma source(%dma_start3A_163 : memref<4096x128xf32, #tpu.memory_space<hbm>>) target(%arg7 : memref<128x128xf32, #tpu.memory_space<vmem>>) offsets(%arg5 : memref<128xi32, #tpu.memory_space<vmem>>) semaphore(%arg8 : memref<!tpu.dma_semaphore, #tpu.memory_space<semaphore_mem>>)
    %dma_wait3A_164 = arith.constant 0 : i32
    %dma_wait3A_165 = arith.constant 0 : i32
    %dma_wait3A_166 = tpu.memref_slice %arg2[%dma_wait3A_164, %dma_wait3A_165] : memref<4096x128xf32, #tpu.memory_space<hbm>> -> memref<4096x128xf32, #tpu.memory_space<hbm>>
    tpu.wait_indirect_dma semaphore(%arg8 : memref<!tpu.dma_semaphore, #tpu.memory_space<semaphore_mem>>) src(%dma_wait3A_166 : memref<4096x128xf32, #tpu.memory_space<hbm>>) dst(%arg7 : memref<128x128xf32, #tpu.memory_space<vmem>>)
    %mul3A_167 = arith.constant 128 : i32
    %mul3A_168 = arith.muli %add3A_160, %mul3A_167 : i32
    %dma_start3A_169 = arith.constant 0 : i32
    %dma_start3A_170 = tpu.memref_slice %arg4[%mul3A_168, %dma_start3A_169] : memref<65536x128xf32, #tpu.memory_space<hbm>> -> memref<128x128xf32, #tpu.memory_space<hbm>>
    %dma_start3A_171 = arith.constant 0 : i32
    %dma_start3A_172 = tpu.memref_slice %arg4[%mul3A_168, %dma_start3A_171] : memref<65536x128xf32, #tpu.memory_space<hbm>> -> memref<128x128xf32, #tpu.memory_space<hbm>>
    tpu.enqueue_dma source(%arg7 : memref<128x128xf32, #tpu.memory_space<vmem>>) target(%dma_start3A_172 : memref<128x128xf32, #tpu.memory_space<hbm>>) target_semaphore(%arg10 : memref<!tpu.dma_semaphore, #tpu.memory_space<semaphore_mem>>)
    %dma_wait3A_173 = arith.constant 0 : i32
    %dma_wait3A_174 = tpu.memref_slice %arg4[%mul3A_150, %dma_wait3A_173] : memref<65536x128xf32, #tpu.memory_space<hbm>> -> memref<128x128xf32, #tpu.memory_space<hbm>>
    %dma_wait3A_175 = arith.constant 0 : i32
    %dma_wait3A_176 = tpu.memref_slice %arg4[%mul3A_150, %dma_wait3A_175] : memref<65536x128xf32, #tpu.memory_space<hbm>> -> memref<128x128xf32, #tpu.memory_space<hbm>>
    tpu.wait_dma2 semaphore(%arg9 : memref<!tpu.dma_semaphore, #tpu.memory_space<semaphore_mem>>) src(%arg6 : memref<128x128xf32, #tpu.memory_space<vmem>>) dst(%dma_wait3A_176 : memref<128x128xf32, #tpu.memory_space<hbm>>)
    %add3A_177 = arith.constant 10 : i32
    %add3A_178 = arith.addi %mul3A_2, %add3A_177 : i32
    "tpu.region"() ({
      %run_scoped3A = tpu.sem_alloc : memref<!tpu.dma_semaphore, #tpu.memory_space<semaphore_mem>>
      %dma_start3A_289 = arith.constant 0 : i32
      %dma_start3A_290 = tpu.memref_slice %arg3[%add3A_178, %dma_start3A_289] : memref<512x128xi32, #tpu.memory_space<hbm>> -> memref<1x128xi32, #tpu.memory_space<hbm>>
      %dma_start3A_291 = tpu.memref_squeeze %dma_start3A_290 : memref<1x128xi32, #tpu.memory_space<hbm>> -> memref<128xi32, #tpu.memory_space<hbm>>
      %dma_start3A_292 = arith.constant 0 : i32
      %dma_start3A_293 = tpu.memref_slice %arg3[%add3A_178, %dma_start3A_292] : memref<512x128xi32, #tpu.memory_space<hbm>> -> memref<1x128xi32, #tpu.memory_space<hbm>>
      %dma_start3A_294 = tpu.memref_squeeze %dma_start3A_293 : memref<1x128xi32, #tpu.memory_space<hbm>> -> memref<128xi32, #tpu.memory_space<hbm>>
      tpu.enqueue_dma source(%dma_start3A_294 : memref<128xi32, #tpu.memory_space<hbm>>) target(%arg5 : memref<128xi32, #tpu.memory_space<vmem>>) target_semaphore(%run_scoped3A : memref<!tpu.dma_semaphore, #tpu.memory_space<semaphore_mem>>)
      %dma_wait3A_295 = arith.constant 0 : i32
      %dma_wait3A_296 = tpu.memref_slice %arg3[%add3A_178, %dma_wait3A_295] : memref<512x128xi32, #tpu.memory_space<hbm>> -> memref<1x128xi32, #tpu.memory_space<hbm>>
      %dma_wait3A_297 = tpu.memref_squeeze %dma_wait3A_296 : memref<1x128xi32, #tpu.memory_space<hbm>> -> memref<128xi32, #tpu.memory_space<hbm>>
      %dma_wait3A_298 = arith.constant 0 : i32
      %dma_wait3A_299 = tpu.memref_slice %arg3[%add3A_178, %dma_wait3A_298] : memref<512x128xi32, #tpu.memory_space<hbm>> -> memref<1x128xi32, #tpu.memory_space<hbm>>
      %dma_wait3A_300 = tpu.memref_squeeze %dma_wait3A_299 : memref<1x128xi32, #tpu.memory_space<hbm>> -> memref<128xi32, #tpu.memory_space<hbm>>
      tpu.wait_dma2 semaphore(%run_scoped3A : memref<!tpu.dma_semaphore, #tpu.memory_space<semaphore_mem>>) src(%dma_wait3A_300 : memref<128xi32, #tpu.memory_space<hbm>>) dst(%arg5 : memref<128xi32, #tpu.memory_space<vmem>>)
      tpu.yield
    }) : () -> ()
    %dma_start3A_179 = arith.constant 0 : i32
    %dma_start3A_180 = arith.constant 0 : i32
    %dma_start3A_181 = tpu.memref_slice %arg2[%dma_start3A_179, %dma_start3A_180] : memref<4096x128xf32, #tpu.memory_space<hbm>> -> memref<4096x128xf32, #tpu.memory_space<hbm>>
    tpu.enqueue_indirect_dma source(%dma_start3A_181 : memref<4096x128xf32, #tpu.memory_space<hbm>>) target(%arg6 : memref<128x128xf32, #tpu.memory_space<vmem>>) offsets(%arg5 : memref<128xi32, #tpu.memory_space<vmem>>) semaphore(%arg8 : memref<!tpu.dma_semaphore, #tpu.memory_space<semaphore_mem>>)
    %dma_wait3A_182 = arith.constant 0 : i32
    %dma_wait3A_183 = arith.constant 0 : i32
    %dma_wait3A_184 = tpu.memref_slice %arg2[%dma_wait3A_182, %dma_wait3A_183] : memref<4096x128xf32, #tpu.memory_space<hbm>> -> memref<4096x128xf32, #tpu.memory_space<hbm>>
    tpu.wait_indirect_dma semaphore(%arg8 : memref<!tpu.dma_semaphore, #tpu.memory_space<semaphore_mem>>) src(%dma_wait3A_184 : memref<4096x128xf32, #tpu.memory_space<hbm>>) dst(%arg6 : memref<128x128xf32, #tpu.memory_space<vmem>>)
    %mul3A_185 = arith.constant 128 : i32
    %mul3A_186 = arith.muli %add3A_178, %mul3A_185 : i32
    %dma_start3A_187 = arith.constant 0 : i32
    %dma_start3A_188 = tpu.memref_slice %arg4[%mul3A_186, %dma_start3A_187] : memref<65536x128xf32, #tpu.memory_space<hbm>> -> memref<128x128xf32, #tpu.memory_space<hbm>>
    %dma_start3A_189 = arith.constant 0 : i32
    %dma_start3A_190 = tpu.memref_slice %arg4[%mul3A_186, %dma_start3A_189] : memref<65536x128xf32, #tpu.memory_space<hbm>> -> memref<128x128xf32, #tpu.memory_space<hbm>>
    tpu.enqueue_dma source(%arg6 : memref<128x128xf32, #tpu.memory_space<vmem>>) target(%dma_start3A_190 : memref<128x128xf32, #tpu.memory_space<hbm>>) target_semaphore(%arg9 : memref<!tpu.dma_semaphore, #tpu.memory_space<semaphore_mem>>)
    %dma_wait3A_191 = arith.constant 0 : i32
    %dma_wait3A_192 = tpu.memref_slice %arg4[%mul3A_168, %dma_wait3A_191] : memref<65536x128xf32, #tpu.memory_space<hbm>> -> memref<128x128xf32, #tpu.memory_space<hbm>>
    %dma_wait3A_193 = arith.constant 0 : i32
    %dma_wait3A_194 = tpu.memref_slice %arg4[%mul3A_168, %dma_wait3A_193] : memref<65536x128xf32, #tpu.memory_space<hbm>> -> memref<128x128xf32, #tpu.memory_space<hbm>>
    tpu.wait_dma2 semaphore(%arg10 : memref<!tpu.dma_semaphore, #tpu.memory_space<semaphore_mem>>) src(%arg7 : memref<128x128xf32, #tpu.memory_space<vmem>>) dst(%dma_wait3A_194 : memref<128x128xf32, #tpu.memory_space<hbm>>)
    %add3A_195 = arith.constant 11 : i32
    %add3A_196 = arith.addi %mul3A_2, %add3A_195 : i32
    "tpu.region"() ({
      %run_scoped3A = tpu.sem_alloc : memref<!tpu.dma_semaphore, #tpu.memory_space<semaphore_mem>>
      %dma_start3A_289 = arith.constant 0 : i32
      %dma_start3A_290 = tpu.memref_slice %arg3[%add3A_196, %dma_start3A_289] : memref<512x128xi32, #tpu.memory_space<hbm>> -> memref<1x128xi32, #tpu.memory_space<hbm>>
      %dma_start3A_291 = tpu.memref_squeeze %dma_start3A_290 : memref<1x128xi32, #tpu.memory_space<hbm>> -> memref<128xi32, #tpu.memory_space<hbm>>
      %dma_start3A_292 = arith.constant 0 : i32
      %dma_start3A_293 = tpu.memref_slice %arg3[%add3A_196, %dma_start3A_292] : memref<512x128xi32, #tpu.memory_space<hbm>> -> memref<1x128xi32, #tpu.memory_space<hbm>>
      %dma_start3A_294 = tpu.memref_squeeze %dma_start3A_293 : memref<1x128xi32, #tpu.memory_space<hbm>> -> memref<128xi32, #tpu.memory_space<hbm>>
      tpu.enqueue_dma source(%dma_start3A_294 : memref<128xi32, #tpu.memory_space<hbm>>) target(%arg5 : memref<128xi32, #tpu.memory_space<vmem>>) target_semaphore(%run_scoped3A : memref<!tpu.dma_semaphore, #tpu.memory_space<semaphore_mem>>)
      %dma_wait3A_295 = arith.constant 0 : i32
      %dma_wait3A_296 = tpu.memref_slice %arg3[%add3A_196, %dma_wait3A_295] : memref<512x128xi32, #tpu.memory_space<hbm>> -> memref<1x128xi32, #tpu.memory_space<hbm>>
      %dma_wait3A_297 = tpu.memref_squeeze %dma_wait3A_296 : memref<1x128xi32, #tpu.memory_space<hbm>> -> memref<128xi32, #tpu.memory_space<hbm>>
      %dma_wait3A_298 = arith.constant 0 : i32
      %dma_wait3A_299 = tpu.memref_slice %arg3[%add3A_196, %dma_wait3A_298] : memref<512x128xi32, #tpu.memory_space<hbm>> -> memref<1x128xi32, #tpu.memory_space<hbm>>
      %dma_wait3A_300 = tpu.memref_squeeze %dma_wait3A_299 : memref<1x128xi32, #tpu.memory_space<hbm>> -> memref<128xi32, #tpu.memory_space<hbm>>
      tpu.wait_dma2 semaphore(%run_scoped3A : memref<!tpu.dma_semaphore, #tpu.memory_space<semaphore_mem>>) src(%dma_wait3A_300 : memref<128xi32, #tpu.memory_space<hbm>>) dst(%arg5 : memref<128xi32, #tpu.memory_space<vmem>>)
      tpu.yield
    }) : () -> ()
    %dma_start3A_197 = arith.constant 0 : i32
    %dma_start3A_198 = arith.constant 0 : i32
    %dma_start3A_199 = tpu.memref_slice %arg2[%dma_start3A_197, %dma_start3A_198] : memref<4096x128xf32, #tpu.memory_space<hbm>> -> memref<4096x128xf32, #tpu.memory_space<hbm>>
    tpu.enqueue_indirect_dma source(%dma_start3A_199 : memref<4096x128xf32, #tpu.memory_space<hbm>>) target(%arg7 : memref<128x128xf32, #tpu.memory_space<vmem>>) offsets(%arg5 : memref<128xi32, #tpu.memory_space<vmem>>) semaphore(%arg8 : memref<!tpu.dma_semaphore, #tpu.memory_space<semaphore_mem>>)
    %dma_wait3A_200 = arith.constant 0 : i32
    %dma_wait3A_201 = arith.constant 0 : i32
    %dma_wait3A_202 = tpu.memref_slice %arg2[%dma_wait3A_200, %dma_wait3A_201] : memref<4096x128xf32, #tpu.memory_space<hbm>> -> memref<4096x128xf32, #tpu.memory_space<hbm>>
    tpu.wait_indirect_dma semaphore(%arg8 : memref<!tpu.dma_semaphore, #tpu.memory_space<semaphore_mem>>) src(%dma_wait3A_202 : memref<4096x128xf32, #tpu.memory_space<hbm>>) dst(%arg7 : memref<128x128xf32, #tpu.memory_space<vmem>>)
    %mul3A_203 = arith.constant 128 : i32
    %mul3A_204 = arith.muli %add3A_196, %mul3A_203 : i32
    %dma_start3A_205 = arith.constant 0 : i32
    %dma_start3A_206 = tpu.memref_slice %arg4[%mul3A_204, %dma_start3A_205] : memref<65536x128xf32, #tpu.memory_space<hbm>> -> memref<128x128xf32, #tpu.memory_space<hbm>>
    %dma_start3A_207 = arith.constant 0 : i32
    %dma_start3A_208 = tpu.memref_slice %arg4[%mul3A_204, %dma_start3A_207] : memref<65536x128xf32, #tpu.memory_space<hbm>> -> memref<128x128xf32, #tpu.memory_space<hbm>>
    tpu.enqueue_dma source(%arg7 : memref<128x128xf32, #tpu.memory_space<vmem>>) target(%dma_start3A_208 : memref<128x128xf32, #tpu.memory_space<hbm>>) target_semaphore(%arg10 : memref<!tpu.dma_semaphore, #tpu.memory_space<semaphore_mem>>)
    %dma_wait3A_209 = arith.constant 0 : i32
    %dma_wait3A_210 = tpu.memref_slice %arg4[%mul3A_186, %dma_wait3A_209] : memref<65536x128xf32, #tpu.memory_space<hbm>> -> memref<128x128xf32, #tpu.memory_space<hbm>>
    %dma_wait3A_211 = arith.constant 0 : i32
    %dma_wait3A_212 = tpu.memref_slice %arg4[%mul3A_186, %dma_wait3A_211] : memref<65536x128xf32, #tpu.memory_space<hbm>> -> memref<128x128xf32, #tpu.memory_space<hbm>>
    tpu.wait_dma2 semaphore(%arg9 : memref<!tpu.dma_semaphore, #tpu.memory_space<semaphore_mem>>) src(%arg6 : memref<128x128xf32, #tpu.memory_space<vmem>>) dst(%dma_wait3A_212 : memref<128x128xf32, #tpu.memory_space<hbm>>)
    %add3A_213 = arith.constant 12 : i32
    %add3A_214 = arith.addi %mul3A_2, %add3A_213 : i32
    "tpu.region"() ({
      %run_scoped3A = tpu.sem_alloc : memref<!tpu.dma_semaphore, #tpu.memory_space<semaphore_mem>>
      %dma_start3A_289 = arith.constant 0 : i32
      %dma_start3A_290 = tpu.memref_slice %arg3[%add3A_214, %dma_start3A_289] : memref<512x128xi32, #tpu.memory_space<hbm>> -> memref<1x128xi32, #tpu.memory_space<hbm>>
      %dma_start3A_291 = tpu.memref_squeeze %dma_start3A_290 : memref<1x128xi32, #tpu.memory_space<hbm>> -> memref<128xi32, #tpu.memory_space<hbm>>
      %dma_start3A_292 = arith.constant 0 : i32
      %dma_start3A_293 = tpu.memref_slice %arg3[%add3A_214, %dma_start3A_292] : memref<512x128xi32, #tpu.memory_space<hbm>> -> memref<1x128xi32, #tpu.memory_space<hbm>>
      %dma_start3A_294 = tpu.memref_squeeze %dma_start3A_293 : memref<1x128xi32, #tpu.memory_space<hbm>> -> memref<128xi32, #tpu.memory_space<hbm>>
      tpu.enqueue_dma source(%dma_start3A_294 : memref<128xi32, #tpu.memory_space<hbm>>) target(%arg5 : memref<128xi32, #tpu.memory_space<vmem>>) target_semaphore(%run_scoped3A : memref<!tpu.dma_semaphore, #tpu.memory_space<semaphore_mem>>)
      %dma_wait3A_295 = arith.constant 0 : i32
      %dma_wait3A_296 = tpu.memref_slice %arg3[%add3A_214, %dma_wait3A_295] : memref<512x128xi32, #tpu.memory_space<hbm>> -> memref<1x128xi32, #tpu.memory_space<hbm>>
      %dma_wait3A_297 = tpu.memref_squeeze %dma_wait3A_296 : memref<1x128xi32, #tpu.memory_space<hbm>> -> memref<128xi32, #tpu.memory_space<hbm>>
      %dma_wait3A_298 = arith.constant 0 : i32
      %dma_wait3A_299 = tpu.memref_slice %arg3[%add3A_214, %dma_wait3A_298] : memref<512x128xi32, #tpu.memory_space<hbm>> -> memref<1x128xi32, #tpu.memory_space<hbm>>
      %dma_wait3A_300 = tpu.memref_squeeze %dma_wait3A_299 : memref<1x128xi32, #tpu.memory_space<hbm>> -> memref<128xi32, #tpu.memory_space<hbm>>
      tpu.wait_dma2 semaphore(%run_scoped3A : memref<!tpu.dma_semaphore, #tpu.memory_space<semaphore_mem>>) src(%dma_wait3A_300 : memref<128xi32, #tpu.memory_space<hbm>>) dst(%arg5 : memref<128xi32, #tpu.memory_space<vmem>>)
      tpu.yield
    }) : () -> ()
    %dma_start3A_215 = arith.constant 0 : i32
    %dma_start3A_216 = arith.constant 0 : i32
    %dma_start3A_217 = tpu.memref_slice %arg2[%dma_start3A_215, %dma_start3A_216] : memref<4096x128xf32, #tpu.memory_space<hbm>> -> memref<4096x128xf32, #tpu.memory_space<hbm>>
    tpu.enqueue_indirect_dma source(%dma_start3A_217 : memref<4096x128xf32, #tpu.memory_space<hbm>>) target(%arg6 : memref<128x128xf32, #tpu.memory_space<vmem>>) offsets(%arg5 : memref<128xi32, #tpu.memory_space<vmem>>) semaphore(%arg8 : memref<!tpu.dma_semaphore, #tpu.memory_space<semaphore_mem>>)
    %dma_wait3A_218 = arith.constant 0 : i32
    %dma_wait3A_219 = arith.constant 0 : i32
    %dma_wait3A_220 = tpu.memref_slice %arg2[%dma_wait3A_218, %dma_wait3A_219] : memref<4096x128xf32, #tpu.memory_space<hbm>> -> memref<4096x128xf32, #tpu.memory_space<hbm>>
    tpu.wait_indirect_dma semaphore(%arg8 : memref<!tpu.dma_semaphore, #tpu.memory_space<semaphore_mem>>) src(%dma_wait3A_220 : memref<4096x128xf32, #tpu.memory_space<hbm>>) dst(%arg6 : memref<128x128xf32, #tpu.memory_space<vmem>>)
    %mul3A_221 = arith.constant 128 : i32
    %mul3A_222 = arith.muli %add3A_214, %mul3A_221 : i32
    %dma_start3A_223 = arith.constant 0 : i32
    %dma_start3A_224 = tpu.memref_slice %arg4[%mul3A_222, %dma_start3A_223] : memref<65536x128xf32, #tpu.memory_space<hbm>> -> memref<128x128xf32, #tpu.memory_space<hbm>>
    %dma_start3A_225 = arith.constant 0 : i32
    %dma_start3A_226 = tpu.memref_slice %arg4[%mul3A_222, %dma_start3A_225] : memref<65536x128xf32, #tpu.memory_space<hbm>> -> memref<128x128xf32, #tpu.memory_space<hbm>>
    tpu.enqueue_dma source(%arg6 : memref<128x128xf32, #tpu.memory_space<vmem>>) target(%dma_start3A_226 : memref<128x128xf32, #tpu.memory_space<hbm>>) target_semaphore(%arg9 : memref<!tpu.dma_semaphore, #tpu.memory_space<semaphore_mem>>)
    %dma_wait3A_227 = arith.constant 0 : i32
    %dma_wait3A_228 = tpu.memref_slice %arg4[%mul3A_204, %dma_wait3A_227] : memref<65536x128xf32, #tpu.memory_space<hbm>> -> memref<128x128xf32, #tpu.memory_space<hbm>>
    %dma_wait3A_229 = arith.constant 0 : i32
    %dma_wait3A_230 = tpu.memref_slice %arg4[%mul3A_204, %dma_wait3A_229] : memref<65536x128xf32, #tpu.memory_space<hbm>> -> memref<128x128xf32, #tpu.memory_space<hbm>>
    tpu.wait_dma2 semaphore(%arg10 : memref<!tpu.dma_semaphore, #tpu.memory_space<semaphore_mem>>) src(%arg7 : memref<128x128xf32, #tpu.memory_space<vmem>>) dst(%dma_wait3A_230 : memref<128x128xf32, #tpu.memory_space<hbm>>)
    %add3A_231 = arith.constant 13 : i32
    %add3A_232 = arith.addi %mul3A_2, %add3A_231 : i32
    "tpu.region"() ({
      %run_scoped3A = tpu.sem_alloc : memref<!tpu.dma_semaphore, #tpu.memory_space<semaphore_mem>>
      %dma_start3A_289 = arith.constant 0 : i32
      %dma_start3A_290 = tpu.memref_slice %arg3[%add3A_232, %dma_start3A_289] : memref<512x128xi32, #tpu.memory_space<hbm>> -> memref<1x128xi32, #tpu.memory_space<hbm>>
      %dma_start3A_291 = tpu.memref_squeeze %dma_start3A_290 : memref<1x128xi32, #tpu.memory_space<hbm>> -> memref<128xi32, #tpu.memory_space<hbm>>
      %dma_start3A_292 = arith.constant 0 : i32
      %dma_start3A_293 = tpu.memref_slice %arg3[%add3A_232, %dma_start3A_292] : memref<512x128xi32, #tpu.memory_space<hbm>> -> memref<1x128xi32, #tpu.memory_space<hbm>>
      %dma_start3A_294 = tpu.memref_squeeze %dma_start3A_293 : memref<1x128xi32, #tpu.memory_space<hbm>> -> memref<128xi32, #tpu.memory_space<hbm>>
      tpu.enqueue_dma source(%dma_start3A_294 : memref<128xi32, #tpu.memory_space<hbm>>) target(%arg5 : memref<128xi32, #tpu.memory_space<vmem>>) target_semaphore(%run_scoped3A : memref<!tpu.dma_semaphore, #tpu.memory_space<semaphore_mem>>)
      %dma_wait3A_295 = arith.constant 0 : i32
      %dma_wait3A_296 = tpu.memref_slice %arg3[%add3A_232, %dma_wait3A_295] : memref<512x128xi32, #tpu.memory_space<hbm>> -> memref<1x128xi32, #tpu.memory_space<hbm>>
      %dma_wait3A_297 = tpu.memref_squeeze %dma_wait3A_296 : memref<1x128xi32, #tpu.memory_space<hbm>> -> memref<128xi32, #tpu.memory_space<hbm>>
      %dma_wait3A_298 = arith.constant 0 : i32
      %dma_wait3A_299 = tpu.memref_slice %arg3[%add3A_232, %dma_wait3A_298] : memref<512x128xi32, #tpu.memory_space<hbm>> -> memref<1x128xi32, #tpu.memory_space<hbm>>
      %dma_wait3A_300 = tpu.memref_squeeze %dma_wait3A_299 : memref<1x128xi32, #tpu.memory_space<hbm>> -> memref<128xi32, #tpu.memory_space<hbm>>
      tpu.wait_dma2 semaphore(%run_scoped3A : memref<!tpu.dma_semaphore, #tpu.memory_space<semaphore_mem>>) src(%dma_wait3A_300 : memref<128xi32, #tpu.memory_space<hbm>>) dst(%arg5 : memref<128xi32, #tpu.memory_space<vmem>>)
      tpu.yield
    }) : () -> ()
    %dma_start3A_233 = arith.constant 0 : i32
    %dma_start3A_234 = arith.constant 0 : i32
    %dma_start3A_235 = tpu.memref_slice %arg2[%dma_start3A_233, %dma_start3A_234] : memref<4096x128xf32, #tpu.memory_space<hbm>> -> memref<4096x128xf32, #tpu.memory_space<hbm>>
    tpu.enqueue_indirect_dma source(%dma_start3A_235 : memref<4096x128xf32, #tpu.memory_space<hbm>>) target(%arg7 : memref<128x128xf32, #tpu.memory_space<vmem>>) offsets(%arg5 : memref<128xi32, #tpu.memory_space<vmem>>) semaphore(%arg8 : memref<!tpu.dma_semaphore, #tpu.memory_space<semaphore_mem>>)
    %dma_wait3A_236 = arith.constant 0 : i32
    %dma_wait3A_237 = arith.constant 0 : i32
    %dma_wait3A_238 = tpu.memref_slice %arg2[%dma_wait3A_236, %dma_wait3A_237] : memref<4096x128xf32, #tpu.memory_space<hbm>> -> memref<4096x128xf32, #tpu.memory_space<hbm>>
    tpu.wait_indirect_dma semaphore(%arg8 : memref<!tpu.dma_semaphore, #tpu.memory_space<semaphore_mem>>) src(%dma_wait3A_238 : memref<4096x128xf32, #tpu.memory_space<hbm>>) dst(%arg7 : memref<128x128xf32, #tpu.memory_space<vmem>>)
    %mul3A_239 = arith.constant 128 : i32
    %mul3A_240 = arith.muli %add3A_232, %mul3A_239 : i32
    %dma_start3A_241 = arith.constant 0 : i32
    %dma_start3A_242 = tpu.memref_slice %arg4[%mul3A_240, %dma_start3A_241] : memref<65536x128xf32, #tpu.memory_space<hbm>> -> memref<128x128xf32, #tpu.memory_space<hbm>>
    %dma_start3A_243 = arith.constant 0 : i32
    %dma_start3A_244 = tpu.memref_slice %arg4[%mul3A_240, %dma_start3A_243] : memref<65536x128xf32, #tpu.memory_space<hbm>> -> memref<128x128xf32, #tpu.memory_space<hbm>>
    tpu.enqueue_dma source(%arg7 : memref<128x128xf32, #tpu.memory_space<vmem>>) target(%dma_start3A_244 : memref<128x128xf32, #tpu.memory_space<hbm>>) target_semaphore(%arg10 : memref<!tpu.dma_semaphore, #tpu.memory_space<semaphore_mem>>)
    %dma_wait3A_245 = arith.constant 0 : i32
    %dma_wait3A_246 = tpu.memref_slice %arg4[%mul3A_222, %dma_wait3A_245] : memref<65536x128xf32, #tpu.memory_space<hbm>> -> memref<128x128xf32, #tpu.memory_space<hbm>>
    %dma_wait3A_247 = arith.constant 0 : i32
    %dma_wait3A_248 = tpu.memref_slice %arg4[%mul3A_222, %dma_wait3A_247] : memref<65536x128xf32, #tpu.memory_space<hbm>> -> memref<128x128xf32, #tpu.memory_space<hbm>>
    tpu.wait_dma2 semaphore(%arg9 : memref<!tpu.dma_semaphore, #tpu.memory_space<semaphore_mem>>) src(%arg6 : memref<128x128xf32, #tpu.memory_space<vmem>>) dst(%dma_wait3A_248 : memref<128x128xf32, #tpu.memory_space<hbm>>)
    %add3A_249 = arith.constant 14 : i32
    %add3A_250 = arith.addi %mul3A_2, %add3A_249 : i32
    "tpu.region"() ({
      %run_scoped3A = tpu.sem_alloc : memref<!tpu.dma_semaphore, #tpu.memory_space<semaphore_mem>>
      %dma_start3A_289 = arith.constant 0 : i32
      %dma_start3A_290 = tpu.memref_slice %arg3[%add3A_250, %dma_start3A_289] : memref<512x128xi32, #tpu.memory_space<hbm>> -> memref<1x128xi32, #tpu.memory_space<hbm>>
      %dma_start3A_291 = tpu.memref_squeeze %dma_start3A_290 : memref<1x128xi32, #tpu.memory_space<hbm>> -> memref<128xi32, #tpu.memory_space<hbm>>
      %dma_start3A_292 = arith.constant 0 : i32
      %dma_start3A_293 = tpu.memref_slice %arg3[%add3A_250, %dma_start3A_292] : memref<512x128xi32, #tpu.memory_space<hbm>> -> memref<1x128xi32, #tpu.memory_space<hbm>>
      %dma_start3A_294 = tpu.memref_squeeze %dma_start3A_293 : memref<1x128xi32, #tpu.memory_space<hbm>> -> memref<128xi32, #tpu.memory_space<hbm>>
      tpu.enqueue_dma source(%dma_start3A_294 : memref<128xi32, #tpu.memory_space<hbm>>) target(%arg5 : memref<128xi32, #tpu.memory_space<vmem>>) target_semaphore(%run_scoped3A : memref<!tpu.dma_semaphore, #tpu.memory_space<semaphore_mem>>)
      %dma_wait3A_295 = arith.constant 0 : i32
      %dma_wait3A_296 = tpu.memref_slice %arg3[%add3A_250, %dma_wait3A_295] : memref<512x128xi32, #tpu.memory_space<hbm>> -> memref<1x128xi32, #tpu.memory_space<hbm>>
      %dma_wait3A_297 = tpu.memref_squeeze %dma_wait3A_296 : memref<1x128xi32, #tpu.memory_space<hbm>> -> memref<128xi32, #tpu.memory_space<hbm>>
      %dma_wait3A_298 = arith.constant 0 : i32
      %dma_wait3A_299 = tpu.memref_slice %arg3[%add3A_250, %dma_wait3A_298] : memref<512x128xi32, #tpu.memory_space<hbm>> -> memref<1x128xi32, #tpu.memory_space<hbm>>
      %dma_wait3A_300 = tpu.memref_squeeze %dma_wait3A_299 : memref<1x128xi32, #tpu.memory_space<hbm>> -> memref<128xi32, #tpu.memory_space<hbm>>
      tpu.wait_dma2 semaphore(%run_scoped3A : memref<!tpu.dma_semaphore, #tpu.memory_space<semaphore_mem>>) src(%dma_wait3A_300 : memref<128xi32, #tpu.memory_space<hbm>>) dst(%arg5 : memref<128xi32, #tpu.memory_space<vmem>>)
      tpu.yield
    }) : () -> ()
    %dma_start3A_251 = arith.constant 0 : i32
    %dma_start3A_252 = arith.constant 0 : i32
    %dma_start3A_253 = tpu.memref_slice %arg2[%dma_start3A_251, %dma_start3A_252] : memref<4096x128xf32, #tpu.memory_space<hbm>> -> memref<4096x128xf32, #tpu.memory_space<hbm>>
    tpu.enqueue_indirect_dma source(%dma_start3A_253 : memref<4096x128xf32, #tpu.memory_space<hbm>>) target(%arg6 : memref<128x128xf32, #tpu.memory_space<vmem>>) offsets(%arg5 : memref<128xi32, #tpu.memory_space<vmem>>) semaphore(%arg8 : memref<!tpu.dma_semaphore, #tpu.memory_space<semaphore_mem>>)
    %dma_wait3A_254 = arith.constant 0 : i32
    %dma_wait3A_255 = arith.constant 0 : i32
    %dma_wait3A_256 = tpu.memref_slice %arg2[%dma_wait3A_254, %dma_wait3A_255] : memref<4096x128xf32, #tpu.memory_space<hbm>> -> memref<4096x128xf32, #tpu.memory_space<hbm>>
    tpu.wait_indirect_dma semaphore(%arg8 : memref<!tpu.dma_semaphore, #tpu.memory_space<semaphore_mem>>) src(%dma_wait3A_256 : memref<4096x128xf32, #tpu.memory_space<hbm>>) dst(%arg6 : memref<128x128xf32, #tpu.memory_space<vmem>>)
    %mul3A_257 = arith.constant 128 : i32
    %mul3A_258 = arith.muli %add3A_250, %mul3A_257 : i32
    %dma_start3A_259 = arith.constant 0 : i32
    %dma_start3A_260 = tpu.memref_slice %arg4[%mul3A_258, %dma_start3A_259] : memref<65536x128xf32, #tpu.memory_space<hbm>> -> memref<128x128xf32, #tpu.memory_space<hbm>>
    %dma_start3A_261 = arith.constant 0 : i32
    %dma_start3A_262 = tpu.memref_slice %arg4[%mul3A_258, %dma_start3A_261] : memref<65536x128xf32, #tpu.memory_space<hbm>> -> memref<128x128xf32, #tpu.memory_space<hbm>>
    tpu.enqueue_dma source(%arg6 : memref<128x128xf32, #tpu.memory_space<vmem>>) target(%dma_start3A_262 : memref<128x128xf32, #tpu.memory_space<hbm>>) target_semaphore(%arg9 : memref<!tpu.dma_semaphore, #tpu.memory_space<semaphore_mem>>)
    %dma_wait3A_263 = arith.constant 0 : i32
    %dma_wait3A_264 = tpu.memref_slice %arg4[%mul3A_240, %dma_wait3A_263] : memref<65536x128xf32, #tpu.memory_space<hbm>> -> memref<128x128xf32, #tpu.memory_space<hbm>>
    %dma_wait3A_265 = arith.constant 0 : i32
    %dma_wait3A_266 = tpu.memref_slice %arg4[%mul3A_240, %dma_wait3A_265] : memref<65536x128xf32, #tpu.memory_space<hbm>> -> memref<128x128xf32, #tpu.memory_space<hbm>>
    tpu.wait_dma2 semaphore(%arg10 : memref<!tpu.dma_semaphore, #tpu.memory_space<semaphore_mem>>) src(%arg7 : memref<128x128xf32, #tpu.memory_space<vmem>>) dst(%dma_wait3A_266 : memref<128x128xf32, #tpu.memory_space<hbm>>)
    %add3A_267 = arith.constant 15 : i32
    %add3A_268 = arith.addi %mul3A_2, %add3A_267 : i32
    "tpu.region"() ({
      %run_scoped3A = tpu.sem_alloc : memref<!tpu.dma_semaphore, #tpu.memory_space<semaphore_mem>>
      %dma_start3A_289 = arith.constant 0 : i32
      %dma_start3A_290 = tpu.memref_slice %arg3[%add3A_268, %dma_start3A_289] : memref<512x128xi32, #tpu.memory_space<hbm>> -> memref<1x128xi32, #tpu.memory_space<hbm>>
      %dma_start3A_291 = tpu.memref_squeeze %dma_start3A_290 : memref<1x128xi32, #tpu.memory_space<hbm>> -> memref<128xi32, #tpu.memory_space<hbm>>
      %dma_start3A_292 = arith.constant 0 : i32
      %dma_start3A_293 = tpu.memref_slice %arg3[%add3A_268, %dma_start3A_292] : memref<512x128xi32, #tpu.memory_space<hbm>> -> memref<1x128xi32, #tpu.memory_space<hbm>>
      %dma_start3A_294 = tpu.memref_squeeze %dma_start3A_293 : memref<1x128xi32, #tpu.memory_space<hbm>> -> memref<128xi32, #tpu.memory_space<hbm>>
      tpu.enqueue_dma source(%dma_start3A_294 : memref<128xi32, #tpu.memory_space<hbm>>) target(%arg5 : memref<128xi32, #tpu.memory_space<vmem>>) target_semaphore(%run_scoped3A : memref<!tpu.dma_semaphore, #tpu.memory_space<semaphore_mem>>)
      %dma_wait3A_295 = arith.constant 0 : i32
      %dma_wait3A_296 = tpu.memref_slice %arg3[%add3A_268, %dma_wait3A_295] : memref<512x128xi32, #tpu.memory_space<hbm>> -> memref<1x128xi32, #tpu.memory_space<hbm>>
      %dma_wait3A_297 = tpu.memref_squeeze %dma_wait3A_296 : memref<1x128xi32, #tpu.memory_space<hbm>> -> memref<128xi32, #tpu.memory_space<hbm>>
      %dma_wait3A_298 = arith.constant 0 : i32
      %dma_wait3A_299 = tpu.memref_slice %arg3[%add3A_268, %dma_wait3A_298] : memref<512x128xi32, #tpu.memory_space<hbm>> -> memref<1x128xi32, #tpu.memory_space<hbm>>
      %dma_wait3A_300 = tpu.memref_squeeze %dma_wait3A_299 : memref<1x128xi32, #tpu.memory_space<hbm>> -> memref<128xi32, #tpu.memory_space<hbm>>
      tpu.wait_dma2 semaphore(%run_scoped3A : memref<!tpu.dma_semaphore, #tpu.memory_space<semaphore_mem>>) src(%dma_wait3A_300 : memref<128xi32, #tpu.memory_space<hbm>>) dst(%arg5 : memref<128xi32, #tpu.memory_space<vmem>>)
      tpu.yield
    }) : () -> ()
    %dma_start3A_269 = arith.constant 0 : i32
    %dma_start3A_270 = arith.constant 0 : i32
    %dma_start3A_271 = tpu.memref_slice %arg2[%dma_start3A_269, %dma_start3A_270] : memref<4096x128xf32, #tpu.memory_space<hbm>> -> memref<4096x128xf32, #tpu.memory_space<hbm>>
    tpu.enqueue_indirect_dma source(%dma_start3A_271 : memref<4096x128xf32, #tpu.memory_space<hbm>>) target(%arg7 : memref<128x128xf32, #tpu.memory_space<vmem>>) offsets(%arg5 : memref<128xi32, #tpu.memory_space<vmem>>) semaphore(%arg8 : memref<!tpu.dma_semaphore, #tpu.memory_space<semaphore_mem>>)
    %dma_wait3A_272 = arith.constant 0 : i32
    %dma_wait3A_273 = arith.constant 0 : i32
    %dma_wait3A_274 = tpu.memref_slice %arg2[%dma_wait3A_272, %dma_wait3A_273] : memref<4096x128xf32, #tpu.memory_space<hbm>> -> memref<4096x128xf32, #tpu.memory_space<hbm>>
    tpu.wait_indirect_dma semaphore(%arg8 : memref<!tpu.dma_semaphore, #tpu.memory_space<semaphore_mem>>) src(%dma_wait3A_274 : memref<4096x128xf32, #tpu.memory_space<hbm>>) dst(%arg7 : memref<128x128xf32, #tpu.memory_space<vmem>>)
    %mul3A_275 = arith.constant 128 : i32
    %mul3A_276 = arith.muli %add3A_268, %mul3A_275 : i32
    %dma_start3A_277 = arith.constant 0 : i32
    %dma_start3A_278 = tpu.memref_slice %arg4[%mul3A_276, %dma_start3A_277] : memref<65536x128xf32, #tpu.memory_space<hbm>> -> memref<128x128xf32, #tpu.memory_space<hbm>>
    %dma_start3A_279 = arith.constant 0 : i32
    %dma_start3A_280 = tpu.memref_slice %arg4[%mul3A_276, %dma_start3A_279] : memref<65536x128xf32, #tpu.memory_space<hbm>> -> memref<128x128xf32, #tpu.memory_space<hbm>>
    tpu.enqueue_dma source(%arg7 : memref<128x128xf32, #tpu.memory_space<vmem>>) target(%dma_start3A_280 : memref<128x128xf32, #tpu.memory_space<hbm>>) target_semaphore(%arg10 : memref<!tpu.dma_semaphore, #tpu.memory_space<semaphore_mem>>)
    %dma_wait3A_281 = arith.constant 0 : i32
    %dma_wait3A_282 = tpu.memref_slice %arg4[%mul3A_258, %dma_wait3A_281] : memref<65536x128xf32, #tpu.memory_space<hbm>> -> memref<128x128xf32, #tpu.memory_space<hbm>>
    %dma_wait3A_283 = arith.constant 0 : i32
    %dma_wait3A_284 = tpu.memref_slice %arg4[%mul3A_258, %dma_wait3A_283] : memref<65536x128xf32, #tpu.memory_space<hbm>> -> memref<128x128xf32, #tpu.memory_space<hbm>>
    tpu.wait_dma2 semaphore(%arg9 : memref<!tpu.dma_semaphore, #tpu.memory_space<semaphore_mem>>) src(%arg6 : memref<128x128xf32, #tpu.memory_space<vmem>>) dst(%dma_wait3A_284 : memref<128x128xf32, #tpu.memory_space<hbm>>)
    %dma_wait3A_285 = arith.constant 0 : i32
    %dma_wait3A_286 = tpu.memref_slice %arg4[%mul3A_276, %dma_wait3A_285] : memref<65536x128xf32, #tpu.memory_space<hbm>> -> memref<128x128xf32, #tpu.memory_space<hbm>>
    %dma_wait3A_287 = arith.constant 0 : i32
    %dma_wait3A_288 = tpu.memref_slice %arg4[%mul3A_276, %dma_wait3A_287] : memref<65536x128xf32, #tpu.memory_space<hbm>> -> memref<128x128xf32, #tpu.memory_space<hbm>>
    tpu.wait_dma2 semaphore(%arg10 : memref<!tpu.dma_semaphore, #tpu.memory_space<semaphore_mem>>) src(%arg7 : memref<128x128xf32, #tpu.memory_space<vmem>>) dst(%dma_wait3A_288 : memref<128x128xf32, #tpu.memory_space<hbm>>)
    return
  }
}

#map = affine_map<(d0, d1) -> (0, 0)>
module attributes {stable_mosaic.version = 14 : i64} {
  func.func @gather_k(%arg0: i32, %arg1: i32, %arg2: memref<4096x128xf32, #tpu.memory_space<hbm>>, %arg3: memref<512x128xi32, #tpu.memory_space<hbm>>, %arg4: memref<65536x128xf32, #tpu.memory_space<hbm>>, %arg5: memref<128xi32, #tpu.memory_space<vmem>>, %arg6: memref<128x128xf32, #tpu.memory_space<vmem>>, %arg7: memref<128x128xf32, #tpu.memory_space<vmem>>, %arg8: memref<!tpu.dma_semaphore, #tpu.memory_space<semaphore_mem>>, %arg9: memref<!tpu.dma_semaphore, #tpu.memory_space<semaphore_mem>>, %arg10: memref<!tpu.dma_semaphore, #tpu.memory_space<semaphore_mem>>) attributes {dimension_semantics = [#tpu.dimension_semantics<core_parallel>, #tpu.dimension_semantics<subcore_parallel>], iteration_bounds = array<i64: 2, 16>, scalar_prefetch = 0 : i64, scratch_operands = 6 : i64, tpu.core_type = #tpu.core_type<sc_vector_subcore>, window_params = [{transform_indices = #map}, {transform_indices = #map}, {transform_indices = #map}]} {
    %mul3A = arith.constant 2 : i32
    %mul3A_0 = arith.muli %arg1, %mul3A : i32
    %add3A = arith.addi %mul3A_0, %arg0 : i32
    %mul3A_1 = arith.constant 16 : i32
    %mul3A_2 = arith.muli %add3A, %mul3A_1 : i32
    %add3A_3 = arith.constant 0 : i32
    %add3A_4 = arith.addi %mul3A_2, %add3A_3 : i32
    "tpu.region"() ({
      %run_scoped3A = tpu.sem_alloc : memref<!tpu.dma_semaphore, #tpu.memory_space<semaphore_mem>>
      %dma_start3A_289 = arith.constant 0 : i32
      %dma_start3A_290 = tpu.memref_slice %arg3[%add3A_4, %dma_start3A_289] : memref<512x128xi32, #tpu.memory_space<hbm>> -> memref<1x128xi32, #tpu.memory_space<hbm>>
      %dma_start3A_291 = tpu.memref_squeeze %dma_start3A_290 : memref<1x128xi32, #tpu.memory_space<hbm>> -> memref<128xi32, #tpu.memory_space<hbm>>
      %dma_start3A_292 = arith.constant 0 : i32
      %dma_start3A_293 = tpu.memref_slice %arg3[%add3A_4, %dma_start3A_292] : memref<512x128xi32, #tpu.memory_space<hbm>> -> memref<1x128xi32, #tpu.memory_space<hbm>>
      %dma_start3A_294 = tpu.memref_squeeze %dma_start3A_293 : memref<1x128xi32, #tpu.memory_space<hbm>> -> memref<128xi32, #tpu.memory_space<hbm>>
      tpu.enqueue_dma source(%dma_start3A_294 : memref<128xi32, #tpu.memory_space<hbm>>) target(%arg5 : memref<128xi32, #tpu.memory_space<vmem>>) target_semaphore(%run_scoped3A : memref<!tpu.dma_semaphore, #tpu.memory_space<semaphore_mem>>)
      %dma_wait3A_295 = arith.constant 0 : i32
      %dma_wait3A_296 = tpu.memref_slice %arg3[%add3A_4, %dma_wait3A_295] : memref<512x128xi32, #tpu.memory_space<hbm>> -> memref<1x128xi32, #tpu.memory_space<hbm>>
      %dma_wait3A_297 = tpu.memref_squeeze %dma_wait3A_296 : memref<1x128xi32, #tpu.memory_space<hbm>> -> memref<128xi32, #tpu.memory_space<hbm>>
      %dma_wait3A_298 = arith.constant 0 : i32
      %dma_wait3A_299 = tpu.memref_slice %arg3[%add3A_4, %dma_wait3A_298] : memref<512x128xi32, #tpu.memory_space<hbm>> -> memref<1x128xi32, #tpu.memory_space<hbm>>
      %dma_wait3A_300 = tpu.memref_squeeze %dma_wait3A_299 : memref<1x128xi32, #tpu.memory_space<hbm>> -> memref<128xi32, #tpu.memory_space<hbm>>
      tpu.wait_dma2 semaphore(%run_scoped3A : memref<!tpu.dma_semaphore, #tpu.memory_space<semaphore_mem>>) src(%dma_wait3A_300 : memref<128xi32, #tpu.memory_space<hbm>>) dst(%arg5 : memref<128xi32, #tpu.memory_space<vmem>>)
      tpu.yield
    }) : () -> ()
    %dma_start3A = arith.constant 0 : i32
    %dma_start3A_5 = arith.constant 0 : i32
    %dma_start3A_6 = tpu.memref_slice %arg2[%dma_start3A, %dma_start3A_5] : memref<4096x128xf32, #tpu.memory_space<hbm>> -> memref<4096x128xf32, #tpu.memory_space<hbm>>
    tpu.enqueue_indirect_dma source(%dma_start3A_6 : memref<4096x128xf32, #tpu.memory_space<hbm>>) target(%arg6 : memref<128x128xf32, #tpu.memory_space<vmem>>) offsets(%arg5 : memref<128xi32, #tpu.memory_space<vmem>>) semaphore(%arg8 : memref<!tpu.dma_semaphore, #tpu.memory_space<semaphore_mem>>)
    %dma_wait3A = arith.constant 0 : i32
    %dma_wait3A_7 = arith.constant 0 : i32
    %dma_wait3A_8 = tpu.memref_slice %arg2[%dma_wait3A, %dma_wait3A_7] : memref<4096x128xf32, #tpu.memory_space<hbm>> -> memref<4096x128xf32, #tpu.memory_space<hbm>>
    tpu.wait_indirect_dma semaphore(%arg8 : memref<!tpu.dma_semaphore, #tpu.memory_space<semaphore_mem>>) src(%dma_wait3A_8 : memref<4096x128xf32, #tpu.memory_space<hbm>>) dst(%arg6 : memref<128x128xf32, #tpu.memory_space<vmem>>)
    %mul3A_9 = arith.constant 128 : i32
    %mul3A_10 = arith.muli %add3A_4, %mul3A_9 : i32
    %dma_start3A_11 = arith.constant 0 : i32
    %dma_start3A_12 = tpu.memref_slice %arg4[%mul3A_10, %dma_start3A_11] : memref<65536x128xf32, #tpu.memory_space<hbm>> -> memref<128x128xf32, #tpu.memory_space<hbm>>
    %dma_start3A_13 = arith.constant 0 : i32
    %dma_start3A_14 = tpu.memref_slice %arg4[%mul3A_10, %dma_start3A_13] : memref<65536x128xf32, #tpu.memory_space<hbm>> -> memref<128x128xf32, #tpu.memory_space<hbm>>
    tpu.enqueue_dma source(%arg6 : memref<128x128xf32, #tpu.memory_space<vmem>>) target(%dma_start3A_14 : memref<128x128xf32, #tpu.memory_space<hbm>>) target_semaphore(%arg9 : memref<!tpu.dma_semaphore, #tpu.memory_space<semaphore_mem>>)
    %add3A_15 = arith.constant 1 : i32
    %add3A_16 = arith.addi %mul3A_2, %add3A_15 : i32
    "tpu.region"() ({
      %run_scoped3A = tpu.sem_alloc : memref<!tpu.dma_semaphore, #tpu.memory_space<semaphore_mem>>
      %dma_start3A_289 = arith.constant 0 : i32
      %dma_start3A_290 = tpu.memref_slice %arg3[%add3A_16, %dma_start3A_289] : memref<512x128xi32, #tpu.memory_space<hbm>> -> memref<1x128xi32, #tpu.memory_space<hbm>>
      %dma_start3A_291 = tpu.memref_squeeze %dma_start3A_290 : memref<1x128xi32, #tpu.memory_space<hbm>> -> memref<128xi32, #tpu.memory_space<hbm>>
      %dma_start3A_292 = arith.constant 0 : i32
      %dma_start3A_293 = tpu.memref_slice %arg3[%add3A_16, %dma_start3A_292] : memref<512x128xi32, #tpu.memory_space<hbm>> -> memref<1x128xi32, #tpu.memory_space<hbm>>
      %dma_start3A_294 = tpu.memref_squeeze %dma_start3A_293 : memref<1x128xi32, #tpu.memory_space<hbm>> -> memref<128xi32, #tpu.memory_space<hbm>>
      tpu.enqueue_dma source(%dma_start3A_294 : memref<128xi32, #tpu.memory_space<hbm>>) target(%arg5 : memref<128xi32, #tpu.memory_space<vmem>>) target_semaphore(%run_scoped3A : memref<!tpu.dma_semaphore, #tpu.memory_space<semaphore_mem>>)
      %dma_wait3A_295 = arith.constant 0 : i32
      %dma_wait3A_296 = tpu.memref_slice %arg3[%add3A_16, %dma_wait3A_295] : memref<512x128xi32, #tpu.memory_space<hbm>> -> memref<1x128xi32, #tpu.memory_space<hbm>>
      %dma_wait3A_297 = tpu.memref_squeeze %dma_wait3A_296 : memref<1x128xi32, #tpu.memory_space<hbm>> -> memref<128xi32, #tpu.memory_space<hbm>>
      %dma_wait3A_298 = arith.constant 0 : i32
      %dma_wait3A_299 = tpu.memref_slice %arg3[%add3A_16, %dma_wait3A_298] : memref<512x128xi32, #tpu.memory_space<hbm>> -> memref<1x128xi32, #tpu.memory_space<hbm>>
      %dma_wait3A_300 = tpu.memref_squeeze %dma_wait3A_299 : memref<1x128xi32, #tpu.memory_space<hbm>> -> memref<128xi32, #tpu.memory_space<hbm>>
      tpu.wait_dma2 semaphore(%run_scoped3A : memref<!tpu.dma_semaphore, #tpu.memory_space<semaphore_mem>>) src(%dma_wait3A_300 : memref<128xi32, #tpu.memory_space<hbm>>) dst(%arg5 : memref<128xi32, #tpu.memory_space<vmem>>)
      tpu.yield
    }) : () -> ()
    %dma_start3A_17 = arith.constant 0 : i32
    %dma_start3A_18 = arith.constant 0 : i32
    %dma_start3A_19 = tpu.memref_slice %arg2[%dma_start3A_17, %dma_start3A_18] : memref<4096x128xf32, #tpu.memory_space<hbm>> -> memref<4096x128xf32, #tpu.memory_space<hbm>>
    tpu.enqueue_indirect_dma source(%dma_start3A_19 : memref<4096x128xf32, #tpu.memory_space<hbm>>) target(%arg7 : memref<128x128xf32, #tpu.memory_space<vmem>>) offsets(%arg5 : memref<128xi32, #tpu.memory_space<vmem>>) semaphore(%arg8 : memref<!tpu.dma_semaphore, #tpu.memory_space<semaphore_mem>>)
    %dma_wait3A_20 = arith.constant 0 : i32
    %dma_wait3A_21 = arith.constant 0 : i32
    %dma_wait3A_22 = tpu.memref_slice %arg2[%dma_wait3A_20, %dma_wait3A_21] : memref<4096x128xf32, #tpu.memory_space<hbm>> -> memref<4096x128xf32, #tpu.memory_space<hbm>>
    tpu.wait_indirect_dma semaphore(%arg8 : memref<!tpu.dma_semaphore, #tpu.memory_space<semaphore_mem>>) src(%dma_wait3A_22 : memref<4096x128xf32, #tpu.memory_space<hbm>>) dst(%arg7 : memref<128x128xf32, #tpu.memory_space<vmem>>)
    %mul3A_23 = arith.constant 128 : i32
    %mul3A_24 = arith.muli %add3A_16, %mul3A_23 : i32
    %dma_start3A_25 = arith.constant 0 : i32
    %dma_start3A_26 = tpu.memref_slice %arg4[%mul3A_24, %dma_start3A_25] : memref<65536x128xf32, #tpu.memory_space<hbm>> -> memref<128x128xf32, #tpu.memory_space<hbm>>
    %dma_start3A_27 = arith.constant 0 : i32
    %dma_start3A_28 = tpu.memref_slice %arg4[%mul3A_24, %dma_start3A_27] : memref<65536x128xf32, #tpu.memory_space<hbm>> -> memref<128x128xf32, #tpu.memory_space<hbm>>
    tpu.enqueue_dma source(%arg7 : memref<128x128xf32, #tpu.memory_space<vmem>>) target(%dma_start3A_28 : memref<128x128xf32, #tpu.memory_space<hbm>>) target_semaphore(%arg10 : memref<!tpu.dma_semaphore, #tpu.memory_space<semaphore_mem>>)
    %dma_wait3A_29 = arith.constant 0 : i32
    %dma_wait3A_30 = tpu.memref_slice %arg4[%mul3A_10, %dma_wait3A_29] : memref<65536x128xf32, #tpu.memory_space<hbm>> -> memref<128x128xf32, #tpu.memory_space<hbm>>
    %dma_wait3A_31 = arith.constant 0 : i32
    %dma_wait3A_32 = tpu.memref_slice %arg4[%mul3A_10, %dma_wait3A_31] : memref<65536x128xf32, #tpu.memory_space<hbm>> -> memref<128x128xf32, #tpu.memory_space<hbm>>
    tpu.wait_dma2 semaphore(%arg9 : memref<!tpu.dma_semaphore, #tpu.memory_space<semaphore_mem>>) src(%arg6 : memref<128x128xf32, #tpu.memory_space<vmem>>) dst(%dma_wait3A_32 : memref<128x128xf32, #tpu.memory_space<hbm>>)
    %add3A_33 = arith.constant 2 : i32
    %add3A_34 = arith.addi %mul3A_2, %add3A_33 : i32
    "tpu.region"() ({
      %run_scoped3A = tpu.sem_alloc : memref<!tpu.dma_semaphore, #tpu.memory_space<semaphore_mem>>
      %dma_start3A_289 = arith.constant 0 : i32
      %dma_start3A_290 = tpu.memref_slice %arg3[%add3A_34, %dma_start3A_289] : memref<512x128xi32, #tpu.memory_space<hbm>> -> memref<1x128xi32, #tpu.memory_space<hbm>>
      %dma_start3A_291 = tpu.memref_squeeze %dma_start3A_290 : memref<1x128xi32, #tpu.memory_space<hbm>> -> memref<128xi32, #tpu.memory_space<hbm>>
      %dma_start3A_292 = arith.constant 0 : i32
      %dma_start3A_293 = tpu.memref_slice %arg3[%add3A_34, %dma_start3A_292] : memref<512x128xi32, #tpu.memory_space<hbm>> -> memref<1x128xi32, #tpu.memory_space<hbm>>
      %dma_start3A_294 = tpu.memref_squeeze %dma_start3A_293 : memref<1x128xi32, #tpu.memory_space<hbm>> -> memref<128xi32, #tpu.memory_space<hbm>>
      tpu.enqueue_dma source(%dma_start3A_294 : memref<128xi32, #tpu.memory_space<hbm>>) target(%arg5 : memref<128xi32, #tpu.memory_space<vmem>>) target_semaphore(%run_scoped3A : memref<!tpu.dma_semaphore, #tpu.memory_space<semaphore_mem>>)
      %dma_wait3A_295 = arith.constant 0 : i32
      %dma_wait3A_296 = tpu.memref_slice %arg3[%add3A_34, %dma_wait3A_295] : memref<512x128xi32, #tpu.memory_space<hbm>> -> memref<1x128xi32, #tpu.memory_space<hbm>>
      %dma_wait3A_297 = tpu.memref_squeeze %dma_wait3A_296 : memref<1x128xi32, #tpu.memory_space<hbm>> -> memref<128xi32, #tpu.memory_space<hbm>>
      %dma_wait3A_298 = arith.constant 0 : i32
      %dma_wait3A_299 = tpu.memref_slice %arg3[%add3A_34, %dma_wait3A_298] : memref<512x128xi32, #tpu.memory_space<hbm>> -> memref<1x128xi32, #tpu.memory_space<hbm>>
      %dma_wait3A_300 = tpu.memref_squeeze %dma_wait3A_299 : memref<1x128xi32, #tpu.memory_space<hbm>> -> memref<128xi32, #tpu.memory_space<hbm>>
      tpu.wait_dma2 semaphore(%run_scoped3A : memref<!tpu.dma_semaphore, #tpu.memory_space<semaphore_mem>>) src(%dma_wait3A_300 : memref<128xi32, #tpu.memory_space<hbm>>) dst(%arg5 : memref<128xi32, #tpu.memory_space<vmem>>)
      tpu.yield
    }) : () -> ()
    %dma_start3A_35 = arith.constant 0 : i32
    %dma_start3A_36 = arith.constant 0 : i32
    %dma_start3A_37 = tpu.memref_slice %arg2[%dma_start3A_35, %dma_start3A_36] : memref<4096x128xf32, #tpu.memory_space<hbm>> -> memref<4096x128xf32, #tpu.memory_space<hbm>>
    tpu.enqueue_indirect_dma source(%dma_start3A_37 : memref<4096x128xf32, #tpu.memory_space<hbm>>) target(%arg6 : memref<128x128xf32, #tpu.memory_space<vmem>>) offsets(%arg5 : memref<128xi32, #tpu.memory_space<vmem>>) semaphore(%arg8 : memref<!tpu.dma_semaphore, #tpu.memory_space<semaphore_mem>>)
    %dma_wait3A_38 = arith.constant 0 : i32
    %dma_wait3A_39 = arith.constant 0 : i32
    %dma_wait3A_40 = tpu.memref_slice %arg2[%dma_wait3A_38, %dma_wait3A_39] : memref<4096x128xf32, #tpu.memory_space<hbm>> -> memref<4096x128xf32, #tpu.memory_space<hbm>>
    tpu.wait_indirect_dma semaphore(%arg8 : memref<!tpu.dma_semaphore, #tpu.memory_space<semaphore_mem>>) src(%dma_wait3A_40 : memref<4096x128xf32, #tpu.memory_space<hbm>>) dst(%arg6 : memref<128x128xf32, #tpu.memory_space<vmem>>)
    %mul3A_41 = arith.constant 128 : i32
    %mul3A_42 = arith.muli %add3A_34, %mul3A_41 : i32
    %dma_start3A_43 = arith.constant 0 : i32
    %dma_start3A_44 = tpu.memref_slice %arg4[%mul3A_42, %dma_start3A_43] : memref<65536x128xf32, #tpu.memory_space<hbm>> -> memref<128x128xf32, #tpu.memory_space<hbm>>
    %dma_start3A_45 = arith.constant 0 : i32
    %dma_start3A_46 = tpu.memref_slice %arg4[%mul3A_42, %dma_start3A_45] : memref<65536x128xf32, #tpu.memory_space<hbm>> -> memref<128x128xf32, #tpu.memory_space<hbm>>
    tpu.enqueue_dma source(%arg6 : memref<128x128xf32, #tpu.memory_space<vmem>>) target(%dma_start3A_46 : memref<128x128xf32, #tpu.memory_space<hbm>>) target_semaphore(%arg9 : memref<!tpu.dma_semaphore, #tpu.memory_space<semaphore_mem>>)
    %dma_wait3A_47 = arith.constant 0 : i32
    %dma_wait3A_48 = tpu.memref_slice %arg4[%mul3A_24, %dma_wait3A_47] : memref<65536x128xf32, #tpu.memory_space<hbm>> -> memref<128x128xf32, #tpu.memory_space<hbm>>
    %dma_wait3A_49 = arith.constant 0 : i32
    %dma_wait3A_50 = tpu.memref_slice %arg4[%mul3A_24, %dma_wait3A_49] : memref<65536x128xf32, #tpu.memory_space<hbm>> -> memref<128x128xf32, #tpu.memory_space<hbm>>
    tpu.wait_dma2 semaphore(%arg10 : memref<!tpu.dma_semaphore, #tpu.memory_space<semaphore_mem>>) src(%arg7 : memref<128x128xf32, #tpu.memory_space<vmem>>) dst(%dma_wait3A_50 : memref<128x128xf32, #tpu.memory_space<hbm>>)
    %add3A_51 = arith.constant 3 : i32
    %add3A_52 = arith.addi %mul3A_2, %add3A_51 : i32
    "tpu.region"() ({
      %run_scoped3A = tpu.sem_alloc : memref<!tpu.dma_semaphore, #tpu.memory_space<semaphore_mem>>
      %dma_start3A_289 = arith.constant 0 : i32
      %dma_start3A_290 = tpu.memref_slice %arg3[%add3A_52, %dma_start3A_289] : memref<512x128xi32, #tpu.memory_space<hbm>> -> memref<1x128xi32, #tpu.memory_space<hbm>>
      %dma_start3A_291 = tpu.memref_squeeze %dma_start3A_290 : memref<1x128xi32, #tpu.memory_space<hbm>> -> memref<128xi32, #tpu.memory_space<hbm>>
      %dma_start3A_292 = arith.constant 0 : i32
      %dma_start3A_293 = tpu.memref_slice %arg3[%add3A_52, %dma_start3A_292] : memref<512x128xi32, #tpu.memory_space<hbm>> -> memref<1x128xi32, #tpu.memory_space<hbm>>
      %dma_start3A_294 = tpu.memref_squeeze %dma_start3A_293 : memref<1x128xi32, #tpu.memory_space<hbm>> -> memref<128xi32, #tpu.memory_space<hbm>>
      tpu.enqueue_dma source(%dma_start3A_294 : memref<128xi32, #tpu.memory_space<hbm>>) target(%arg5 : memref<128xi32, #tpu.memory_space<vmem>>) target_semaphore(%run_scoped3A : memref<!tpu.dma_semaphore, #tpu.memory_space<semaphore_mem>>)
      %dma_wait3A_295 = arith.constant 0 : i32
      %dma_wait3A_296 = tpu.memref_slice %arg3[%add3A_52, %dma_wait3A_295] : memref<512x128xi32, #tpu.memory_space<hbm>> -> memref<1x128xi32, #tpu.memory_space<hbm>>
      %dma_wait3A_297 = tpu.memref_squeeze %dma_wait3A_296 : memref<1x128xi32, #tpu.memory_space<hbm>> -> memref<128xi32, #tpu.memory_space<hbm>>
      %dma_wait3A_298 = arith.constant 0 : i32
      %dma_wait3A_299 = tpu.memref_slice %arg3[%add3A_52, %dma_wait3A_298] : memref<512x128xi32, #tpu.memory_space<hbm>> -> memref<1x128xi32, #tpu.memory_space<hbm>>
      %dma_wait3A_300 = tpu.memref_squeeze %dma_wait3A_299 : memref<1x128xi32, #tpu.memory_space<hbm>> -> memref<128xi32, #tpu.memory_space<hbm>>
      tpu.wait_dma2 semaphore(%run_scoped3A : memref<!tpu.dma_semaphore, #tpu.memory_space<semaphore_mem>>) src(%dma_wait3A_300 : memref<128xi32, #tpu.memory_space<hbm>>) dst(%arg5 : memref<128xi32, #tpu.memory_space<vmem>>)
      tpu.yield
    }) : () -> ()
    %dma_start3A_53 = arith.constant 0 : i32
    %dma_start3A_54 = arith.constant 0 : i32
    %dma_start3A_55 = tpu.memref_slice %arg2[%dma_start3A_53, %dma_start3A_54] : memref<4096x128xf32, #tpu.memory_space<hbm>> -> memref<4096x128xf32, #tpu.memory_space<hbm>>
    tpu.enqueue_indirect_dma source(%dma_start3A_55 : memref<4096x128xf32, #tpu.memory_space<hbm>>) target(%arg7 : memref<128x128xf32, #tpu.memory_space<vmem>>) offsets(%arg5 : memref<128xi32, #tpu.memory_space<vmem>>) semaphore(%arg8 : memref<!tpu.dma_semaphore, #tpu.memory_space<semaphore_mem>>)
    %dma_wait3A_56 = arith.constant 0 : i32
    %dma_wait3A_57 = arith.constant 0 : i32
    %dma_wait3A_58 = tpu.memref_slice %arg2[%dma_wait3A_56, %dma_wait3A_57] : memref<4096x128xf32, #tpu.memory_space<hbm>> -> memref<4096x128xf32, #tpu.memory_space<hbm>>
    tpu.wait_indirect_dma semaphore(%arg8 : memref<!tpu.dma_semaphore, #tpu.memory_space<semaphore_mem>>) src(%dma_wait3A_58 : memref<4096x128xf32, #tpu.memory_space<hbm>>) dst(%arg7 : memref<128x128xf32, #tpu.memory_space<vmem>>)
    %mul3A_59 = arith.constant 128 : i32
    %mul3A_60 = arith.muli %add3A_52, %mul3A_59 : i32
    %dma_start3A_61 = arith.constant 0 : i32
    %dma_start3A_62 = tpu.memref_slice %arg4[%mul3A_60, %dma_start3A_61] : memref<65536x128xf32, #tpu.memory_space<hbm>> -> memref<128x128xf32, #tpu.memory_space<hbm>>
    %dma_start3A_63 = arith.constant 0 : i32
    %dma_start3A_64 = tpu.memref_slice %arg4[%mul3A_60, %dma_start3A_63] : memref<65536x128xf32, #tpu.memory_space<hbm>> -> memref<128x128xf32, #tpu.memory_space<hbm>>
    tpu.enqueue_dma source(%arg7 : memref<128x128xf32, #tpu.memory_space<vmem>>) target(%dma_start3A_64 : memref<128x128xf32, #tpu.memory_space<hbm>>) target_semaphore(%arg10 : memref<!tpu.dma_semaphore, #tpu.memory_space<semaphore_mem>>)
    %dma_wait3A_65 = arith.constant 0 : i32
    %dma_wait3A_66 = tpu.memref_slice %arg4[%mul3A_42, %dma_wait3A_65] : memref<65536x128xf32, #tpu.memory_space<hbm>> -> memref<128x128xf32, #tpu.memory_space<hbm>>
    %dma_wait3A_67 = arith.constant 0 : i32
    %dma_wait3A_68 = tpu.memref_slice %arg4[%mul3A_42, %dma_wait3A_67] : memref<65536x128xf32, #tpu.memory_space<hbm>> -> memref<128x128xf32, #tpu.memory_space<hbm>>
    tpu.wait_dma2 semaphore(%arg9 : memref<!tpu.dma_semaphore, #tpu.memory_space<semaphore_mem>>) src(%arg6 : memref<128x128xf32, #tpu.memory_space<vmem>>) dst(%dma_wait3A_68 : memref<128x128xf32, #tpu.memory_space<hbm>>)
    %add3A_69 = arith.constant 4 : i32
    %add3A_70 = arith.addi %mul3A_2, %add3A_69 : i32
    "tpu.region"() ({
      %run_scoped3A = tpu.sem_alloc : memref<!tpu.dma_semaphore, #tpu.memory_space<semaphore_mem>>
      %dma_start3A_289 = arith.constant 0 : i32
      %dma_start3A_290 = tpu.memref_slice %arg3[%add3A_70, %dma_start3A_289] : memref<512x128xi32, #tpu.memory_space<hbm>> -> memref<1x128xi32, #tpu.memory_space<hbm>>
      %dma_start3A_291 = tpu.memref_squeeze %dma_start3A_290 : memref<1x128xi32, #tpu.memory_space<hbm>> -> memref<128xi32, #tpu.memory_space<hbm>>
      %dma_start3A_292 = arith.constant 0 : i32
      %dma_start3A_293 = tpu.memref_slice %arg3[%add3A_70, %dma_start3A_292] : memref<512x128xi32, #tpu.memory_space<hbm>> -> memref<1x128xi32, #tpu.memory_space<hbm>>
      %dma_start3A_294 = tpu.memref_squeeze %dma_start3A_293 : memref<1x128xi32, #tpu.memory_space<hbm>> -> memref<128xi32, #tpu.memory_space<hbm>>
      tpu.enqueue_dma source(%dma_start3A_294 : memref<128xi32, #tpu.memory_space<hbm>>) target(%arg5 : memref<128xi32, #tpu.memory_space<vmem>>) target_semaphore(%run_scoped3A : memref<!tpu.dma_semaphore, #tpu.memory_space<semaphore_mem>>)
      %dma_wait3A_295 = arith.constant 0 : i32
      %dma_wait3A_296 = tpu.memref_slice %arg3[%add3A_70, %dma_wait3A_295] : memref<512x128xi32, #tpu.memory_space<hbm>> -> memref<1x128xi32, #tpu.memory_space<hbm>>
      %dma_wait3A_297 = tpu.memref_squeeze %dma_wait3A_296 : memref<1x128xi32, #tpu.memory_space<hbm>> -> memref<128xi32, #tpu.memory_space<hbm>>
      %dma_wait3A_298 = arith.constant 0 : i32
      %dma_wait3A_299 = tpu.memref_slice %arg3[%add3A_70, %dma_wait3A_298] : memref<512x128xi32, #tpu.memory_space<hbm>> -> memref<1x128xi32, #tpu.memory_space<hbm>>
      %dma_wait3A_300 = tpu.memref_squeeze %dma_wait3A_299 : memref<1x128xi32, #tpu.memory_space<hbm>> -> memref<128xi32, #tpu.memory_space<hbm>>
      tpu.wait_dma2 semaphore(%run_scoped3A : memref<!tpu.dma_semaphore, #tpu.memory_space<semaphore_mem>>) src(%dma_wait3A_300 : memref<128xi32, #tpu.memory_space<hbm>>) dst(%arg5 : memref<128xi32, #tpu.memory_space<vmem>>)
      tpu.yield
    }) : () -> ()
    %dma_start3A_71 = arith.constant 0 : i32
    %dma_start3A_72 = arith.constant 0 : i32
    %dma_start3A_73 = tpu.memref_slice %arg2[%dma_start3A_71, %dma_start3A_72] : memref<4096x128xf32, #tpu.memory_space<hbm>> -> memref<4096x128xf32, #tpu.memory_space<hbm>>
    tpu.enqueue_indirect_dma source(%dma_start3A_73 : memref<4096x128xf32, #tpu.memory_space<hbm>>) target(%arg6 : memref<128x128xf32, #tpu.memory_space<vmem>>) offsets(%arg5 : memref<128xi32, #tpu.memory_space<vmem>>) semaphore(%arg8 : memref<!tpu.dma_semaphore, #tpu.memory_space<semaphore_mem>>)
    %dma_wait3A_74 = arith.constant 0 : i32
    %dma_wait3A_75 = arith.constant 0 : i32
    %dma_wait3A_76 = tpu.memref_slice %arg2[%dma_wait3A_74, %dma_wait3A_75] : memref<4096x128xf32, #tpu.memory_space<hbm>> -> memref<4096x128xf32, #tpu.memory_space<hbm>>
    tpu.wait_indirect_dma semaphore(%arg8 : memref<!tpu.dma_semaphore, #tpu.memory_space<semaphore_mem>>) src(%dma_wait3A_76 : memref<4096x128xf32, #tpu.memory_space<hbm>>) dst(%arg6 : memref<128x128xf32, #tpu.memory_space<vmem>>)
    %mul3A_77 = arith.constant 128 : i32
    %mul3A_78 = arith.muli %add3A_70, %mul3A_77 : i32
    %dma_start3A_79 = arith.constant 0 : i32
    %dma_start3A_80 = tpu.memref_slice %arg4[%mul3A_78, %dma_start3A_79] : memref<65536x128xf32, #tpu.memory_space<hbm>> -> memref<128x128xf32, #tpu.memory_space<hbm>>
    %dma_start3A_81 = arith.constant 0 : i32
    %dma_start3A_82 = tpu.memref_slice %arg4[%mul3A_78, %dma_start3A_81] : memref<65536x128xf32, #tpu.memory_space<hbm>> -> memref<128x128xf32, #tpu.memory_space<hbm>>
    tpu.enqueue_dma source(%arg6 : memref<128x128xf32, #tpu.memory_space<vmem>>) target(%dma_start3A_82 : memref<128x128xf32, #tpu.memory_space<hbm>>) target_semaphore(%arg9 : memref<!tpu.dma_semaphore, #tpu.memory_space<semaphore_mem>>)
    %dma_wait3A_83 = arith.constant 0 : i32
    %dma_wait3A_84 = tpu.memref_slice %arg4[%mul3A_60, %dma_wait3A_83] : memref<65536x128xf32, #tpu.memory_space<hbm>> -> memref<128x128xf32, #tpu.memory_space<hbm>>
    %dma_wait3A_85 = arith.constant 0 : i32
    %dma_wait3A_86 = tpu.memref_slice %arg4[%mul3A_60, %dma_wait3A_85] : memref<65536x128xf32, #tpu.memory_space<hbm>> -> memref<128x128xf32, #tpu.memory_space<hbm>>
    tpu.wait_dma2 semaphore(%arg10 : memref<!tpu.dma_semaphore, #tpu.memory_space<semaphore_mem>>) src(%arg7 : memref<128x128xf32, #tpu.memory_space<vmem>>) dst(%dma_wait3A_86 : memref<128x128xf32, #tpu.memory_space<hbm>>)
    %add3A_87 = arith.constant 5 : i32
    %add3A_88 = arith.addi %mul3A_2, %add3A_87 : i32
    "tpu.region"() ({
      %run_scoped3A = tpu.sem_alloc : memref<!tpu.dma_semaphore, #tpu.memory_space<semaphore_mem>>
      %dma_start3A_289 = arith.constant 0 : i32
      %dma_start3A_290 = tpu.memref_slice %arg3[%add3A_88, %dma_start3A_289] : memref<512x128xi32, #tpu.memory_space<hbm>> -> memref<1x128xi32, #tpu.memory_space<hbm>>
      %dma_start3A_291 = tpu.memref_squeeze %dma_start3A_290 : memref<1x128xi32, #tpu.memory_space<hbm>> -> memref<128xi32, #tpu.memory_space<hbm>>
      %dma_start3A_292 = arith.constant 0 : i32
      %dma_start3A_293 = tpu.memref_slice %arg3[%add3A_88, %dma_start3A_292] : memref<512x128xi32, #tpu.memory_space<hbm>> -> memref<1x128xi32, #tpu.memory_space<hbm>>
      %dma_start3A_294 = tpu.memref_squeeze %dma_start3A_293 : memref<1x128xi32, #tpu.memory_space<hbm>> -> memref<128xi32, #tpu.memory_space<hbm>>
      tpu.enqueue_dma source(%dma_start3A_294 : memref<128xi32, #tpu.memory_space<hbm>>) target(%arg5 : memref<128xi32, #tpu.memory_space<vmem>>) target_semaphore(%run_scoped3A : memref<!tpu.dma_semaphore, #tpu.memory_space<semaphore_mem>>)
      %dma_wait3A_295 = arith.constant 0 : i32
      %dma_wait3A_296 = tpu.memref_slice %arg3[%add3A_88, %dma_wait3A_295] : memref<512x128xi32, #tpu.memory_space<hbm>> -> memref<1x128xi32, #tpu.memory_space<hbm>>
      %dma_wait3A_297 = tpu.memref_squeeze %dma_wait3A_296 : memref<1x128xi32, #tpu.memory_space<hbm>> -> memref<128xi32, #tpu.memory_space<hbm>>
      %dma_wait3A_298 = arith.constant 0 : i32
      %dma_wait3A_299 = tpu.memref_slice %arg3[%add3A_88, %dma_wait3A_298] : memref<512x128xi32, #tpu.memory_space<hbm>> -> memref<1x128xi32, #tpu.memory_space<hbm>>
      %dma_wait3A_300 = tpu.memref_squeeze %dma_wait3A_299 : memref<1x128xi32, #tpu.memory_space<hbm>> -> memref<128xi32, #tpu.memory_space<hbm>>
      tpu.wait_dma2 semaphore(%run_scoped3A : memref<!tpu.dma_semaphore, #tpu.memory_space<semaphore_mem>>) src(%dma_wait3A_300 : memref<128xi32, #tpu.memory_space<hbm>>) dst(%arg5 : memref<128xi32, #tpu.memory_space<vmem>>)
      tpu.yield
    }) : () -> ()
    %dma_start3A_89 = arith.constant 0 : i32
    %dma_start3A_90 = arith.constant 0 : i32
    %dma_start3A_91 = tpu.memref_slice %arg2[%dma_start3A_89, %dma_start3A_90] : memref<4096x128xf32, #tpu.memory_space<hbm>> -> memref<4096x128xf32, #tpu.memory_space<hbm>>
    tpu.enqueue_indirect_dma source(%dma_start3A_91 : memref<4096x128xf32, #tpu.memory_space<hbm>>) target(%arg7 : memref<128x128xf32, #tpu.memory_space<vmem>>) offsets(%arg5 : memref<128xi32, #tpu.memory_space<vmem>>) semaphore(%arg8 : memref<!tpu.dma_semaphore, #tpu.memory_space<semaphore_mem>>)
    %dma_wait3A_92 = arith.constant 0 : i32
    %dma_wait3A_93 = arith.constant 0 : i32
    %dma_wait3A_94 = tpu.memref_slice %arg2[%dma_wait3A_92, %dma_wait3A_93] : memref<4096x128xf32, #tpu.memory_space<hbm>> -> memref<4096x128xf32, #tpu.memory_space<hbm>>
    tpu.wait_indirect_dma semaphore(%arg8 : memref<!tpu.dma_semaphore, #tpu.memory_space<semaphore_mem>>) src(%dma_wait3A_94 : memref<4096x128xf32, #tpu.memory_space<hbm>>) dst(%arg7 : memref<128x128xf32, #tpu.memory_space<vmem>>)
    %mul3A_95 = arith.constant 128 : i32
    %mul3A_96 = arith.muli %add3A_88, %mul3A_95 : i32
    %dma_start3A_97 = arith.constant 0 : i32
    %dma_start3A_98 = tpu.memref_slice %arg4[%mul3A_96, %dma_start3A_97] : memref<65536x128xf32, #tpu.memory_space<hbm>> -> memref<128x128xf32, #tpu.memory_space<hbm>>
    %dma_start3A_99 = arith.constant 0 : i32
    %dma_start3A_100 = tpu.memref_slice %arg4[%mul3A_96, %dma_start3A_99] : memref<65536x128xf32, #tpu.memory_space<hbm>> -> memref<128x128xf32, #tpu.memory_space<hbm>>
    tpu.enqueue_dma source(%arg7 : memref<128x128xf32, #tpu.memory_space<vmem>>) target(%dma_start3A_100 : memref<128x128xf32, #tpu.memory_space<hbm>>) target_semaphore(%arg10 : memref<!tpu.dma_semaphore, #tpu.memory_space<semaphore_mem>>)
    %dma_wait3A_101 = arith.constant 0 : i32
    %dma_wait3A_102 = tpu.memref_slice %arg4[%mul3A_78, %dma_wait3A_101] : memref<65536x128xf32, #tpu.memory_space<hbm>> -> memref<128x128xf32, #tpu.memory_space<hbm>>
    %dma_wait3A_103 = arith.constant 0 : i32
    %dma_wait3A_104 = tpu.memref_slice %arg4[%mul3A_78, %dma_wait3A_103] : memref<65536x128xf32, #tpu.memory_space<hbm>> -> memref<128x128xf32, #tpu.memory_space<hbm>>
    tpu.wait_dma2 semaphore(%arg9 : memref<!tpu.dma_semaphore, #tpu.memory_space<semaphore_mem>>) src(%arg6 : memref<128x128xf32, #tpu.memory_space<vmem>>) dst(%dma_wait3A_104 : memref<128x128xf32, #tpu.memory_space<hbm>>)
    %add3A_105 = arith.constant 6 : i32
    %add3A_106 = arith.addi %mul3A_2, %add3A_105 : i32
    "tpu.region"() ({
      %run_scoped3A = tpu.sem_alloc : memref<!tpu.dma_semaphore, #tpu.memory_space<semaphore_mem>>
      %dma_start3A_289 = arith.constant 0 : i32
      %dma_start3A_290 = tpu.memref_slice %arg3[%add3A_106, %dma_start3A_289] : memref<512x128xi32, #tpu.memory_space<hbm>> -> memref<1x128xi32, #tpu.memory_space<hbm>>
      %dma_start3A_291 = tpu.memref_squeeze %dma_start3A_290 : memref<1x128xi32, #tpu.memory_space<hbm>> -> memref<128xi32, #tpu.memory_space<hbm>>
      %dma_start3A_292 = arith.constant 0 : i32
      %dma_start3A_293 = tpu.memref_slice %arg3[%add3A_106, %dma_start3A_292] : memref<512x128xi32, #tpu.memory_space<hbm>> -> memref<1x128xi32, #tpu.memory_space<hbm>>
      %dma_start3A_294 = tpu.memref_squeeze %dma_start3A_293 : memref<1x128xi32, #tpu.memory_space<hbm>> -> memref<128xi32, #tpu.memory_space<hbm>>
      tpu.enqueue_dma source(%dma_start3A_294 : memref<128xi32, #tpu.memory_space<hbm>>) target(%arg5 : memref<128xi32, #tpu.memory_space<vmem>>) target_semaphore(%run_scoped3A : memref<!tpu.dma_semaphore, #tpu.memory_space<semaphore_mem>>)
      %dma_wait3A_295 = arith.constant 0 : i32
      %dma_wait3A_296 = tpu.memref_slice %arg3[%add3A_106, %dma_wait3A_295] : memref<512x128xi32, #tpu.memory_space<hbm>> -> memref<1x128xi32, #tpu.memory_space<hbm>>
      %dma_wait3A_297 = tpu.memref_squeeze %dma_wait3A_296 : memref<1x128xi32, #tpu.memory_space<hbm>> -> memref<128xi32, #tpu.memory_space<hbm>>
      %dma_wait3A_298 = arith.constant 0 : i32
      %dma_wait3A_299 = tpu.memref_slice %arg3[%add3A_106, %dma_wait3A_298] : memref<512x128xi32, #tpu.memory_space<hbm>> -> memref<1x128xi32, #tpu.memory_space<hbm>>
      %dma_wait3A_300 = tpu.memref_squeeze %dma_wait3A_299 : memref<1x128xi32, #tpu.memory_space<hbm>> -> memref<128xi32, #tpu.memory_space<hbm>>
      tpu.wait_dma2 semaphore(%run_scoped3A : memref<!tpu.dma_semaphore, #tpu.memory_space<semaphore_mem>>) src(%dma_wait3A_300 : memref<128xi32, #tpu.memory_space<hbm>>) dst(%arg5 : memref<128xi32, #tpu.memory_space<vmem>>)
      tpu.yield
    }) : () -> ()
    %dma_start3A_107 = arith.constant 0 : i32
    %dma_start3A_108 = arith.constant 0 : i32
    %dma_start3A_109 = tpu.memref_slice %arg2[%dma_start3A_107, %dma_start3A_108] : memref<4096x128xf32, #tpu.memory_space<hbm>> -> memref<4096x128xf32, #tpu.memory_space<hbm>>
    tpu.enqueue_indirect_dma source(%dma_start3A_109 : memref<4096x128xf32, #tpu.memory_space<hbm>>) target(%arg6 : memref<128x128xf32, #tpu.memory_space<vmem>>) offsets(%arg5 : memref<128xi32, #tpu.memory_space<vmem>>) semaphore(%arg8 : memref<!tpu.dma_semaphore, #tpu.memory_space<semaphore_mem>>)
    %dma_wait3A_110 = arith.constant 0 : i32
    %dma_wait3A_111 = arith.constant 0 : i32
    %dma_wait3A_112 = tpu.memref_slice %arg2[%dma_wait3A_110, %dma_wait3A_111] : memref<4096x128xf32, #tpu.memory_space<hbm>> -> memref<4096x128xf32, #tpu.memory_space<hbm>>
    tpu.wait_indirect_dma semaphore(%arg8 : memref<!tpu.dma_semaphore, #tpu.memory_space<semaphore_mem>>) src(%dma_wait3A_112 : memref<4096x128xf32, #tpu.memory_space<hbm>>) dst(%arg6 : memref<128x128xf32, #tpu.memory_space<vmem>>)
    %mul3A_113 = arith.constant 128 : i32
    %mul3A_114 = arith.muli %add3A_106, %mul3A_113 : i32
    %dma_start3A_115 = arith.constant 0 : i32
    %dma_start3A_116 = tpu.memref_slice %arg4[%mul3A_114, %dma_start3A_115] : memref<65536x128xf32, #tpu.memory_space<hbm>> -> memref<128x128xf32, #tpu.memory_space<hbm>>
    %dma_start3A_117 = arith.constant 0 : i32
    %dma_start3A_118 = tpu.memref_slice %arg4[%mul3A_114, %dma_start3A_117] : memref<65536x128xf32, #tpu.memory_space<hbm>> -> memref<128x128xf32, #tpu.memory_space<hbm>>
    tpu.enqueue_dma source(%arg6 : memref<128x128xf32, #tpu.memory_space<vmem>>) target(%dma_start3A_118 : memref<128x128xf32, #tpu.memory_space<hbm>>) target_semaphore(%arg9 : memref<!tpu.dma_semaphore, #tpu.memory_space<semaphore_mem>>)
    %dma_wait3A_119 = arith.constant 0 : i32
    %dma_wait3A_120 = tpu.memref_slice %arg4[%mul3A_96, %dma_wait3A_119] : memref<65536x128xf32, #tpu.memory_space<hbm>> -> memref<128x128xf32, #tpu.memory_space<hbm>>
    %dma_wait3A_121 = arith.constant 0 : i32
    %dma_wait3A_122 = tpu.memref_slice %arg4[%mul3A_96, %dma_wait3A_121] : memref<65536x128xf32, #tpu.memory_space<hbm>> -> memref<128x128xf32, #tpu.memory_space<hbm>>
    tpu.wait_dma2 semaphore(%arg10 : memref<!tpu.dma_semaphore, #tpu.memory_space<semaphore_mem>>) src(%arg7 : memref<128x128xf32, #tpu.memory_space<vmem>>) dst(%dma_wait3A_122 : memref<128x128xf32, #tpu.memory_space<hbm>>)
    %add3A_123 = arith.constant 7 : i32
    %add3A_124 = arith.addi %mul3A_2, %add3A_123 : i32
    "tpu.region"() ({
      %run_scoped3A = tpu.sem_alloc : memref<!tpu.dma_semaphore, #tpu.memory_space<semaphore_mem>>
      %dma_start3A_289 = arith.constant 0 : i32
      %dma_start3A_290 = tpu.memref_slice %arg3[%add3A_124, %dma_start3A_289] : memref<512x128xi32, #tpu.memory_space<hbm>> -> memref<1x128xi32, #tpu.memory_space<hbm>>
      %dma_start3A_291 = tpu.memref_squeeze %dma_start3A_290 : memref<1x128xi32, #tpu.memory_space<hbm>> -> memref<128xi32, #tpu.memory_space<hbm>>
      %dma_start3A_292 = arith.constant 0 : i32
      %dma_start3A_293 = tpu.memref_slice %arg3[%add3A_124, %dma_start3A_292] : memref<512x128xi32, #tpu.memory_space<hbm>> -> memref<1x128xi32, #tpu.memory_space<hbm>>
      %dma_start3A_294 = tpu.memref_squeeze %dma_start3A_293 : memref<1x128xi32, #tpu.memory_space<hbm>> -> memref<128xi32, #tpu.memory_space<hbm>>
      tpu.enqueue_dma source(%dma_start3A_294 : memref<128xi32, #tpu.memory_space<hbm>>) target(%arg5 : memref<128xi32, #tpu.memory_space<vmem>>) target_semaphore(%run_scoped3A : memref<!tpu.dma_semaphore, #tpu.memory_space<semaphore_mem>>)
      %dma_wait3A_295 = arith.constant 0 : i32
      %dma_wait3A_296 = tpu.memref_slice %arg3[%add3A_124, %dma_wait3A_295] : memref<512x128xi32, #tpu.memory_space<hbm>> -> memref<1x128xi32, #tpu.memory_space<hbm>>
      %dma_wait3A_297 = tpu.memref_squeeze %dma_wait3A_296 : memref<1x128xi32, #tpu.memory_space<hbm>> -> memref<128xi32, #tpu.memory_space<hbm>>
      %dma_wait3A_298 = arith.constant 0 : i32
      %dma_wait3A_299 = tpu.memref_slice %arg3[%add3A_124, %dma_wait3A_298] : memref<512x128xi32, #tpu.memory_space<hbm>> -> memref<1x128xi32, #tpu.memory_space<hbm>>
      %dma_wait3A_300 = tpu.memref_squeeze %dma_wait3A_299 : memref<1x128xi32, #tpu.memory_space<hbm>> -> memref<128xi32, #tpu.memory_space<hbm>>
      tpu.wait_dma2 semaphore(%run_scoped3A : memref<!tpu.dma_semaphore, #tpu.memory_space<semaphore_mem>>) src(%dma_wait3A_300 : memref<128xi32, #tpu.memory_space<hbm>>) dst(%arg5 : memref<128xi32, #tpu.memory_space<vmem>>)
      tpu.yield
    }) : () -> ()
    %dma_start3A_125 = arith.constant 0 : i32
    %dma_start3A_126 = arith.constant 0 : i32
    %dma_start3A_127 = tpu.memref_slice %arg2[%dma_start3A_125, %dma_start3A_126] : memref<4096x128xf32, #tpu.memory_space<hbm>> -> memref<4096x128xf32, #tpu.memory_space<hbm>>
    tpu.enqueue_indirect_dma source(%dma_start3A_127 : memref<4096x128xf32, #tpu.memory_space<hbm>>) target(%arg7 : memref<128x128xf32, #tpu.memory_space<vmem>>) offsets(%arg5 : memref<128xi32, #tpu.memory_space<vmem>>) semaphore(%arg8 : memref<!tpu.dma_semaphore, #tpu.memory_space<semaphore_mem>>)
    %dma_wait3A_128 = arith.constant 0 : i32
    %dma_wait3A_129 = arith.constant 0 : i32
    %dma_wait3A_130 = tpu.memref_slice %arg2[%dma_wait3A_128, %dma_wait3A_129] : memref<4096x128xf32, #tpu.memory_space<hbm>> -> memref<4096x128xf32, #tpu.memory_space<hbm>>
    tpu.wait_indirect_dma semaphore(%arg8 : memref<!tpu.dma_semaphore, #tpu.memory_space<semaphore_mem>>) src(%dma_wait3A_130 : memref<4096x128xf32, #tpu.memory_space<hbm>>) dst(%arg7 : memref<128x128xf32, #tpu.memory_space<vmem>>)
    %mul3A_131 = arith.constant 128 : i32
    %mul3A_132 = arith.muli %add3A_124, %mul3A_131 : i32
    %dma_start3A_133 = arith.constant 0 : i32
    %dma_start3A_134 = tpu.memref_slice %arg4[%mul3A_132, %dma_start3A_133] : memref<65536x128xf32, #tpu.memory_space<hbm>> -> memref<128x128xf32, #tpu.memory_space<hbm>>
    %dma_start3A_135 = arith.constant 0 : i32
    %dma_start3A_136 = tpu.memref_slice %arg4[%mul3A_132, %dma_start3A_135] : memref<65536x128xf32, #tpu.memory_space<hbm>> -> memref<128x128xf32, #tpu.memory_space<hbm>>
    tpu.enqueue_dma source(%arg7 : memref<128x128xf32, #tpu.memory_space<vmem>>) target(%dma_start3A_136 : memref<128x128xf32, #tpu.memory_space<hbm>>) target_semaphore(%arg10 : memref<!tpu.dma_semaphore, #tpu.memory_space<semaphore_mem>>)
    %dma_wait3A_137 = arith.constant 0 : i32
    %dma_wait3A_138 = tpu.memref_slice %arg4[%mul3A_114, %dma_wait3A_137] : memref<65536x128xf32, #tpu.memory_space<hbm>> -> memref<128x128xf32, #tpu.memory_space<hbm>>
    %dma_wait3A_139 = arith.constant 0 : i32
    %dma_wait3A_140 = tpu.memref_slice %arg4[%mul3A_114, %dma_wait3A_139] : memref<65536x128xf32, #tpu.memory_space<hbm>> -> memref<128x128xf32, #tpu.memory_space<hbm>>
    tpu.wait_dma2 semaphore(%arg9 : memref<!tpu.dma_semaphore, #tpu.memory_space<semaphore_mem>>) src(%arg6 : memref<128x128xf32, #tpu.memory_space<vmem>>) dst(%dma_wait3A_140 : memref<128x128xf32, #tpu.memory_space<hbm>>)
    %add3A_141 = arith.constant 8 : i32
    %add3A_142 = arith.addi %mul3A_2, %add3A_141 : i32
    "tpu.region"() ({
      %run_scoped3A = tpu.sem_alloc : memref<!tpu.dma_semaphore, #tpu.memory_space<semaphore_mem>>
      %dma_start3A_289 = arith.constant 0 : i32
      %dma_start3A_290 = tpu.memref_slice %arg3[%add3A_142, %dma_start3A_289] : memref<512x128xi32, #tpu.memory_space<hbm>> -> memref<1x128xi32, #tpu.memory_space<hbm>>
      %dma_start3A_291 = tpu.memref_squeeze %dma_start3A_290 : memref<1x128xi32, #tpu.memory_space<hbm>> -> memref<128xi32, #tpu.memory_space<hbm>>
      %dma_start3A_292 = arith.constant 0 : i32
      %dma_start3A_293 = tpu.memref_slice %arg3[%add3A_142, %dma_start3A_292] : memref<512x128xi32, #tpu.memory_space<hbm>> -> memref<1x128xi32, #tpu.memory_space<hbm>>
      %dma_start3A_294 = tpu.memref_squeeze %dma_start3A_293 : memref<1x128xi32, #tpu.memory_space<hbm>> -> memref<128xi32, #tpu.memory_space<hbm>>
      tpu.enqueue_dma source(%dma_start3A_294 : memref<128xi32, #tpu.memory_space<hbm>>) target(%arg5 : memref<128xi32, #tpu.memory_space<vmem>>) target_semaphore(%run_scoped3A : memref<!tpu.dma_semaphore, #tpu.memory_space<semaphore_mem>>)
      %dma_wait3A_295 = arith.constant 0 : i32
      %dma_wait3A_296 = tpu.memref_slice %arg3[%add3A_142, %dma_wait3A_295] : memref<512x128xi32, #tpu.memory_space<hbm>> -> memref<1x128xi32, #tpu.memory_space<hbm>>
      %dma_wait3A_297 = tpu.memref_squeeze %dma_wait3A_296 : memref<1x128xi32, #tpu.memory_space<hbm>> -> memref<128xi32, #tpu.memory_space<hbm>>
      %dma_wait3A_298 = arith.constant 0 : i32
      %dma_wait3A_299 = tpu.memref_slice %arg3[%add3A_142, %dma_wait3A_298] : memref<512x128xi32, #tpu.memory_space<hbm>> -> memref<1x128xi32, #tpu.memory_space<hbm>>
      %dma_wait3A_300 = tpu.memref_squeeze %dma_wait3A_299 : memref<1x128xi32, #tpu.memory_space<hbm>> -> memref<128xi32, #tpu.memory_space<hbm>>
      tpu.wait_dma2 semaphore(%run_scoped3A : memref<!tpu.dma_semaphore, #tpu.memory_space<semaphore_mem>>) src(%dma_wait3A_300 : memref<128xi32, #tpu.memory_space<hbm>>) dst(%arg5 : memref<128xi32, #tpu.memory_space<vmem>>)
      tpu.yield
    }) : () -> ()
    %dma_start3A_143 = arith.constant 0 : i32
    %dma_start3A_144 = arith.constant 0 : i32
    %dma_start3A_145 = tpu.memref_slice %arg2[%dma_start3A_143, %dma_start3A_144] : memref<4096x128xf32, #tpu.memory_space<hbm>> -> memref<4096x128xf32, #tpu.memory_space<hbm>>
    tpu.enqueue_indirect_dma source(%dma_start3A_145 : memref<4096x128xf32, #tpu.memory_space<hbm>>) target(%arg6 : memref<128x128xf32, #tpu.memory_space<vmem>>) offsets(%arg5 : memref<128xi32, #tpu.memory_space<vmem>>) semaphore(%arg8 : memref<!tpu.dma_semaphore, #tpu.memory_space<semaphore_mem>>)
    %dma_wait3A_146 = arith.constant 0 : i32
    %dma_wait3A_147 = arith.constant 0 : i32
    %dma_wait3A_148 = tpu.memref_slice %arg2[%dma_wait3A_146, %dma_wait3A_147] : memref<4096x128xf32, #tpu.memory_space<hbm>> -> memref<4096x128xf32, #tpu.memory_space<hbm>>
    tpu.wait_indirect_dma semaphore(%arg8 : memref<!tpu.dma_semaphore, #tpu.memory_space<semaphore_mem>>) src(%dma_wait3A_148 : memref<4096x128xf32, #tpu.memory_space<hbm>>) dst(%arg6 : memref<128x128xf32, #tpu.memory_space<vmem>>)
    %mul3A_149 = arith.constant 128 : i32
    %mul3A_150 = arith.muli %add3A_142, %mul3A_149 : i32
    %dma_start3A_151 = arith.constant 0 : i32
    %dma_start3A_152 = tpu.memref_slice %arg4[%mul3A_150, %dma_start3A_151] : memref<65536x128xf32, #tpu.memory_space<hbm>> -> memref<128x128xf32, #tpu.memory_space<hbm>>
    %dma_start3A_153 = arith.constant 0 : i32
    %dma_start3A_154 = tpu.memref_slice %arg4[%mul3A_150, %dma_start3A_153] : memref<65536x128xf32, #tpu.memory_space<hbm>> -> memref<128x128xf32, #tpu.memory_space<hbm>>
    tpu.enqueue_dma source(%arg6 : memref<128x128xf32, #tpu.memory_space<vmem>>) target(%dma_start3A_154 : memref<128x128xf32, #tpu.memory_space<hbm>>) target_semaphore(%arg9 : memref<!tpu.dma_semaphore, #tpu.memory_space<semaphore_mem>>)
    %dma_wait3A_155 = arith.constant 0 : i32
    %dma_wait3A_156 = tpu.memref_slice %arg4[%mul3A_132, %dma_wait3A_155] : memref<65536x128xf32, #tpu.memory_space<hbm>> -> memref<128x128xf32, #tpu.memory_space<hbm>>
    %dma_wait3A_157 = arith.constant 0 : i32
    %dma_wait3A_158 = tpu.memref_slice %arg4[%mul3A_132, %dma_wait3A_157] : memref<65536x128xf32, #tpu.memory_space<hbm>> -> memref<128x128xf32, #tpu.memory_space<hbm>>
    tpu.wait_dma2 semaphore(%arg10 : memref<!tpu.dma_semaphore, #tpu.memory_space<semaphore_mem>>) src(%arg7 : memref<128x128xf32, #tpu.memory_space<vmem>>) dst(%dma_wait3A_158 : memref<128x128xf32, #tpu.memory_space<hbm>>)
    %add3A_159 = arith.constant 9 : i32
    %add3A_160 = arith.addi %mul3A_2, %add3A_159 : i32
    "tpu.region"() ({
      %run_scoped3A = tpu.sem_alloc : memref<!tpu.dma_semaphore, #tpu.memory_space<semaphore_mem>>
      %dma_start3A_289 = arith.constant 0 : i32
      %dma_start3A_290 = tpu.memref_slice %arg3[%add3A_160, %dma_start3A_289] : memref<512x128xi32, #tpu.memory_space<hbm>> -> memref<1x128xi32, #tpu.memory_space<hbm>>
      %dma_start3A_291 = tpu.memref_squeeze %dma_start3A_290 : memref<1x128xi32, #tpu.memory_space<hbm>> -> memref<128xi32, #tpu.memory_space<hbm>>
      %dma_start3A_292 = arith.constant 0 : i32
      %dma_start3A_293 = tpu.memref_slice %arg3[%add3A_160, %dma_start3A_292] : memref<512x128xi32, #tpu.memory_space<hbm>> -> memref<1x128xi32, #tpu.memory_space<hbm>>
      %dma_start3A_294 = tpu.memref_squeeze %dma_start3A_293 : memref<1x128xi32, #tpu.memory_space<hbm>> -> memref<128xi32, #tpu.memory_space<hbm>>
      tpu.enqueue_dma source(%dma_start3A_294 : memref<128xi32, #tpu.memory_space<hbm>>) target(%arg5 : memref<128xi32, #tpu.memory_space<vmem>>) target_semaphore(%run_scoped3A : memref<!tpu.dma_semaphore, #tpu.memory_space<semaphore_mem>>)
      %dma_wait3A_295 = arith.constant 0 : i32
      %dma_wait3A_296 = tpu.memref_slice %arg3[%add3A_160, %dma_wait3A_295] : memref<512x128xi32, #tpu.memory_space<hbm>> -> memref<1x128xi32, #tpu.memory_space<hbm>>
      %dma_wait3A_297 = tpu.memref_squeeze %dma_wait3A_296 : memref<1x128xi32, #tpu.memory_space<hbm>> -> memref<128xi32, #tpu.memory_space<hbm>>
      %dma_wait3A_298 = arith.constant 0 : i32
      %dma_wait3A_299 = tpu.memref_slice %arg3[%add3A_160, %dma_wait3A_298] : memref<512x128xi32, #tpu.memory_space<hbm>> -> memref<1x128xi32, #tpu.memory_space<hbm>>
      %dma_wait3A_300 = tpu.memref_squeeze %dma_wait3A_299 : memref<1x128xi32, #tpu.memory_space<hbm>> -> memref<128xi32, #tpu.memory_space<hbm>>
      tpu.wait_dma2 semaphore(%run_scoped3A : memref<!tpu.dma_semaphore, #tpu.memory_space<semaphore_mem>>) src(%dma_wait3A_300 : memref<128xi32, #tpu.memory_space<hbm>>) dst(%arg5 : memref<128xi32, #tpu.memory_space<vmem>>)
      tpu.yield
    }) : () -> ()
    %dma_start3A_161 = arith.constant 0 : i32
    %dma_start3A_162 = arith.constant 0 : i32
    %dma_start3A_163 = tpu.memref_slice %arg2[%dma_start3A_161, %dma_start3A_162] : memref<4096x128xf32, #tpu.memory_space<hbm>> -> memref<4096x128xf32, #tpu.memory_space<hbm>>
    tpu.enqueue_indirect_dma source(%dma_start3A_163 : memref<4096x128xf32, #tpu.memory_space<hbm>>) target(%arg7 : memref<128x128xf32, #tpu.memory_space<vmem>>) offsets(%arg5 : memref<128xi32, #tpu.memory_space<vmem>>) semaphore(%arg8 : memref<!tpu.dma_semaphore, #tpu.memory_space<semaphore_mem>>)
    %dma_wait3A_164 = arith.constant 0 : i32
    %dma_wait3A_165 = arith.constant 0 : i32
    %dma_wait3A_166 = tpu.memref_slice %arg2[%dma_wait3A_164, %dma_wait3A_165] : memref<4096x128xf32, #tpu.memory_space<hbm>> -> memref<4096x128xf32, #tpu.memory_space<hbm>>
    tpu.wait_indirect_dma semaphore(%arg8 : memref<!tpu.dma_semaphore, #tpu.memory_space<semaphore_mem>>) src(%dma_wait3A_166 : memref<4096x128xf32, #tpu.memory_space<hbm>>) dst(%arg7 : memref<128x128xf32, #tpu.memory_space<vmem>>)
    %mul3A_167 = arith.constant 128 : i32
    %mul3A_168 = arith.muli %add3A_160, %mul3A_167 : i32
    %dma_start3A_169 = arith.constant 0 : i32
    %dma_start3A_170 = tpu.memref_slice %arg4[%mul3A_168, %dma_start3A_169] : memref<65536x128xf32, #tpu.memory_space<hbm>> -> memref<128x128xf32, #tpu.memory_space<hbm>>
    %dma_start3A_171 = arith.constant 0 : i32
    %dma_start3A_172 = tpu.memref_slice %arg4[%mul3A_168, %dma_start3A_171] : memref<65536x128xf32, #tpu.memory_space<hbm>> -> memref<128x128xf32, #tpu.memory_space<hbm>>
    tpu.enqueue_dma source(%arg7 : memref<128x128xf32, #tpu.memory_space<vmem>>) target(%dma_start3A_172 : memref<128x128xf32, #tpu.memory_space<hbm>>) target_semaphore(%arg10 : memref<!tpu.dma_semaphore, #tpu.memory_space<semaphore_mem>>)
    %dma_wait3A_173 = arith.constant 0 : i32
    %dma_wait3A_174 = tpu.memref_slice %arg4[%mul3A_150, %dma_wait3A_173] : memref<65536x128xf32, #tpu.memory_space<hbm>> -> memref<128x128xf32, #tpu.memory_space<hbm>>
    %dma_wait3A_175 = arith.constant 0 : i32
    %dma_wait3A_176 = tpu.memref_slice %arg4[%mul3A_150, %dma_wait3A_175] : memref<65536x128xf32, #tpu.memory_space<hbm>> -> memref<128x128xf32, #tpu.memory_space<hbm>>
    tpu.wait_dma2 semaphore(%arg9 : memref<!tpu.dma_semaphore, #tpu.memory_space<semaphore_mem>>) src(%arg6 : memref<128x128xf32, #tpu.memory_space<vmem>>) dst(%dma_wait3A_176 : memref<128x128xf32, #tpu.memory_space<hbm>>)
    %add3A_177 = arith.constant 10 : i32
    %add3A_178 = arith.addi %mul3A_2, %add3A_177 : i32
    "tpu.region"() ({
      %run_scoped3A = tpu.sem_alloc : memref<!tpu.dma_semaphore, #tpu.memory_space<semaphore_mem>>
      %dma_start3A_289 = arith.constant 0 : i32
      %dma_start3A_290 = tpu.memref_slice %arg3[%add3A_178, %dma_start3A_289] : memref<512x128xi32, #tpu.memory_space<hbm>> -> memref<1x128xi32, #tpu.memory_space<hbm>>
      %dma_start3A_291 = tpu.memref_squeeze %dma_start3A_290 : memref<1x128xi32, #tpu.memory_space<hbm>> -> memref<128xi32, #tpu.memory_space<hbm>>
      %dma_start3A_292 = arith.constant 0 : i32
      %dma_start3A_293 = tpu.memref_slice %arg3[%add3A_178, %dma_start3A_292] : memref<512x128xi32, #tpu.memory_space<hbm>> -> memref<1x128xi32, #tpu.memory_space<hbm>>
      %dma_start3A_294 = tpu.memref_squeeze %dma_start3A_293 : memref<1x128xi32, #tpu.memory_space<hbm>> -> memref<128xi32, #tpu.memory_space<hbm>>
      tpu.enqueue_dma source(%dma_start3A_294 : memref<128xi32, #tpu.memory_space<hbm>>) target(%arg5 : memref<128xi32, #tpu.memory_space<vmem>>) target_semaphore(%run_scoped3A : memref<!tpu.dma_semaphore, #tpu.memory_space<semaphore_mem>>)
      %dma_wait3A_295 = arith.constant 0 : i32
      %dma_wait3A_296 = tpu.memref_slice %arg3[%add3A_178, %dma_wait3A_295] : memref<512x128xi32, #tpu.memory_space<hbm>> -> memref<1x128xi32, #tpu.memory_space<hbm>>
      %dma_wait3A_297 = tpu.memref_squeeze %dma_wait3A_296 : memref<1x128xi32, #tpu.memory_space<hbm>> -> memref<128xi32, #tpu.memory_space<hbm>>
      %dma_wait3A_298 = arith.constant 0 : i32
      %dma_wait3A_299 = tpu.memref_slice %arg3[%add3A_178, %dma_wait3A_298] : memref<512x128xi32, #tpu.memory_space<hbm>> -> memref<1x128xi32, #tpu.memory_space<hbm>>
      %dma_wait3A_300 = tpu.memref_squeeze %dma_wait3A_299 : memref<1x128xi32, #tpu.memory_space<hbm>> -> memref<128xi32, #tpu.memory_space<hbm>>
      tpu.wait_dma2 semaphore(%run_scoped3A : memref<!tpu.dma_semaphore, #tpu.memory_space<semaphore_mem>>) src(%dma_wait3A_300 : memref<128xi32, #tpu.memory_space<hbm>>) dst(%arg5 : memref<128xi32, #tpu.memory_space<vmem>>)
      tpu.yield
    }) : () -> ()
    %dma_start3A_179 = arith.constant 0 : i32
    %dma_start3A_180 = arith.constant 0 : i32
    %dma_start3A_181 = tpu.memref_slice %arg2[%dma_start3A_179, %dma_start3A_180] : memref<4096x128xf32, #tpu.memory_space<hbm>> -> memref<4096x128xf32, #tpu.memory_space<hbm>>
    tpu.enqueue_indirect_dma source(%dma_start3A_181 : memref<4096x128xf32, #tpu.memory_space<hbm>>) target(%arg6 : memref<128x128xf32, #tpu.memory_space<vmem>>) offsets(%arg5 : memref<128xi32, #tpu.memory_space<vmem>>) semaphore(%arg8 : memref<!tpu.dma_semaphore, #tpu.memory_space<semaphore_mem>>)
    %dma_wait3A_182 = arith.constant 0 : i32
    %dma_wait3A_183 = arith.constant 0 : i32
    %dma_wait3A_184 = tpu.memref_slice %arg2[%dma_wait3A_182, %dma_wait3A_183] : memref<4096x128xf32, #tpu.memory_space<hbm>> -> memref<4096x128xf32, #tpu.memory_space<hbm>>
    tpu.wait_indirect_dma semaphore(%arg8 : memref<!tpu.dma_semaphore, #tpu.memory_space<semaphore_mem>>) src(%dma_wait3A_184 : memref<4096x128xf32, #tpu.memory_space<hbm>>) dst(%arg6 : memref<128x128xf32, #tpu.memory_space<vmem>>)
    %mul3A_185 = arith.constant 128 : i32
    %mul3A_186 = arith.muli %add3A_178, %mul3A_185 : i32
    %dma_start3A_187 = arith.constant 0 : i32
    %dma_start3A_188 = tpu.memref_slice %arg4[%mul3A_186, %dma_start3A_187] : memref<65536x128xf32, #tpu.memory_space<hbm>> -> memref<128x128xf32, #tpu.memory_space<hbm>>
    %dma_start3A_189 = arith.constant 0 : i32
    %dma_start3A_190 = tpu.memref_slice %arg4[%mul3A_186, %dma_start3A_189] : memref<65536x128xf32, #tpu.memory_space<hbm>> -> memref<128x128xf32, #tpu.memory_space<hbm>>
    tpu.enqueue_dma source(%arg6 : memref<128x128xf32, #tpu.memory_space<vmem>>) target(%dma_start3A_190 : memref<128x128xf32, #tpu.memory_space<hbm>>) target_semaphore(%arg9 : memref<!tpu.dma_semaphore, #tpu.memory_space<semaphore_mem>>)
    %dma_wait3A_191 = arith.constant 0 : i32
    %dma_wait3A_192 = tpu.memref_slice %arg4[%mul3A_168, %dma_wait3A_191] : memref<65536x128xf32, #tpu.memory_space<hbm>> -> memref<128x128xf32, #tpu.memory_space<hbm>>
    %dma_wait3A_193 = arith.constant 0 : i32
    %dma_wait3A_194 = tpu.memref_slice %arg4[%mul3A_168, %dma_wait3A_193] : memref<65536x128xf32, #tpu.memory_space<hbm>> -> memref<128x128xf32, #tpu.memory_space<hbm>>
    tpu.wait_dma2 semaphore(%arg10 : memref<!tpu.dma_semaphore, #tpu.memory_space<semaphore_mem>>) src(%arg7 : memref<128x128xf32, #tpu.memory_space<vmem>>) dst(%dma_wait3A_194 : memref<128x128xf32, #tpu.memory_space<hbm>>)
    %add3A_195 = arith.constant 11 : i32
    %add3A_196 = arith.addi %mul3A_2, %add3A_195 : i32
    "tpu.region"() ({
      %run_scoped3A = tpu.sem_alloc : memref<!tpu.dma_semaphore, #tpu.memory_space<semaphore_mem>>
      %dma_start3A_289 = arith.constant 0 : i32
      %dma_start3A_290 = tpu.memref_slice %arg3[%add3A_196, %dma_start3A_289] : memref<512x128xi32, #tpu.memory_space<hbm>> -> memref<1x128xi32, #tpu.memory_space<hbm>>
      %dma_start3A_291 = tpu.memref_squeeze %dma_start3A_290 : memref<1x128xi32, #tpu.memory_space<hbm>> -> memref<128xi32, #tpu.memory_space<hbm>>
      %dma_start3A_292 = arith.constant 0 : i32
      %dma_start3A_293 = tpu.memref_slice %arg3[%add3A_196, %dma_start3A_292] : memref<512x128xi32, #tpu.memory_space<hbm>> -> memref<1x128xi32, #tpu.memory_space<hbm>>
      %dma_start3A_294 = tpu.memref_squeeze %dma_start3A_293 : memref<1x128xi32, #tpu.memory_space<hbm>> -> memref<128xi32, #tpu.memory_space<hbm>>
      tpu.enqueue_dma source(%dma_start3A_294 : memref<128xi32, #tpu.memory_space<hbm>>) target(%arg5 : memref<128xi32, #tpu.memory_space<vmem>>) target_semaphore(%run_scoped3A : memref<!tpu.dma_semaphore, #tpu.memory_space<semaphore_mem>>)
      %dma_wait3A_295 = arith.constant 0 : i32
      %dma_wait3A_296 = tpu.memref_slice %arg3[%add3A_196, %dma_wait3A_295] : memref<512x128xi32, #tpu.memory_space<hbm>> -> memref<1x128xi32, #tpu.memory_space<hbm>>
      %dma_wait3A_297 = tpu.memref_squeeze %dma_wait3A_296 : memref<1x128xi32, #tpu.memory_space<hbm>> -> memref<128xi32, #tpu.memory_space<hbm>>
      %dma_wait3A_298 = arith.constant 0 : i32
      %dma_wait3A_299 = tpu.memref_slice %arg3[%add3A_196, %dma_wait3A_298] : memref<512x128xi32, #tpu.memory_space<hbm>> -> memref<1x128xi32, #tpu.memory_space<hbm>>
      %dma_wait3A_300 = tpu.memref_squeeze %dma_wait3A_299 : memref<1x128xi32, #tpu.memory_space<hbm>> -> memref<128xi32, #tpu.memory_space<hbm>>
      tpu.wait_dma2 semaphore(%run_scoped3A : memref<!tpu.dma_semaphore, #tpu.memory_space<semaphore_mem>>) src(%dma_wait3A_300 : memref<128xi32, #tpu.memory_space<hbm>>) dst(%arg5 : memref<128xi32, #tpu.memory_space<vmem>>)
      tpu.yield
    }) : () -> ()
    %dma_start3A_197 = arith.constant 0 : i32
    %dma_start3A_198 = arith.constant 0 : i32
    %dma_start3A_199 = tpu.memref_slice %arg2[%dma_start3A_197, %dma_start3A_198] : memref<4096x128xf32, #tpu.memory_space<hbm>> -> memref<4096x128xf32, #tpu.memory_space<hbm>>
    tpu.enqueue_indirect_dma source(%dma_start3A_199 : memref<4096x128xf32, #tpu.memory_space<hbm>>) target(%arg7 : memref<128x128xf32, #tpu.memory_space<vmem>>) offsets(%arg5 : memref<128xi32, #tpu.memory_space<vmem>>) semaphore(%arg8 : memref<!tpu.dma_semaphore, #tpu.memory_space<semaphore_mem>>)
    %dma_wait3A_200 = arith.constant 0 : i32
    %dma_wait3A_201 = arith.constant 0 : i32
    %dma_wait3A_202 = tpu.memref_slice %arg2[%dma_wait3A_200, %dma_wait3A_201] : memref<4096x128xf32, #tpu.memory_space<hbm>> -> memref<4096x128xf32, #tpu.memory_space<hbm>>
    tpu.wait_indirect_dma semaphore(%arg8 : memref<!tpu.dma_semaphore, #tpu.memory_space<semaphore_mem>>) src(%dma_wait3A_202 : memref<4096x128xf32, #tpu.memory_space<hbm>>) dst(%arg7 : memref<128x128xf32, #tpu.memory_space<vmem>>)
    %mul3A_203 = arith.constant 128 : i32
    %mul3A_204 = arith.muli %add3A_196, %mul3A_203 : i32
    %dma_start3A_205 = arith.constant 0 : i32
    %dma_start3A_206 = tpu.memref_slice %arg4[%mul3A_204, %dma_start3A_205] : memref<65536x128xf32, #tpu.memory_space<hbm>> -> memref<128x128xf32, #tpu.memory_space<hbm>>
    %dma_start3A_207 = arith.constant 0 : i32
    %dma_start3A_208 = tpu.memref_slice %arg4[%mul3A_204, %dma_start3A_207] : memref<65536x128xf32, #tpu.memory_space<hbm>> -> memref<128x128xf32, #tpu.memory_space<hbm>>
    tpu.enqueue_dma source(%arg7 : memref<128x128xf32, #tpu.memory_space<vmem>>) target(%dma_start3A_208 : memref<128x128xf32, #tpu.memory_space<hbm>>) target_semaphore(%arg10 : memref<!tpu.dma_semaphore, #tpu.memory_space<semaphore_mem>>)
    %dma_wait3A_209 = arith.constant 0 : i32
    %dma_wait3A_210 = tpu.memref_slice %arg4[%mul3A_186, %dma_wait3A_209] : memref<65536x128xf32, #tpu.memory_space<hbm>> -> memref<128x128xf32, #tpu.memory_space<hbm>>
    %dma_wait3A_211 = arith.constant 0 : i32
    %dma_wait3A_212 = tpu.memref_slice %arg4[%mul3A_186, %dma_wait3A_211] : memref<65536x128xf32, #tpu.memory_space<hbm>> -> memref<128x128xf32, #tpu.memory_space<hbm>>
    tpu.wait_dma2 semaphore(%arg9 : memref<!tpu.dma_semaphore, #tpu.memory_space<semaphore_mem>>) src(%arg6 : memref<128x128xf32, #tpu.memory_space<vmem>>) dst(%dma_wait3A_212 : memref<128x128xf32, #tpu.memory_space<hbm>>)
    %add3A_213 = arith.constant 12 : i32
    %add3A_214 = arith.addi %mul3A_2, %add3A_213 : i32
    "tpu.region"() ({
      %run_scoped3A = tpu.sem_alloc : memref<!tpu.dma_semaphore, #tpu.memory_space<semaphore_mem>>
      %dma_start3A_289 = arith.constant 0 : i32
      %dma_start3A_290 = tpu.memref_slice %arg3[%add3A_214, %dma_start3A_289] : memref<512x128xi32, #tpu.memory_space<hbm>> -> memref<1x128xi32, #tpu.memory_space<hbm>>
      %dma_start3A_291 = tpu.memref_squeeze %dma_start3A_290 : memref<1x128xi32, #tpu.memory_space<hbm>> -> memref<128xi32, #tpu.memory_space<hbm>>
      %dma_start3A_292 = arith.constant 0 : i32
      %dma_start3A_293 = tpu.memref_slice %arg3[%add3A_214, %dma_start3A_292] : memref<512x128xi32, #tpu.memory_space<hbm>> -> memref<1x128xi32, #tpu.memory_space<hbm>>
      %dma_start3A_294 = tpu.memref_squeeze %dma_start3A_293 : memref<1x128xi32, #tpu.memory_space<hbm>> -> memref<128xi32, #tpu.memory_space<hbm>>
      tpu.enqueue_dma source(%dma_start3A_294 : memref<128xi32, #tpu.memory_space<hbm>>) target(%arg5 : memref<128xi32, #tpu.memory_space<vmem>>) target_semaphore(%run_scoped3A : memref<!tpu.dma_semaphore, #tpu.memory_space<semaphore_mem>>)
      %dma_wait3A_295 = arith.constant 0 : i32
      %dma_wait3A_296 = tpu.memref_slice %arg3[%add3A_214, %dma_wait3A_295] : memref<512x128xi32, #tpu.memory_space<hbm>> -> memref<1x128xi32, #tpu.memory_space<hbm>>
      %dma_wait3A_297 = tpu.memref_squeeze %dma_wait3A_296 : memref<1x128xi32, #tpu.memory_space<hbm>> -> memref<128xi32, #tpu.memory_space<hbm>>
      %dma_wait3A_298 = arith.constant 0 : i32
      %dma_wait3A_299 = tpu.memref_slice %arg3[%add3A_214, %dma_wait3A_298] : memref<512x128xi32, #tpu.memory_space<hbm>> -> memref<1x128xi32, #tpu.memory_space<hbm>>
      %dma_wait3A_300 = tpu.memref_squeeze %dma_wait3A_299 : memref<1x128xi32, #tpu.memory_space<hbm>> -> memref<128xi32, #tpu.memory_space<hbm>>
      tpu.wait_dma2 semaphore(%run_scoped3A : memref<!tpu.dma_semaphore, #tpu.memory_space<semaphore_mem>>) src(%dma_wait3A_300 : memref<128xi32, #tpu.memory_space<hbm>>) dst(%arg5 : memref<128xi32, #tpu.memory_space<vmem>>)
      tpu.yield
    }) : () -> ()
    %dma_start3A_215 = arith.constant 0 : i32
    %dma_start3A_216 = arith.constant 0 : i32
    %dma_start3A_217 = tpu.memref_slice %arg2[%dma_start3A_215, %dma_start3A_216] : memref<4096x128xf32, #tpu.memory_space<hbm>> -> memref<4096x128xf32, #tpu.memory_space<hbm>>
    tpu.enqueue_indirect_dma source(%dma_start3A_217 : memref<4096x128xf32, #tpu.memory_space<hbm>>) target(%arg6 : memref<128x128xf32, #tpu.memory_space<vmem>>) offsets(%arg5 : memref<128xi32, #tpu.memory_space<vmem>>) semaphore(%arg8 : memref<!tpu.dma_semaphore, #tpu.memory_space<semaphore_mem>>)
    %dma_wait3A_218 = arith.constant 0 : i32
    %dma_wait3A_219 = arith.constant 0 : i32
    %dma_wait3A_220 = tpu.memref_slice %arg2[%dma_wait3A_218, %dma_wait3A_219] : memref<4096x128xf32, #tpu.memory_space<hbm>> -> memref<4096x128xf32, #tpu.memory_space<hbm>>
    tpu.wait_indirect_dma semaphore(%arg8 : memref<!tpu.dma_semaphore, #tpu.memory_space<semaphore_mem>>) src(%dma_wait3A_220 : memref<4096x128xf32, #tpu.memory_space<hbm>>) dst(%arg6 : memref<128x128xf32, #tpu.memory_space<vmem>>)
    %mul3A_221 = arith.constant 128 : i32
    %mul3A_222 = arith.muli %add3A_214, %mul3A_221 : i32
    %dma_start3A_223 = arith.constant 0 : i32
    %dma_start3A_224 = tpu.memref_slice %arg4[%mul3A_222, %dma_start3A_223] : memref<65536x128xf32, #tpu.memory_space<hbm>> -> memref<128x128xf32, #tpu.memory_space<hbm>>
    %dma_start3A_225 = arith.constant 0 : i32
    %dma_start3A_226 = tpu.memref_slice %arg4[%mul3A_222, %dma_start3A_225] : memref<65536x128xf32, #tpu.memory_space<hbm>> -> memref<128x128xf32, #tpu.memory_space<hbm>>
    tpu.enqueue_dma source(%arg6 : memref<128x128xf32, #tpu.memory_space<vmem>>) target(%dma_start3A_226 : memref<128x128xf32, #tpu.memory_space<hbm>>) target_semaphore(%arg9 : memref<!tpu.dma_semaphore, #tpu.memory_space<semaphore_mem>>)
    %dma_wait3A_227 = arith.constant 0 : i32
    %dma_wait3A_228 = tpu.memref_slice %arg4[%mul3A_204, %dma_wait3A_227] : memref<65536x128xf32, #tpu.memory_space<hbm>> -> memref<128x128xf32, #tpu.memory_space<hbm>>
    %dma_wait3A_229 = arith.constant 0 : i32
    %dma_wait3A_230 = tpu.memref_slice %arg4[%mul3A_204, %dma_wait3A_229] : memref<65536x128xf32, #tpu.memory_space<hbm>> -> memref<128x128xf32, #tpu.memory_space<hbm>>
    tpu.wait_dma2 semaphore(%arg10 : memref<!tpu.dma_semaphore, #tpu.memory_space<semaphore_mem>>) src(%arg7 : memref<128x128xf32, #tpu.memory_space<vmem>>) dst(%dma_wait3A_230 : memref<128x128xf32, #tpu.memory_space<hbm>>)
    %add3A_231 = arith.constant 13 : i32
    %add3A_232 = arith.addi %mul3A_2, %add3A_231 : i32
    "tpu.region"() ({
      %run_scoped3A = tpu.sem_alloc : memref<!tpu.dma_semaphore, #tpu.memory_space<semaphore_mem>>
      %dma_start3A_289 = arith.constant 0 : i32
      %dma_start3A_290 = tpu.memref_slice %arg3[%add3A_232, %dma_start3A_289] : memref<512x128xi32, #tpu.memory_space<hbm>> -> memref<1x128xi32, #tpu.memory_space<hbm>>
      %dma_start3A_291 = tpu.memref_squeeze %dma_start3A_290 : memref<1x128xi32, #tpu.memory_space<hbm>> -> memref<128xi32, #tpu.memory_space<hbm>>
      %dma_start3A_292 = arith.constant 0 : i32
      %dma_start3A_293 = tpu.memref_slice %arg3[%add3A_232, %dma_start3A_292] : memref<512x128xi32, #tpu.memory_space<hbm>> -> memref<1x128xi32, #tpu.memory_space<hbm>>
      %dma_start3A_294 = tpu.memref_squeeze %dma_start3A_293 : memref<1x128xi32, #tpu.memory_space<hbm>> -> memref<128xi32, #tpu.memory_space<hbm>>
      tpu.enqueue_dma source(%dma_start3A_294 : memref<128xi32, #tpu.memory_space<hbm>>) target(%arg5 : memref<128xi32, #tpu.memory_space<vmem>>) target_semaphore(%run_scoped3A : memref<!tpu.dma_semaphore, #tpu.memory_space<semaphore_mem>>)
      %dma_wait3A_295 = arith.constant 0 : i32
      %dma_wait3A_296 = tpu.memref_slice %arg3[%add3A_232, %dma_wait3A_295] : memref<512x128xi32, #tpu.memory_space<hbm>> -> memref<1x128xi32, #tpu.memory_space<hbm>>
      %dma_wait3A_297 = tpu.memref_squeeze %dma_wait3A_296 : memref<1x128xi32, #tpu.memory_space<hbm>> -> memref<128xi32, #tpu.memory_space<hbm>>
      %dma_wait3A_298 = arith.constant 0 : i32
      %dma_wait3A_299 = tpu.memref_slice %arg3[%add3A_232, %dma_wait3A_298] : memref<512x128xi32, #tpu.memory_space<hbm>> -> memref<1x128xi32, #tpu.memory_space<hbm>>
      %dma_wait3A_300 = tpu.memref_squeeze %dma_wait3A_299 : memref<1x128xi32, #tpu.memory_space<hbm>> -> memref<128xi32, #tpu.memory_space<hbm>>
      tpu.wait_dma2 semaphore(%run_scoped3A : memref<!tpu.dma_semaphore, #tpu.memory_space<semaphore_mem>>) src(%dma_wait3A_300 : memref<128xi32, #tpu.memory_space<hbm>>) dst(%arg5 : memref<128xi32, #tpu.memory_space<vmem>>)
      tpu.yield
    }) : () -> ()
    %dma_start3A_233 = arith.constant 0 : i32
    %dma_start3A_234 = arith.constant 0 : i32
    %dma_start3A_235 = tpu.memref_slice %arg2[%dma_start3A_233, %dma_start3A_234] : memref<4096x128xf32, #tpu.memory_space<hbm>> -> memref<4096x128xf32, #tpu.memory_space<hbm>>
    tpu.enqueue_indirect_dma source(%dma_start3A_235 : memref<4096x128xf32, #tpu.memory_space<hbm>>) target(%arg7 : memref<128x128xf32, #tpu.memory_space<vmem>>) offsets(%arg5 : memref<128xi32, #tpu.memory_space<vmem>>) semaphore(%arg8 : memref<!tpu.dma_semaphore, #tpu.memory_space<semaphore_mem>>)
    %dma_wait3A_236 = arith.constant 0 : i32
    %dma_wait3A_237 = arith.constant 0 : i32
    %dma_wait3A_238 = tpu.memref_slice %arg2[%dma_wait3A_236, %dma_wait3A_237] : memref<4096x128xf32, #tpu.memory_space<hbm>> -> memref<4096x128xf32, #tpu.memory_space<hbm>>
    tpu.wait_indirect_dma semaphore(%arg8 : memref<!tpu.dma_semaphore, #tpu.memory_space<semaphore_mem>>) src(%dma_wait3A_238 : memref<4096x128xf32, #tpu.memory_space<hbm>>) dst(%arg7 : memref<128x128xf32, #tpu.memory_space<vmem>>)
    %mul3A_239 = arith.constant 128 : i32
    %mul3A_240 = arith.muli %add3A_232, %mul3A_239 : i32
    %dma_start3A_241 = arith.constant 0 : i32
    %dma_start3A_242 = tpu.memref_slice %arg4[%mul3A_240, %dma_start3A_241] : memref<65536x128xf32, #tpu.memory_space<hbm>> -> memref<128x128xf32, #tpu.memory_space<hbm>>
    %dma_start3A_243 = arith.constant 0 : i32
    %dma_start3A_244 = tpu.memref_slice %arg4[%mul3A_240, %dma_start3A_243] : memref<65536x128xf32, #tpu.memory_space<hbm>> -> memref<128x128xf32, #tpu.memory_space<hbm>>
    tpu.enqueue_dma source(%arg7 : memref<128x128xf32, #tpu.memory_space<vmem>>) target(%dma_start3A_244 : memref<128x128xf32, #tpu.memory_space<hbm>>) target_semaphore(%arg10 : memref<!tpu.dma_semaphore, #tpu.memory_space<semaphore_mem>>)
    %dma_wait3A_245 = arith.constant 0 : i32
    %dma_wait3A_246 = tpu.memref_slice %arg4[%mul3A_222, %dma_wait3A_245] : memref<65536x128xf32, #tpu.memory_space<hbm>> -> memref<128x128xf32, #tpu.memory_space<hbm>>
    %dma_wait3A_247 = arith.constant 0 : i32
    %dma_wait3A_248 = tpu.memref_slice %arg4[%mul3A_222, %dma_wait3A_247] : memref<65536x128xf32, #tpu.memory_space<hbm>> -> memref<128x128xf32, #tpu.memory_space<hbm>>
    tpu.wait_dma2 semaphore(%arg9 : memref<!tpu.dma_semaphore, #tpu.memory_space<semaphore_mem>>) src(%arg6 : memref<128x128xf32, #tpu.memory_space<vmem>>) dst(%dma_wait3A_248 : memref<128x128xf32, #tpu.memory_space<hbm>>)
    %add3A_249 = arith.constant 14 : i32
    %add3A_250 = arith.addi %mul3A_2, %add3A_249 : i32
    "tpu.region"() ({
      %run_scoped3A = tpu.sem_alloc : memref<!tpu.dma_semaphore, #tpu.memory_space<semaphore_mem>>
      %dma_start3A_289 = arith.constant 0 : i32
      %dma_start3A_290 = tpu.memref_slice %arg3[%add3A_250, %dma_start3A_289] : memref<512x128xi32, #tpu.memory_space<hbm>> -> memref<1x128xi32, #tpu.memory_space<hbm>>
      %dma_start3A_291 = tpu.memref_squeeze %dma_start3A_290 : memref<1x128xi32, #tpu.memory_space<hbm>> -> memref<128xi32, #tpu.memory_space<hbm>>
      %dma_start3A_292 = arith.constant 0 : i32
      %dma_start3A_293 = tpu.memref_slice %arg3[%add3A_250, %dma_start3A_292] : memref<512x128xi32, #tpu.memory_space<hbm>> -> memref<1x128xi32, #tpu.memory_space<hbm>>
      %dma_start3A_294 = tpu.memref_squeeze %dma_start3A_293 : memref<1x128xi32, #tpu.memory_space<hbm>> -> memref<128xi32, #tpu.memory_space<hbm>>
      tpu.enqueue_dma source(%dma_start3A_294 : memref<128xi32, #tpu.memory_space<hbm>>) target(%arg5 : memref<128xi32, #tpu.memory_space<vmem>>) target_semaphore(%run_scoped3A : memref<!tpu.dma_semaphore, #tpu.memory_space<semaphore_mem>>)
      %dma_wait3A_295 = arith.constant 0 : i32
      %dma_wait3A_296 = tpu.memref_slice %arg3[%add3A_250, %dma_wait3A_295] : memref<512x128xi32, #tpu.memory_space<hbm>> -> memref<1x128xi32, #tpu.memory_space<hbm>>
      %dma_wait3A_297 = tpu.memref_squeeze %dma_wait3A_296 : memref<1x128xi32, #tpu.memory_space<hbm>> -> memref<128xi32, #tpu.memory_space<hbm>>
      %dma_wait3A_298 = arith.constant 0 : i32
      %dma_wait3A_299 = tpu.memref_slice %arg3[%add3A_250, %dma_wait3A_298] : memref<512x128xi32, #tpu.memory_space<hbm>> -> memref<1x128xi32, #tpu.memory_space<hbm>>
      %dma_wait3A_300 = tpu.memref_squeeze %dma_wait3A_299 : memref<1x128xi32, #tpu.memory_space<hbm>> -> memref<128xi32, #tpu.memory_space<hbm>>
      tpu.wait_dma2 semaphore(%run_scoped3A : memref<!tpu.dma_semaphore, #tpu.memory_space<semaphore_mem>>) src(%dma_wait3A_300 : memref<128xi32, #tpu.memory_space<hbm>>) dst(%arg5 : memref<128xi32, #tpu.memory_space<vmem>>)
      tpu.yield
    }) : () -> ()
    %dma_start3A_251 = arith.constant 0 : i32
    %dma_start3A_252 = arith.constant 0 : i32
    %dma_start3A_253 = tpu.memref_slice %arg2[%dma_start3A_251, %dma_start3A_252] : memref<4096x128xf32, #tpu.memory_space<hbm>> -> memref<4096x128xf32, #tpu.memory_space<hbm>>
    tpu.enqueue_indirect_dma source(%dma_start3A_253 : memref<4096x128xf32, #tpu.memory_space<hbm>>) target(%arg6 : memref<128x128xf32, #tpu.memory_space<vmem>>) offsets(%arg5 : memref<128xi32, #tpu.memory_space<vmem>>) semaphore(%arg8 : memref<!tpu.dma_semaphore, #tpu.memory_space<semaphore_mem>>)
    %dma_wait3A_254 = arith.constant 0 : i32
    %dma_wait3A_255 = arith.constant 0 : i32
    %dma_wait3A_256 = tpu.memref_slice %arg2[%dma_wait3A_254, %dma_wait3A_255] : memref<4096x128xf32, #tpu.memory_space<hbm>> -> memref<4096x128xf32, #tpu.memory_space<hbm>>
    tpu.wait_indirect_dma semaphore(%arg8 : memref<!tpu.dma_semaphore, #tpu.memory_space<semaphore_mem>>) src(%dma_wait3A_256 : memref<4096x128xf32, #tpu.memory_space<hbm>>) dst(%arg6 : memref<128x128xf32, #tpu.memory_space<vmem>>)
    %mul3A_257 = arith.constant 128 : i32
    %mul3A_258 = arith.muli %add3A_250, %mul3A_257 : i32
    %dma_start3A_259 = arith.constant 0 : i32
    %dma_start3A_260 = tpu.memref_slice %arg4[%mul3A_258, %dma_start3A_259] : memref<65536x128xf32, #tpu.memory_space<hbm>> -> memref<128x128xf32, #tpu.memory_space<hbm>>
    %dma_start3A_261 = arith.constant 0 : i32
    %dma_start3A_262 = tpu.memref_slice %arg4[%mul3A_258, %dma_start3A_261] : memref<65536x128xf32, #tpu.memory_space<hbm>> -> memref<128x128xf32, #tpu.memory_space<hbm>>
    tpu.enqueue_dma source(%arg6 : memref<128x128xf32, #tpu.memory_space<vmem>>) target(%dma_start3A_262 : memref<128x128xf32, #tpu.memory_space<hbm>>) target_semaphore(%arg9 : memref<!tpu.dma_semaphore, #tpu.memory_space<semaphore_mem>>)
    %dma_wait3A_263 = arith.constant 0 : i32
    %dma_wait3A_264 = tpu.memref_slice %arg4[%mul3A_240, %dma_wait3A_263] : memref<65536x128xf32, #tpu.memory_space<hbm>> -> memref<128x128xf32, #tpu.memory_space<hbm>>
    %dma_wait3A_265 = arith.constant 0 : i32
    %dma_wait3A_266 = tpu.memref_slice %arg4[%mul3A_240, %dma_wait3A_265] : memref<65536x128xf32, #tpu.memory_space<hbm>> -> memref<128x128xf32, #tpu.memory_space<hbm>>
    tpu.wait_dma2 semaphore(%arg10 : memref<!tpu.dma_semaphore, #tpu.memory_space<semaphore_mem>>) src(%arg7 : memref<128x128xf32, #tpu.memory_space<vmem>>) dst(%dma_wait3A_266 : memref<128x128xf32, #tpu.memory_space<hbm>>)
    %add3A_267 = arith.constant 15 : i32
    %add3A_268 = arith.addi %mul3A_2, %add3A_267 : i32
    "tpu.region"() ({
      %run_scoped3A = tpu.sem_alloc : memref<!tpu.dma_semaphore, #tpu.memory_space<semaphore_mem>>
      %dma_start3A_289 = arith.constant 0 : i32
      %dma_start3A_290 = tpu.memref_slice %arg3[%add3A_268, %dma_start3A_289] : memref<512x128xi32, #tpu.memory_space<hbm>> -> memref<1x128xi32, #tpu.memory_space<hbm>>
      %dma_start3A_291 = tpu.memref_squeeze %dma_start3A_290 : memref<1x128xi32, #tpu.memory_space<hbm>> -> memref<128xi32, #tpu.memory_space<hbm>>
      %dma_start3A_292 = arith.constant 0 : i32
      %dma_start3A_293 = tpu.memref_slice %arg3[%add3A_268, %dma_start3A_292] : memref<512x128xi32, #tpu.memory_space<hbm>> -> memref<1x128xi32, #tpu.memory_space<hbm>>
      %dma_start3A_294 = tpu.memref_squeeze %dma_start3A_293 : memref<1x128xi32, #tpu.memory_space<hbm>> -> memref<128xi32, #tpu.memory_space<hbm>>
      tpu.enqueue_dma source(%dma_start3A_294 : memref<128xi32, #tpu.memory_space<hbm>>) target(%arg5 : memref<128xi32, #tpu.memory_space<vmem>>) target_semaphore(%run_scoped3A : memref<!tpu.dma_semaphore, #tpu.memory_space<semaphore_mem>>)
      %dma_wait3A_295 = arith.constant 0 : i32
      %dma_wait3A_296 = tpu.memref_slice %arg3[%add3A_268, %dma_wait3A_295] : memref<512x128xi32, #tpu.memory_space<hbm>> -> memref<1x128xi32, #tpu.memory_space<hbm>>
      %dma_wait3A_297 = tpu.memref_squeeze %dma_wait3A_296 : memref<1x128xi32, #tpu.memory_space<hbm>> -> memref<128xi32, #tpu.memory_space<hbm>>
      %dma_wait3A_298 = arith.constant 0 : i32
      %dma_wait3A_299 = tpu.memref_slice %arg3[%add3A_268, %dma_wait3A_298] : memref<512x128xi32, #tpu.memory_space<hbm>> -> memref<1x128xi32, #tpu.memory_space<hbm>>
      %dma_wait3A_300 = tpu.memref_squeeze %dma_wait3A_299 : memref<1x128xi32, #tpu.memory_space<hbm>> -> memref<128xi32, #tpu.memory_space<hbm>>
      tpu.wait_dma2 semaphore(%run_scoped3A : memref<!tpu.dma_semaphore, #tpu.memory_space<semaphore_mem>>) src(%dma_wait3A_300 : memref<128xi32, #tpu.memory_space<hbm>>) dst(%arg5 : memref<128xi32, #tpu.memory_space<vmem>>)
      tpu.yield
    }) : () -> ()
    %dma_start3A_269 = arith.constant 0 : i32
    %dma_start3A_270 = arith.constant 0 : i32
    %dma_start3A_271 = tpu.memref_slice %arg2[%dma_start3A_269, %dma_start3A_270] : memref<4096x128xf32, #tpu.memory_space<hbm>> -> memref<4096x128xf32, #tpu.memory_space<hbm>>
    tpu.enqueue_indirect_dma source(%dma_start3A_271 : memref<4096x128xf32, #tpu.memory_space<hbm>>) target(%arg7 : memref<128x128xf32, #tpu.memory_space<vmem>>) offsets(%arg5 : memref<128xi32, #tpu.memory_space<vmem>>) semaphore(%arg8 : memref<!tpu.dma_semaphore, #tpu.memory_space<semaphore_mem>>)
    %dma_wait3A_272 = arith.constant 0 : i32
    %dma_wait3A_273 = arith.constant 0 : i32
    %dma_wait3A_274 = tpu.memref_slice %arg2[%dma_wait3A_272, %dma_wait3A_273] : memref<4096x128xf32, #tpu.memory_space<hbm>> -> memref<4096x128xf32, #tpu.memory_space<hbm>>
    tpu.wait_indirect_dma semaphore(%arg8 : memref<!tpu.dma_semaphore, #tpu.memory_space<semaphore_mem>>) src(%dma_wait3A_274 : memref<4096x128xf32, #tpu.memory_space<hbm>>) dst(%arg7 : memref<128x128xf32, #tpu.memory_space<vmem>>)
    %mul3A_275 = arith.constant 128 : i32
    %mul3A_276 = arith.muli %add3A_268, %mul3A_275 : i32
    %dma_start3A_277 = arith.constant 0 : i32
    %dma_start3A_278 = tpu.memref_slice %arg4[%mul3A_276, %dma_start3A_277] : memref<65536x128xf32, #tpu.memory_space<hbm>> -> memref<128x128xf32, #tpu.memory_space<hbm>>
    %dma_start3A_279 = arith.constant 0 : i32
    %dma_start3A_280 = tpu.memref_slice %arg4[%mul3A_276, %dma_start3A_279] : memref<65536x128xf32, #tpu.memory_space<hbm>> -> memref<128x128xf32, #tpu.memory_space<hbm>>
    tpu.enqueue_dma source(%arg7 : memref<128x128xf32, #tpu.memory_space<vmem>>) target(%dma_start3A_280 : memref<128x128xf32, #tpu.memory_space<hbm>>) target_semaphore(%arg10 : memref<!tpu.dma_semaphore, #tpu.memory_space<semaphore_mem>>)
    %dma_wait3A_281 = arith.constant 0 : i32
    %dma_wait3A_282 = tpu.memref_slice %arg4[%mul3A_258, %dma_wait3A_281] : memref<65536x128xf32, #tpu.memory_space<hbm>> -> memref<128x128xf32, #tpu.memory_space<hbm>>
    %dma_wait3A_283 = arith.constant 0 : i32
    %dma_wait3A_284 = tpu.memref_slice %arg4[%mul3A_258, %dma_wait3A_283] : memref<65536x128xf32, #tpu.memory_space<hbm>> -> memref<128x128xf32, #tpu.memory_space<hbm>>
    tpu.wait_dma2 semaphore(%arg9 : memref<!tpu.dma_semaphore, #tpu.memory_space<semaphore_mem>>) src(%arg6 : memref<128x128xf32, #tpu.memory_space<vmem>>) dst(%dma_wait3A_284 : memref<128x128xf32, #tpu.memory_space<hbm>>)
    %dma_wait3A_285 = arith.constant 0 : i32
    %dma_wait3A_286 = tpu.memref_slice %arg4[%mul3A_276, %dma_wait3A_285] : memref<65536x128xf32, #tpu.memory_space<hbm>> -> memref<128x128xf32, #tpu.memory_space<hbm>>
    %dma_wait3A_287 = arith.constant 0 : i32
    %dma_wait3A_288 = tpu.memref_slice %arg4[%mul3A_276, %dma_wait3A_287] : memref<65536x128xf32, #tpu.memory_space<hbm>> -> memref<128x128xf32, #tpu.memory_space<hbm>>
    tpu.wait_dma2 semaphore(%arg10 : memref<!tpu.dma_semaphore, #tpu.memory_space<semaphore_mem>>) src(%arg7 : memref<128x128xf32, #tpu.memory_space<vmem>>) dst(%dma_wait3A_288 : memref<128x128xf32, #tpu.memory_space<hbm>>)
    return
  }
}

module attributes {stable_mosaic.version = 14 : i64} {
  func.func @_knn_body(%arg0: i32, %arg1: memref<256x8xf32, #tpu.memory_space<vmem>>, %arg2: memref<8x4096xf32, #tpu.memory_space<vmem>>, %arg3: memref<256x64xf32, #tpu.memory_space<vmem>>, %arg4: memref<64x64xf32, #tpu.memory_space<vmem>>, %arg5: memref<1x64xf32, #tpu.memory_space<vmem>>, %arg6: memref<64x64xf32, #tpu.memory_space<vmem>>, %arg7: memref<8x64xf32, #tpu.memory_space<vmem>>, %arg8: memref<256x16xi32, #tpu.memory_space<vmem>>, %arg9: memref<256x128xf32, #tpu.memory_space<vmem>>, %arg10: memref<256x128xf32, #tpu.memory_space<vmem>>) attributes {dimension_semantics = [#tpu.dimension_semantics<arbitrary>], iteration_bounds = array<i64: 16>, scalar_prefetch = 0 : i64, scratch_operands = 0 : i64, tpu.core_type = #tpu.core_type<tc>, window_params = [{transform_indices = @transform_0, window_bounds = array<i64: 256, 8>}, {pipeline_mode = #tpu.pipeline_mode<synchronous>, transform_indices = @transform_1, window_bounds = array<i64: 8, 4096>}, {transform_indices = @transform_2, window_bounds = array<i64: 256, 64>}, {pipeline_mode = #tpu.pipeline_mode<synchronous>, transform_indices = @transform_3, window_bounds = array<i64: 64, 64>}, {pipeline_mode = #tpu.pipeline_mode<synchronous>, transform_indices = @transform_4, window_bounds = array<i64: 1, 64>}, {pipeline_mode = #tpu.pipeline_mode<synchronous>, transform_indices = @transform_5, window_bounds = array<i64: 64, 64>}, {pipeline_mode = #tpu.pipeline_mode<synchronous>, transform_indices = @transform_6, window_bounds = array<i64: 8, 64>}, {transform_indices = @transform_7, window_bounds = array<i64: 256, 16>}, {transform_indices = @transform_8, window_bounds = array<i64: 256, 128>}, {transform_indices = @transform_9, window_bounds = array<i64: 256, 128>}]} {
    %get3A = arith.constant 0 : index
    %get3A_0 = arith.constant 0 : index
    %get3A_1 = vector.load %arg1[%get3A, %get3A_0] : memref<256x8xf32, #tpu.memory_space<vmem>>, vector<256x8xf32>
    %get3A_2 = arith.constant 0 : index
    %get3A_3 = arith.constant 0 : index
    %get3A_4 = vector.load %arg2[%get3A_2, %get3A_3] : memref<8x4096xf32, #tpu.memory_space<vmem>>, vector<8x4096xf32>
    %dot_general3A = arith.constant dense<0.000000e+00> : vector<256x4096xf32>
    %dot_general3A_5 = tpu.matmul %get3A_1, %get3A_4, %dot_general3A {dimension_numbers = #tpu.dot_dimension_numbers<[1], [0], [0], [1], [0, 0, 1, 1], [], []>, transpose_lhs_hint = false} : vector<256x8xf32>, vector<8x4096xf32>, vector<256x4096xf32> -> vector<256x4096xf32>
    %mul3A = arith.mulf %get3A_4, %get3A_4 : vector<8x4096xf32>
    %reduce_sum3A = arith.constant dense<0.000000e+00> : vector<4096xf32>
    %reduce_sum3A_6 = vector.multi_reduction <add>, %mul3A, %reduce_sum3A [0] : vector<8x4096xf32> to vector<4096xf32>
    %broadcast_in_dim3A = vector.shape_cast %reduce_sum3A_6 : vector<4096xf32> to vector<1x4096xf32>
    %mul3A_7 = arith.mulf %get3A_1, %get3A_1 : vector<256x8xf32>
    %reduce_sum3A_8 = arith.constant dense<0.000000e+00> : vector<256xf32>
    %reduce_sum3A_9 = vector.multi_reduction <add>, %mul3A_7, %reduce_sum3A_8 [1] : vector<256x8xf32> to vector<256xf32>
    %broadcast_in_dim3A_10 = vector.shape_cast %reduce_sum3A_9 : vector<256xf32> to vector<256x1xf32>
    %add3A = vector.broadcast %broadcast_in_dim3A_10 : vector<256x1xf32> to vector<256x4096xf32>
    %add3A_11 = vector.broadcast %broadcast_in_dim3A : vector<1x4096xf32> to vector<256x4096xf32>
    %add3A_12 = arith.addf %add3A, %add3A_11 : vector<256x4096xf32>
    %mul3A_13 = arith.constant 2.000000e+00 : f32
    %mul3A_14 = vector.broadcast %mul3A_13 : f32 to vector<256x4096xf32>
    %mul3A_15 = arith.mulf %mul3A_14, %dot_general3A_5 : vector<256x4096xf32>
    %sub3A = arith.subf %add3A_12, %mul3A_15 : vector<256x4096xf32>
    %iota3A = tpu.iota {dimensions = array<i32: 1>} : vector<256x4096xi32>
    %argmin3A = tpu.reduce_index %sub3A {axis = 1 : i32, kind = #tpu.reduction_kind<arg_min>} : vector<256x4096xf32> -> vector<256xi32>
    %broadcast_in_dim3A_16 = vector.shape_cast %argmin3A : vector<256xi32> to vector<256x1xi32>
    %eq3A = vector.broadcast %broadcast_in_dim3A_16 : vector<256x1xi32> to vector<256x4096xi32>
    %eq3A_17 = arith.cmpi eq, %iota3A, %eq3A : vector<256x4096xi32>
    %jit3A = arith.constant 0x7F800000 : f32
    %broadcast_in_dim3A_18 = vector.broadcast %jit3A : f32 to vector<256x4096xf32>
    %select_n3A = arith.select %eq3A_17, %broadcast_in_dim3A_18, %sub3A : vector<256x4096xi1>, vector<256x4096xf32>
    %argmin3A_19 = tpu.reduce_index %select_n3A {axis = 1 : i32, kind = #tpu.reduction_kind<arg_min>} : vector<256x4096xf32> -> vector<256xi32>
    %broadcast_in_dim3A_20 = vector.shape_cast %argmin3A_19 : vector<256xi32> to vector<256x1xi32>
    %eq3A_21 = vector.broadcast %broadcast_in_dim3A_20 : vector<256x1xi32> to vector<256x4096xi32>
    %eq3A_22 = arith.cmpi eq, %iota3A, %eq3A_21 : vector<256x4096xi32>
    %jit3A_23 = arith.constant 0x7F800000 : f32
    %broadcast_in_dim3A_24 = vector.broadcast %jit3A_23 : f32 to vector<256x4096xf32>
    %select_n3A_25 = arith.select %eq3A_22, %broadcast_in_dim3A_24, %select_n3A : vector<256x4096xi1>, vector<256x4096xf32>
    %argmin3A_26 = tpu.reduce_index %select_n3A_25 {axis = 1 : i32, kind = #tpu.reduction_kind<arg_min>} : vector<256x4096xf32> -> vector<256xi32>
    %broadcast_in_dim3A_27 = vector.shape_cast %argmin3A_26 : vector<256xi32> to vector<256x1xi32>
    %eq3A_28 = vector.broadcast %broadcast_in_dim3A_27 : vector<256x1xi32> to vector<256x4096xi32>
    %eq3A_29 = arith.cmpi eq, %iota3A, %eq3A_28 : vector<256x4096xi32>
    %jit3A_30 = arith.constant 0x7F800000 : f32
    %broadcast_in_dim3A_31 = vector.broadcast %jit3A_30 : f32 to vector<256x4096xf32>
    %select_n3A_32 = arith.select %eq3A_29, %broadcast_in_dim3A_31, %select_n3A_25 : vector<256x4096xi1>, vector<256x4096xf32>
    %argmin3A_33 = tpu.reduce_index %select_n3A_32 {axis = 1 : i32, kind = #tpu.reduction_kind<arg_min>} : vector<256x4096xf32> -> vector<256xi32>
    %broadcast_in_dim3A_34 = vector.shape_cast %argmin3A_33 : vector<256xi32> to vector<256x1xi32>
    %eq3A_35 = vector.broadcast %broadcast_in_dim3A_34 : vector<256x1xi32> to vector<256x4096xi32>
    %eq3A_36 = arith.cmpi eq, %iota3A, %eq3A_35 : vector<256x4096xi32>
    %jit3A_37 = arith.constant 0x7F800000 : f32
    %broadcast_in_dim3A_38 = vector.broadcast %jit3A_37 : f32 to vector<256x4096xf32>
    %select_n3A_39 = arith.select %eq3A_36, %broadcast_in_dim3A_38, %select_n3A_32 : vector<256x4096xi1>, vector<256x4096xf32>
    %argmin3A_40 = tpu.reduce_index %select_n3A_39 {axis = 1 : i32, kind = #tpu.reduction_kind<arg_min>} : vector<256x4096xf32> -> vector<256xi32>
    %broadcast_in_dim3A_41 = vector.shape_cast %argmin3A_40 : vector<256xi32> to vector<256x1xi32>
    %eq3A_42 = vector.broadcast %broadcast_in_dim3A_41 : vector<256x1xi32> to vector<256x4096xi32>
    %eq3A_43 = arith.cmpi eq, %iota3A, %eq3A_42 : vector<256x4096xi32>
    %jit3A_44 = arith.constant 0x7F800000 : f32
    %broadcast_in_dim3A_45 = vector.broadcast %jit3A_44 : f32 to vector<256x4096xf32>
    %select_n3A_46 = arith.select %eq3A_43, %broadcast_in_dim3A_45, %select_n3A_39 : vector<256x4096xi1>, vector<256x4096xf32>
    %argmin3A_47 = tpu.reduce_index %select_n3A_46 {axis = 1 : i32, kind = #tpu.reduction_kind<arg_min>} : vector<256x4096xf32> -> vector<256xi32>
    %broadcast_in_dim3A_48 = vector.shape_cast %argmin3A_47 : vector<256xi32> to vector<256x1xi32>
    %eq3A_49 = vector.broadcast %broadcast_in_dim3A_48 : vector<256x1xi32> to vector<256x4096xi32>
    %eq3A_50 = arith.cmpi eq, %iota3A, %eq3A_49 : vector<256x4096xi32>
    %jit3A_51 = arith.constant 0x7F800000 : f32
    %broadcast_in_dim3A_52 = vector.broadcast %jit3A_51 : f32 to vector<256x4096xf32>
    %select_n3A_53 = arith.select %eq3A_50, %broadcast_in_dim3A_52, %select_n3A_46 : vector<256x4096xi1>, vector<256x4096xf32>
    %argmin3A_54 = tpu.reduce_index %select_n3A_53 {axis = 1 : i32, kind = #tpu.reduction_kind<arg_min>} : vector<256x4096xf32> -> vector<256xi32>
    %broadcast_in_dim3A_55 = vector.shape_cast %argmin3A_54 : vector<256xi32> to vector<256x1xi32>
    %eq3A_56 = vector.broadcast %broadcast_in_dim3A_55 : vector<256x1xi32> to vector<256x4096xi32>
    %eq3A_57 = arith.cmpi eq, %iota3A, %eq3A_56 : vector<256x4096xi32>
    %jit3A_58 = arith.constant 0x7F800000 : f32
    %broadcast_in_dim3A_59 = vector.broadcast %jit3A_58 : f32 to vector<256x4096xf32>
    %select_n3A_60 = arith.select %eq3A_57, %broadcast_in_dim3A_59, %select_n3A_53 : vector<256x4096xi1>, vector<256x4096xf32>
    %argmin3A_61 = tpu.reduce_index %select_n3A_60 {axis = 1 : i32, kind = #tpu.reduction_kind<arg_min>} : vector<256x4096xf32> -> vector<256xi32>
    %broadcast_in_dim3A_62 = vector.shape_cast %argmin3A_61 : vector<256xi32> to vector<256x1xi32>
    %eq3A_63 = vector.broadcast %broadcast_in_dim3A_62 : vector<256x1xi32> to vector<256x4096xi32>
    %eq3A_64 = arith.cmpi eq, %iota3A, %eq3A_63 : vector<256x4096xi32>
    %jit3A_65 = arith.constant 0x7F800000 : f32
    %broadcast_in_dim3A_66 = vector.broadcast %jit3A_65 : f32 to vector<256x4096xf32>
    %select_n3A_67 = arith.select %eq3A_64, %broadcast_in_dim3A_66, %select_n3A_60 : vector<256x4096xi1>, vector<256x4096xf32>
    %argmin3A_68 = tpu.reduce_index %select_n3A_67 {axis = 1 : i32, kind = #tpu.reduction_kind<arg_min>} : vector<256x4096xf32> -> vector<256xi32>
    %broadcast_in_dim3A_69 = vector.shape_cast %argmin3A_68 : vector<256xi32> to vector<256x1xi32>
    %eq3A_70 = vector.broadcast %broadcast_in_dim3A_69 : vector<256x1xi32> to vector<256x4096xi32>
    %eq3A_71 = arith.cmpi eq, %iota3A, %eq3A_70 : vector<256x4096xi32>
    %jit3A_72 = arith.constant 0x7F800000 : f32
    %broadcast_in_dim3A_73 = vector.broadcast %jit3A_72 : f32 to vector<256x4096xf32>
    %select_n3A_74 = arith.select %eq3A_71, %broadcast_in_dim3A_73, %select_n3A_67 : vector<256x4096xi1>, vector<256x4096xf32>
    %argmin3A_75 = tpu.reduce_index %select_n3A_74 {axis = 1 : i32, kind = #tpu.reduction_kind<arg_min>} : vector<256x4096xf32> -> vector<256xi32>
    %broadcast_in_dim3A_76 = vector.shape_cast %argmin3A_75 : vector<256xi32> to vector<256x1xi32>
    %eq3A_77 = vector.broadcast %broadcast_in_dim3A_76 : vector<256x1xi32> to vector<256x4096xi32>
    %eq3A_78 = arith.cmpi eq, %iota3A, %eq3A_77 : vector<256x4096xi32>
    %jit3A_79 = arith.constant 0x7F800000 : f32
    %broadcast_in_dim3A_80 = vector.broadcast %jit3A_79 : f32 to vector<256x4096xf32>
    %select_n3A_81 = arith.select %eq3A_78, %broadcast_in_dim3A_80, %select_n3A_74 : vector<256x4096xi1>, vector<256x4096xf32>
    %argmin3A_82 = tpu.reduce_index %select_n3A_81 {axis = 1 : i32, kind = #tpu.reduction_kind<arg_min>} : vector<256x4096xf32> -> vector<256xi32>
    %broadcast_in_dim3A_83 = vector.shape_cast %argmin3A_82 : vector<256xi32> to vector<256x1xi32>
    %eq3A_84 = vector.broadcast %broadcast_in_dim3A_83 : vector<256x1xi32> to vector<256x4096xi32>
    %eq3A_85 = arith.cmpi eq, %iota3A, %eq3A_84 : vector<256x4096xi32>
    %jit3A_86 = arith.constant 0x7F800000 : f32
    %broadcast_in_dim3A_87 = vector.broadcast %jit3A_86 : f32 to vector<256x4096xf32>
    %select_n3A_88 = arith.select %eq3A_85, %broadcast_in_dim3A_87, %select_n3A_81 : vector<256x4096xi1>, vector<256x4096xf32>
    %argmin3A_89 = tpu.reduce_index %select_n3A_88 {axis = 1 : i32, kind = #tpu.reduction_kind<arg_min>} : vector<256x4096xf32> -> vector<256xi32>
    %broadcast_in_dim3A_90 = vector.shape_cast %argmin3A_89 : vector<256xi32> to vector<256x1xi32>
    %eq3A_91 = vector.broadcast %broadcast_in_dim3A_90 : vector<256x1xi32> to vector<256x4096xi32>
    %eq3A_92 = arith.cmpi eq, %iota3A, %eq3A_91 : vector<256x4096xi32>
    %jit3A_93 = arith.constant 0x7F800000 : f32
    %broadcast_in_dim3A_94 = vector.broadcast %jit3A_93 : f32 to vector<256x4096xf32>
    %select_n3A_95 = arith.select %eq3A_92, %broadcast_in_dim3A_94, %select_n3A_88 : vector<256x4096xi1>, vector<256x4096xf32>
    %argmin3A_96 = tpu.reduce_index %select_n3A_95 {axis = 1 : i32, kind = #tpu.reduction_kind<arg_min>} : vector<256x4096xf32> -> vector<256xi32>
    %broadcast_in_dim3A_97 = vector.shape_cast %argmin3A_96 : vector<256xi32> to vector<256x1xi32>
    %eq3A_98 = vector.broadcast %broadcast_in_dim3A_97 : vector<256x1xi32> to vector<256x4096xi32>
    %eq3A_99 = arith.cmpi eq, %iota3A, %eq3A_98 : vector<256x4096xi32>
    %jit3A_100 = arith.constant 0x7F800000 : f32
    %broadcast_in_dim3A_101 = vector.broadcast %jit3A_100 : f32 to vector<256x4096xf32>
    %select_n3A_102 = arith.select %eq3A_99, %broadcast_in_dim3A_101, %select_n3A_95 : vector<256x4096xi1>, vector<256x4096xf32>
    %argmin3A_103 = tpu.reduce_index %select_n3A_102 {axis = 1 : i32, kind = #tpu.reduction_kind<arg_min>} : vector<256x4096xf32> -> vector<256xi32>
    %broadcast_in_dim3A_104 = vector.shape_cast %argmin3A_103 : vector<256xi32> to vector<256x1xi32>
    %eq3A_105 = vector.broadcast %broadcast_in_dim3A_104 : vector<256x1xi32> to vector<256x4096xi32>
    %eq3A_106 = arith.cmpi eq, %iota3A, %eq3A_105 : vector<256x4096xi32>
    %jit3A_107 = arith.constant 0x7F800000 : f32
    %broadcast_in_dim3A_108 = vector.broadcast %jit3A_107 : f32 to vector<256x4096xf32>
    %select_n3A_109 = arith.select %eq3A_106, %broadcast_in_dim3A_108, %select_n3A_102 : vector<256x4096xi1>, vector<256x4096xf32>
    %argmin3A_110 = tpu.reduce_index %select_n3A_109 {axis = 1 : i32, kind = #tpu.reduction_kind<arg_min>} : vector<256x4096xf32> -> vector<256xi32>
    %broadcast_in_dim3A_111 = vector.shape_cast %argmin3A_110 : vector<256xi32> to vector<256x1xi32>
    %eq3A_112 = vector.broadcast %broadcast_in_dim3A_111 : vector<256x1xi32> to vector<256x4096xi32>
    %eq3A_113 = arith.cmpi eq, %iota3A, %eq3A_112 : vector<256x4096xi32>
    %jit3A_114 = arith.constant 0x7F800000 : f32
    %broadcast_in_dim3A_115 = vector.broadcast %jit3A_114 : f32 to vector<256x4096xf32>
    %select_n3A_116 = arith.select %eq3A_113, %broadcast_in_dim3A_115, %select_n3A_109 : vector<256x4096xi1>, vector<256x4096xf32>
    %argmin3A_117 = tpu.reduce_index %select_n3A_116 {axis = 1 : i32, kind = #tpu.reduction_kind<arg_min>} : vector<256x4096xf32> -> vector<256xi32>
    %broadcast_in_dim3A_118 = vector.shape_cast %argmin3A_117 : vector<256xi32> to vector<256x1xi32>
    %concatenate3A = tpu.concatenate %broadcast_in_dim3A_16, %broadcast_in_dim3A_20, %broadcast_in_dim3A_27, %broadcast_in_dim3A_34, %broadcast_in_dim3A_41, %broadcast_in_dim3A_48, %broadcast_in_dim3A_55, %broadcast_in_dim3A_62, %broadcast_in_dim3A_69, %broadcast_in_dim3A_76, %broadcast_in_dim3A_83, %broadcast_in_dim3A_90, %broadcast_in_dim3A_97, %broadcast_in_dim3A_104, %broadcast_in_dim3A_111, %broadcast_in_dim3A_118 in 1 : vector<256x1xi32>, vector<256x1xi32>, vector<256x1xi32>, vector<256x1xi32>, vector<256x1xi32>, vector<256x1xi32>, vector<256x1xi32>, vector<256x1xi32>, vector<256x1xi32>, vector<256x1xi32>, vector<256x1xi32>, vector<256x1xi32>, vector<256x1xi32>, vector<256x1xi32>, vector<256x1xi32>, vector<256x1xi32> -> vector<256x16xi32>
    %swap3A = arith.constant 0 : index
    %swap3A_119 = arith.constant 0 : index
    %swap3A_120 = vector.load %arg8[%swap3A, %swap3A_119] : memref<256x16xi32, #tpu.memory_space<vmem>>, vector<256x16xi32>
    tpu.vector_store %arg8[%swap3A, %swap3A_119], %concatenate3A {strides = array<i32>} : memref<256x16xi32, #tpu.memory_space<vmem>>, vector<256x16xi32>,
    %get3A_121 = arith.constant 0 : index
    %get3A_122 = arith.constant 0 : index
    %get3A_123 = vector.load %arg3[%get3A_121, %get3A_122] : memref<256x64xf32, #tpu.memory_space<vmem>>, vector<256x64xf32>
    %get3A_124 = arith.constant 0 : index
    %get3A_125 = arith.constant 0 : index
    %get3A_126 = vector.load %arg4[%get3A_124, %get3A_125] : memref<64x64xf32, #tpu.memory_space<vmem>>, vector<64x64xf32>
    %dot_general3A_127 = arith.constant dense<0.000000e+00> : vector<256x64xf32>
    %dot_general3A_128 = tpu.matmul %get3A_123, %get3A_126, %dot_general3A_127 {dimension_numbers = #tpu.dot_dimension_numbers<[1], [0], [0], [1], [0, 0, 1, 1], [], []>, transpose_lhs_hint = false} : vector<256x64xf32>, vector<64x64xf32>, vector<256x64xf32> -> vector<256x64xf32>
    %get3A_129 = arith.constant 0 : index
    %get3A_130 = arith.constant 0 : index
    %get3A_131 = vector.load %arg5[%get3A_129, %get3A_130] : memref<1x64xf32, #tpu.memory_space<vmem>>, vector<1x64xf32>
    %add3A_132 = vector.broadcast %get3A_131 : vector<1x64xf32> to vector<256x64xf32>
    %add3A_133 = arith.addf %dot_general3A_128, %add3A_132 : vector<256x64xf32>
    %get3A_134 = arith.constant 0 : index
    %get3A_135 = arith.constant 0 : index
    %get3A_136 = vector.load %arg7[%get3A_134, %get3A_135] : memref<8x64xf32, #tpu.memory_space<vmem>>, vector<8x64xf32>
    %dot_general3A_137 = arith.constant dense<0.000000e+00> : vector<256x64xf32>
    %dot_general3A_138 = tpu.matmul %get3A_1, %get3A_136, %dot_general3A_137 {dimension_numbers = #tpu.dot_dimension_numbers<[1], [0], [0], [1], [0, 0, 1, 1], [], []>, transpose_lhs_hint = false} : vector<256x8xf32>, vector<8x64xf32>, vector<256x64xf32> -> vector<256x64xf32>
    %concatenate3A_139 = tpu.concatenate %add3A_133, %dot_general3A_138 in 1 : vector<256x64xf32>, vector<256x64xf32> -> vector<256x128xf32>
    %swap3A_140 = arith.constant 0 : index
    %swap3A_141 = arith.constant 0 : index
    %swap3A_142 = vector.load %arg9[%swap3A_140, %swap3A_141] : memref<256x128xf32, #tpu.memory_space<vmem>>, vector<256x128xf32>
    tpu.vector_store %arg9[%swap3A_140, %swap3A_141], %concatenate3A_139 {strides = array<i32>} : memref<256x128xf32, #tpu.memory_space<vmem>>, vector<256x128xf32>,
    %get3A_143 = arith.constant 0 : index
    %get3A_144 = arith.constant 0 : index
    %get3A_145 = vector.load %arg6[%get3A_143, %get3A_144] : memref<64x64xf32, #tpu.memory_space<vmem>>, vector<64x64xf32>
    %dot_general3A_146 = arith.constant dense<0.000000e+00> : vector<256x64xf32>
    %dot_general3A_147 = tpu.matmul %add3A_133, %get3A_145, %dot_general3A_146 {dimension_numbers = #tpu.dot_dimension_numbers<[1], [0], [0], [1], [0, 0, 1, 1], [], []>, transpose_lhs_hint = false} : vector<256x64xf32>, vector<64x64xf32>, vector<256x64xf32> -> vector<256x64xf32>
    %concatenate3A_148 = tpu.concatenate %dot_general3A_147, %dot_general3A_138 in 1 : vector<256x64xf32>, vector<256x64xf32> -> vector<256x128xf32>
    %swap3A_149 = arith.constant 0 : index
    %swap3A_150 = arith.constant 0 : index
    %swap3A_151 = vector.load %arg10[%swap3A_149, %swap3A_150] : memref<256x128xf32, #tpu.memory_space<vmem>>, vector<256x128xf32>
    tpu.vector_store %arg10[%swap3A_149, %swap3A_150], %concatenate3A_148 {strides = array<i32>} : memref<256x128xf32, #tpu.memory_space<vmem>>, vector<256x128xf32>,
    return
  }
  func.func @transform_0(%arg0: i32) -> (i32, i32) {
    %c0_i32 = arith.constant 0 : i32
    %c0_i32_0 = arith.constant 0 : i32
    return %arg0, %c0_i32 : i32, i32
  }
  func.func @transform_1(%arg0: i32) -> (i32, i32) {
    %c0_i32 = arith.constant 0 : i32
    %c0_i32_0 = arith.constant 0 : i32
    %c0_i32_1 = arith.constant 0 : i32
    return %c0_i32, %c0_i32_0 : i32, i32
  }
  func.func @transform_2(%arg0: i32) -> (i32, i32) {
    %c0_i32 = arith.constant 0 : i32
    %c0_i32_0 = arith.constant 0 : i32
    return %arg0, %c0_i32 : i32, i32
  }
  func.func @transform_3(%arg0: i32) -> (i32, i32) {
    %c0_i32 = arith.constant 0 : i32
    %c0_i32_0 = arith.constant 0 : i32
    %c0_i32_1 = arith.constant 0 : i32
    return %c0_i32, %c0_i32_0 : i32, i32
  }
  func.func @transform_4(%arg0: i32) -> (i32, i32) {
    %c0_i32 = arith.constant 0 : i32
    %c0_i32_0 = arith.constant 0 : i32
    %c0_i32_1 = arith.constant 0 : i32
    return %c0_i32, %c0_i32_0 : i32, i32
  }
  func.func @transform_5(%arg0: i32) -> (i32, i32) {
    %c0_i32 = arith.constant 0 : i32
    %c0_i32_0 = arith.constant 0 : i32
    %c0_i32_1 = arith.constant 0 : i32
    return %c0_i32, %c0_i32_0 : i32, i32
  }
  func.func @transform_6(%arg0: i32) -> (i32, i32) {
    %c0_i32 = arith.constant 0 : i32
    %c0_i32_0 = arith.constant 0 : i32
    %c0_i32_1 = arith.constant 0 : i32
    return %c0_i32, %c0_i32_0 : i32, i32
  }
  func.func @transform_7(%arg0: i32) -> (i32, i32) {
    %c0_i32 = arith.constant 0 : i32
    %c0_i32_0 = arith.constant 0 : i32
    return %arg0, %c0_i32 : i32, i32
  }
  func.func @transform_8(%arg0: i32) -> (i32, i32) {
    %c0_i32 = arith.constant 0 : i32
    %c0_i32_0 = arith.constant 0 : i32
    return %arg0, %c0_i32 : i32, i32
  }
  func.func @transform_9(%arg0: i32) -> (i32, i32) {
    %c0_i32 = arith.constant 0 : i32
    %c0_i32_0 = arith.constant 0 : i32
    return %arg0, %c0_i32 : i32, i32
  }
}

module attributes {stable_mosaic.version = 14 : i64} {
  func.func @_dense_body(%arg0: i32, %arg1: memref<256x128xf32, #tpu.memory_space<vmem>>, %arg2: memref<4096x128xf32, #tpu.memory_space<vmem>>, %arg3: memref<256x64xf32, #tpu.memory_space<vmem>>, %arg4: memref<64x64xf32, #tpu.memory_space<vmem>>, %arg5: memref<64x64xf32, #tpu.memory_space<vmem>>, %arg6: memref<1x64xf32, #tpu.memory_space<vmem>>, %arg7: memref<64x64xf32, #tpu.memory_space<vmem>>, %arg8: memref<1x64xf32, #tpu.memory_space<vmem>>, %arg9: memref<64x64xf32, #tpu.memory_space<vmem>>, %arg10: memref<1x64xf32, #tpu.memory_space<vmem>>, %arg11: memref<64x64xf32, #tpu.memory_space<vmem>>, %arg12: memref<1x64xf32, #tpu.memory_space<vmem>>, %arg13: memref<64x64xf32, #tpu.memory_space<vmem>>, %arg14: memref<1x64xf32, #tpu.memory_space<vmem>>, %arg15: memref<256x16x64xf32, #tpu.memory_space<vmem>>, %arg16: memref<256x64xf32, #tpu.memory_space<vmem>>) attributes {dimension_semantics = [#tpu.dimension_semantics<arbitrary>], iteration_bounds = array<i64: 16>, scalar_prefetch = 0 : i64, scratch_operands = 0 : i64, tpu.core_type = #tpu.core_type<tc>, window_params = [{transform_indices = @transform_0, window_bounds = array<i64: 256, 128>}, {transform_indices = @transform_1, window_bounds = array<i64: 4096, 128>}, {transform_indices = @transform_2, window_bounds = array<i64: 256, 64>}, {pipeline_mode = #tpu.pipeline_mode<synchronous>, transform_indices = @transform_3, window_bounds = array<i64: 64, 64>}, {pipeline_mode = #tpu.pipeline_mode<synchronous>, transform_indices = @transform_4, window_bounds = array<i64: 64, 64>}, {pipeline_mode = #tpu.pipeline_mode<synchronous>, transform_indices = @transform_5, window_bounds = array<i64: 1, 64>}, {pipeline_mode = #tpu.pipeline_mode<synchronous>, transform_indices = @transform_6, window_bounds = array<i64: 64, 64>}, {pipeline_mode = #tpu.pipeline_mode<synchronous>, transform_indices = @transform_7, window_bounds = array<i64: 1, 64>}, {pipeline_mode = #tpu.pipeline_mode<synchronous>, transform_indices = @transform_8, window_bounds = array<i64: 64, 64>}, {pipeline_mode = #tpu.pipeline_mode<synchronous>, transform_indices = @transform_9, window_bounds = array<i64: 1, 64>}, {pipeline_mode = #tpu.pipeline_mode<synchronous>, transform_indices = @transform_10, window_bounds = array<i64: 64, 64>}, {pipeline_mode = #tpu.pipeline_mode<synchronous>, transform_indices = @transform_11, window_bounds = array<i64: 1, 64>}, {pipeline_mode = #tpu.pipeline_mode<synchronous>, transform_indices = @transform_12, window_bounds = array<i64: 64, 64>}, {pipeline_mode = #tpu.pipeline_mode<synchronous>, transform_indices = @transform_13, window_bounds = array<i64: 1, 64>}, {transform_indices = @transform_14, window_bounds = array<i64: 256, 16, 64>}, {transform_indices = @transform_15, window_bounds = array<i64: 256, 64>}]} {
    %get3A = arith.constant 0 : index
    %get3A_0 = arith.constant 0 : index
    %get3A_1 = vector.load %arg2[%get3A, %get3A_0] : memref<4096x128xf32, #tpu.memory_space<vmem>>, vector<4096x64xf32>
    %get3A_2 = arith.constant 0 : index
    %get3A_3 = arith.constant 64 : index
    %get3A_4 = vector.load %arg2[%get3A_2, %get3A_3] : memref<4096x128xf32, #tpu.memory_space<vmem>>, vector<4096x64xf32>
    %get3A_5 = arith.constant 0 : index
    %get3A_6 = arith.constant 0 : index
    %get3A_7 = vector.load %arg4[%get3A_5, %get3A_6] : memref<64x64xf32, #tpu.memory_space<vmem>>, vector<64x64xf32>
    %dot_general3A = arith.constant dense<0.000000e+00> : vector<4096x64xf32>
    %dot_general3A_8 = tpu.matmul %get3A_1, %get3A_7, %dot_general3A {dimension_numbers = #tpu.dot_dimension_numbers<[1], [0], [0], [1], [0, 0, 1, 1], [], []>, transpose_lhs_hint = false} : vector<4096x64xf32>, vector<64x64xf32>, vector<4096x64xf32> -> vector<4096x64xf32>
    %get3A_9 = arith.constant 0 : index
    %get3A_10 = arith.constant 0 : index
    %get3A_11 = vector.load %arg5[%get3A_9, %get3A_10] : memref<64x64xf32, #tpu.memory_space<vmem>>, vector<64x64xf32>
    %dot_general3A_12 = arith.constant dense<0.000000e+00> : vector<4096x64xf32>
    %dot_general3A_13 = tpu.matmul %get3A_1, %get3A_11, %dot_general3A_12 {dimension_numbers = #tpu.dot_dimension_numbers<[1], [0], [0], [1], [0, 0, 1, 1], [], []>, transpose_lhs_hint = false} : vector<4096x64xf32>, vector<64x64xf32>, vector<4096x64xf32> -> vector<4096x64xf32>
    %get3A_14 = arith.constant 0 : index
    %get3A_15 = arith.constant 64 : index
    %get3A_16 = vector.load %arg1[%get3A_14, %get3A_15] : memref<256x128xf32, #tpu.memory_space<vmem>>, vector<256x64xf32>
    %broadcast_in_dim3A = vector.shape_cast %get3A_16 : vector<256x64xf32> to vector<256x1x64xf32>
    %broadcast_in_dim3A_17 = vector.shape_cast %broadcast_in_dim3A : vector<256x1x64xf32> to vector<256x1x64xf32>
    %broadcast_in_dim3A_18 = vector.broadcast %broadcast_in_dim3A_17 : vector<256x1x64xf32> to vector<256x16x64xf32>
    %reshape3A = vector.shape_cast %broadcast_in_dim3A_18 : vector<256x16x64xf32> to vector<4096x64xf32>
    %sub3A = arith.subf %reshape3A, %get3A_4 : vector<4096x64xf32>
    %get3A_19 = arith.constant 0 : index
    %get3A_20 = arith.constant 0 : index
    %get3A_21 = vector.load %arg6[%get3A_19, %get3A_20] : memref<1x64xf32, #tpu.memory_space<vmem>>, vector<1x64xf32>
    %add3A = vector.broadcast %get3A_21 : vector<1x64xf32> to vector<4096x64xf32>
    %add3A_22 = arith.addf %sub3A, %add3A : vector<4096x64xf32>
    %max3A = arith.constant 0.000000e+00 : f32
    %max3A_23 = vector.broadcast %max3A : f32 to vector<4096x64xf32>
    %max3A_24 = arith.maximumf %add3A_22, %max3A_23 : vector<4096x64xf32>
    %get3A_25 = arith.constant 0 : index
    %get3A_26 = arith.constant 0 : index
    %get3A_27 = vector.load %arg7[%get3A_25, %get3A_26] : memref<64x64xf32, #tpu.memory_space<vmem>>, vector<64x64xf32>
    %dot_general3A_28 = arith.constant dense<0.000000e+00> : vector<4096x64xf32>
    %dot_general3A_29 = tpu.matmul %max3A_24, %get3A_27, %dot_general3A_28 {dimension_numbers = #tpu.dot_dimension_numbers<[1], [0], [0], [1], [0, 0, 1, 1], [], []>, transpose_lhs_hint = false} : vector<4096x64xf32>, vector<64x64xf32>, vector<4096x64xf32> -> vector<4096x64xf32>
    %get3A_30 = arith.constant 0 : index
    %get3A_31 = arith.constant 0 : index
    %get3A_32 = vector.load %arg8[%get3A_30, %get3A_31] : memref<1x64xf32, #tpu.memory_space<vmem>>, vector<1x64xf32>
    %add3A_33 = vector.broadcast %get3A_32 : vector<1x64xf32> to vector<4096x64xf32>
    %add3A_34 = arith.addf %dot_general3A_29, %add3A_33 : vector<4096x64xf32>
    %get3A_35 = arith.constant 0 : index
    %get3A_36 = arith.constant 0 : index
    %get3A_37 = vector.load %arg1[%get3A_35, %get3A_36] : memref<256x128xf32, #tpu.memory_space<vmem>>, vector<256x64xf32>
    %broadcast_in_dim3A_38 = vector.shape_cast %get3A_37 : vector<256x64xf32> to vector<256x1x64xf32>
    %broadcast_in_dim3A_39 = vector.shape_cast %broadcast_in_dim3A_38 : vector<256x1x64xf32> to vector<256x1x64xf32>
    %broadcast_in_dim3A_40 = vector.broadcast %broadcast_in_dim3A_39 : vector<256x1x64xf32> to vector<256x16x64xf32>
    %reshape3A_41 = vector.shape_cast %broadcast_in_dim3A_40 : vector<256x16x64xf32> to vector<4096x64xf32>
    %sub3A_42 = arith.subf %reshape3A_41, %dot_general3A_8 : vector<4096x64xf32>
    %add3A_43 = arith.addf %sub3A_42, %add3A_34 : vector<4096x64xf32>
    %get3A_44 = arith.constant 0 : index
    %get3A_45 = arith.constant 0 : index
    %get3A_46 = vector.load %arg9[%get3A_44, %get3A_45] : memref<64x64xf32, #tpu.memory_space<vmem>>, vector<64x64xf32>
    %dot_general3A_47 = arith.constant dense<0.000000e+00> : vector<4096x64xf32>
    %dot_general3A_48 = tpu.matmul %add3A_43, %get3A_46, %dot_general3A_47 {dimension_numbers = #tpu.dot_dimension_numbers<[1], [0], [0], [1], [0, 0, 1, 1], [], []>, transpose_lhs_hint = false} : vector<4096x64xf32>, vector<64x64xf32>, vector<4096x64xf32> -> vector<4096x64xf32>
    %get3A_49 = arith.constant 0 : index
    %get3A_50 = arith.constant 0 : index
    %get3A_51 = vector.load %arg10[%get3A_49, %get3A_50] : memref<1x64xf32, #tpu.memory_space<vmem>>, vector<1x64xf32>
    %add3A_52 = vector.broadcast %get3A_51 : vector<1x64xf32> to vector<4096x64xf32>
    %add3A_53 = arith.addf %dot_general3A_48, %add3A_52 : vector<4096x64xf32>
    %max3A_54 = arith.constant 0.000000e+00 : f32
    %max3A_55 = vector.broadcast %max3A_54 : f32 to vector<4096x64xf32>
    %max3A_56 = arith.maximumf %add3A_53, %max3A_55 : vector<4096x64xf32>
    %get3A_57 = arith.constant 0 : index
    %get3A_58 = arith.constant 0 : index
    %get3A_59 = vector.load %arg11[%get3A_57, %get3A_58] : memref<64x64xf32, #tpu.memory_space<vmem>>, vector<64x64xf32>
    %dot_general3A_60 = arith.constant dense<0.000000e+00> : vector<4096x64xf32>
    %dot_general3A_61 = tpu.matmul %max3A_56, %get3A_59, %dot_general3A_60 {dimension_numbers = #tpu.dot_dimension_numbers<[1], [0], [0], [1], [0, 0, 1, 1], [], []>, transpose_lhs_hint = false} : vector<4096x64xf32>, vector<64x64xf32>, vector<4096x64xf32> -> vector<4096x64xf32>
    %get3A_62 = arith.constant 0 : index
    %get3A_63 = arith.constant 0 : index
    %get3A_64 = vector.load %arg12[%get3A_62, %get3A_63] : memref<1x64xf32, #tpu.memory_space<vmem>>, vector<1x64xf32>
    %add3A_65 = vector.broadcast %get3A_64 : vector<1x64xf32> to vector<4096x64xf32>
    %add3A_66 = arith.addf %dot_general3A_61, %add3A_65 : vector<4096x64xf32>
    %reshape3A_67 = vector.shape_cast %add3A_66 : vector<4096x64xf32> to vector<256x16x64xf32>
    %mul3A = arith.constant 1.250000e-01 : f32
    %mul3A_68 = vector.broadcast %mul3A : f32 to vector<256x16x64xf32>
    %mul3A_69 = arith.mulf %reshape3A_67, %mul3A_68 : vector<256x16x64xf32>
    %reduce_max3A = arith.constant dense<0xFF800000> : vector<256x64xf32>
    %reduce_max3A_70 = vector.multi_reduction <maximumf>, %mul3A_69, %reduce_max3A [1] : vector<256x16x64xf32> to vector<256x64xf32>
    %broadcast_in_dim3A_71 = vector.shape_cast %reduce_max3A_70 : vector<256x64xf32> to vector<256x1x64xf32>
    %sub3A_72 = vector.broadcast %broadcast_in_dim3A_71 : vector<256x1x64xf32> to vector<256x16x64xf32>
    %sub3A_73 = arith.subf %mul3A_69, %sub3A_72 : vector<256x16x64xf32>
    %exp3A = math.exp %sub3A_73 : vector<256x16x64xf32>
    %reduce_sum3A = arith.constant dense<0.000000e+00> : vector<256x64xf32>
    %reduce_sum3A_74 = vector.multi_reduction <add>, %exp3A, %reduce_sum3A [1] : vector<256x16x64xf32> to vector<256x64xf32>
    %broadcast_in_dim3A_75 = vector.shape_cast %reduce_sum3A_74 : vector<256x64xf32> to vector<256x1x64xf32>
    %div3A = vector.broadcast %broadcast_in_dim3A_75 : vector<256x1x64xf32> to vector<256x16x64xf32>
    %div3A_76 = arith.divf %exp3A, %div3A : vector<256x16x64xf32>
    %swap3A = arith.constant 0 : index
    %swap3A_77 = arith.constant 0 : index
    %swap3A_78 = arith.constant 0 : index
    %swap3A_79 = vector.load %arg15[%swap3A, %swap3A_77, %swap3A_78] : memref<256x16x64xf32, #tpu.memory_space<vmem>>, vector<256x16x64xf32>
    tpu.vector_store %arg15[%swap3A, %swap3A_77, %swap3A_78], %div3A_76 {strides = array<i32>} : memref<256x16x64xf32, #tpu.memory_space<vmem>>, vector<256x16x64xf32>,
    %add3A_80 = arith.addf %dot_general3A_13, %add3A_34 : vector<4096x64xf32>
    %reshape3A_81 = vector.shape_cast %add3A_80 : vector<4096x64xf32> to vector<256x16x64xf32>
    %mul3A_82 = arith.mulf %div3A_76, %reshape3A_81 : vector<256x16x64xf32>
    %reduce_sum3A_83 = arith.constant dense<0.000000e+00> : vector<256x64xf32>
    %reduce_sum3A_84 = vector.multi_reduction <add>, %mul3A_82, %reduce_sum3A_83 [1] : vector<256x16x64xf32> to vector<256x64xf32>
    %get3A_85 = arith.constant 0 : index
    %get3A_86 = arith.constant 0 : index
    %get3A_87 = vector.load %arg13[%get3A_85, %get3A_86] : memref<64x64xf32, #tpu.memory_space<vmem>>, vector<64x64xf32>
    %dot_general3A_88 = arith.constant dense<0.000000e+00> : vector<256x64xf32>
    %dot_general3A_89 = tpu.matmul %reduce_sum3A_84, %get3A_87, %dot_general3A_88 {dimension_numbers = #tpu.dot_dimension_numbers<[1], [0], [0], [1], [0, 0, 1, 1], [], []>, transpose_lhs_hint = false} : vector<256x64xf32>, vector<64x64xf32>, vector<256x64xf32> -> vector<256x64xf32>
    %get3A_90 = arith.constant 0 : index
    %get3A_91 = arith.constant 0 : index
    %get3A_92 = vector.load %arg14[%get3A_90, %get3A_91] : memref<1x64xf32, #tpu.memory_space<vmem>>, vector<1x64xf32>
    %add3A_93 = vector.broadcast %get3A_92 : vector<1x64xf32> to vector<256x64xf32>
    %add3A_94 = arith.addf %dot_general3A_89, %add3A_93 : vector<256x64xf32>
    %get3A_95 = arith.constant 0 : index
    %get3A_96 = arith.constant 0 : index
    %get3A_97 = vector.load %arg3[%get3A_95, %get3A_96] : memref<256x64xf32, #tpu.memory_space<vmem>>, vector<256x64xf32>
    %add3A_98 = arith.addf %add3A_94, %get3A_97 : vector<256x64xf32>
    %swap3A_99 = arith.constant 0 : index
    %swap3A_100 = arith.constant 0 : index
    %swap3A_101 = vector.load %arg16[%swap3A_99, %swap3A_100] : memref<256x64xf32, #tpu.memory_space<vmem>>, vector<256x64xf32>
    tpu.vector_store %arg16[%swap3A_99, %swap3A_100], %add3A_98 {strides = array<i32>} : memref<256x64xf32, #tpu.memory_space<vmem>>, vector<256x64xf32>,
    return
  }
  func.func @transform_0(%arg0: i32) -> (i32, i32) {
    %c0_i32 = arith.constant 0 : i32
    %c0_i32_0 = arith.constant 0 : i32
    return %arg0, %c0_i32 : i32, i32
  }
  func.func @transform_1(%arg0: i32) -> (i32, i32) {
    %c0_i32 = arith.constant 0 : i32
    %c0_i32_0 = arith.constant 0 : i32
    return %arg0, %c0_i32 : i32, i32
  }
  func.func @transform_2(%arg0: i32) -> (i32, i32) {
    %c0_i32 = arith.constant 0 : i32
    %c0_i32_0 = arith.constant 0 : i32
    return %arg0, %c0_i32 : i32, i32
  }
  func.func @transform_3(%arg0: i32) -> (i32, i32) {
    %c0_i32 = arith.constant 0 : i32
    %c0_i32_0 = arith.constant 0 : i32
    %c0_i32_1 = arith.constant 0 : i32
    return %c0_i32, %c0_i32_0 : i32, i32
  }
  func.func @transform_4(%arg0: i32) -> (i32, i32) {
    %c0_i32 = arith.constant 0 : i32
    %c0_i32_0 = arith.constant 0 : i32
    %c0_i32_1 = arith.constant 0 : i32
    return %c0_i32, %c0_i32_0 : i32, i32
  }
  func.func @transform_5(%arg0: i32) -> (i32, i32) {
    %c0_i32 = arith.constant 0 : i32
    %c0_i32_0 = arith.constant 0 : i32
    %c0_i32_1 = arith.constant 0 : i32
    return %c0_i32, %c0_i32_0 : i32, i32
  }
  func.func @transform_6(%arg0: i32) -> (i32, i32) {
    %c0_i32 = arith.constant 0 : i32
    %c0_i32_0 = arith.constant 0 : i32
    %c0_i32_1 = arith.constant 0 : i32
    return %c0_i32, %c0_i32_0 : i32, i32
  }
  func.func @transform_7(%arg0: i32) -> (i32, i32) {
    %c0_i32 = arith.constant 0 : i32
    %c0_i32_0 = arith.constant 0 : i32
    %c0_i32_1 = arith.constant 0 : i32
    return %c0_i32, %c0_i32_0 : i32, i32
  }
  func.func @transform_8(%arg0: i32) -> (i32, i32) {
    %c0_i32 = arith.constant 0 : i32
    %c0_i32_0 = arith.constant 0 : i32
    %c0_i32_1 = arith.constant 0 : i32
    return %c0_i32, %c0_i32_0 : i32, i32
  }
  func.func @transform_9(%arg0: i32) -> (i32, i32) {
    %c0_i32 = arith.constant 0 : i32
    %c0_i32_0 = arith.constant 0 : i32
    %c0_i32_1 = arith.constant 0 : i32
    return %c0_i32, %c0_i32_0 : i32, i32
  }
  func.func @transform_10(%arg0: i32) -> (i32, i32) {
    %c0_i32 = arith.constant 0 : i32
    %c0_i32_0 = arith.constant 0 : i32
    %c0_i32_1 = arith.constant 0 : i32
    return %c0_i32, %c0_i32_0 : i32, i32
  }
  func.func @transform_11(%arg0: i32) -> (i32, i32) {
    %c0_i32 = arith.constant 0 : i32
    %c0_i32_0 = arith.constant 0 : i32
    %c0_i32_1 = arith.constant 0 : i32
    return %c0_i32, %c0_i32_0 : i32, i32
  }
  func.func @transform_12(%arg0: i32) -> (i32, i32) {
    %c0_i32 = arith.constant 0 : i32
    %c0_i32_0 = arith.constant 0 : i32
    %c0_i32_1 = arith.constant 0 : i32
    return %c0_i32, %c0_i32_0 : i32, i32
  }
  func.func @transform_13(%arg0: i32) -> (i32, i32) {
    %c0_i32 = arith.constant 0 : i32
    %c0_i32_0 = arith.constant 0 : i32
    %c0_i32_1 = arith.constant 0 : i32
    return %c0_i32, %c0_i32_0 : i32, i32
  }
  func.func @transform_14(%arg0: i32) -> (i32, i32, i32) {
    %c0_i32 = arith.constant 0 : i32
    %c0_i32_0 = arith.constant 0 : i32
    %c0_i32_1 = arith.constant 0 : i32
    return %arg0, %c0_i32, %c0_i32_0 : i32, i32, i32
  }
  func.func @transform_15(%arg0: i32) -> (i32, i32) {
    %c0_i32 = arith.constant 0 : i32
    %c0_i32_0 = arith.constant 0 : i32
    return %arg0, %c0_i32 : i32, i32
  }
}

</mosaic_0001>

<sc_bundles>
// kernel: kernel.11.cloned.1.call-start
scs
__scs_entry_jumppad:
0x0: {  	(pc) =	sbr.rel $0x88, $3  }
0x1: {  	(tag) =	ssettag $0x0;
	lr =	simm.s32 $0x1  }
0x2: {  	[smem:$0x3F90] =	sst lr;
	_ =	strace $0xD0000000  }
0x3: {  	_ = 	snop  }
0x4: {  	_ = 	snop  }
0x5: {  	_ = 	snop  }
0x6: {  	_ = 	snop  }
0x7: {  	_ = 	snop  }
__scs_overlays_trampoline_lowered:
0x8: {  	[smem:$0x3F9F] =	sst s0  }
0x9: {  	[smem:$0x3FA0] =	sst s1  }
0xa: {  	[smem:$0x3FA1] =	sst s2  }
0xb: {  	[smem:$0x3FA2] =	sst s3  }
0xc: {  	[smem:$0x3FA3] =	sst s4  }
0xd: {  	[smem:$0x3FA4] =	sst s5  }
0xe: {  	[smem:$0x3FA5] =	sst s6  }
0xf: {  	[smem:$0x3FA6] =	sst s7  }
0x10: {  	[smem:$0x3FA7] =	sst s8  }
0x11: {  	[smem:$0x3FA8] =	sst s9;
	s0 =	simm.s32 @!p0 $0x0  }
0x12: {  	s1 =	sld [smem:$0x3F8E];
	s0 =	simm.s32 @p0 $0x1  }
0x13: {  	[smem:$0x3FA9] =	sst s0;
	s0 =	simm.s32 @!p1 $0x0  }
0x14: {  	s2 =	sld [smem:$0x3F8D];
	s0 =	simm.s32 @p1 $0x1  }
0x15: {  	[smem:$0x3FAA] =	sst s0;
	s0 =	simm.s32 @!p2 $0x0  }
0x16: {  	s3 =	sld [smem:$0x3FDB];
	s0 =	simm.s32 @p2 $0x1  }
0x17: {  	s4 =	simm.s32 $0x1BF5;
	[smem:$0x3FAC] =	sst s0  }
0x18: {  	s0 =	sld [smem:$0x3F8F];
	_ =	swait.ge [sflag:s4], $0x0  }
0x19: {  	s7 =	sld [smem:$0x3F90]  }
0x1a: {  	s8 =	sadd.s32 $0xFFFFE003, lr  }
0x1b: {  	s9 =	sadd.s32 $0xFFFFFEF7, lr;
	s5 =	simm.s32 $0xFFFFFFFF;
	p2 =	slt.u32 s8, $0xFFFFF086  }
0x1c: {  	p1 =	slt.u32 s9, $0xF7A;
	s5 =	simm.s32 @!p2 $0x0  }
0x1d: {  	s5 =	simm.s32 @p1 $0x1;
	p0 =	seq.s32 s7, s2  }
0x1e: {  	s7 =	smul.u32 @!p0 $0xF7A, s2;
	p2 =	seq.s32 @!p0 s5, $0x0  }
0x1f: {  	s9 =	smul.u32 $0xF7A, s1;
	s8 =	simm.s32 @!p0 $0x1BF5;
	p2 =	por !p2, p0  }
0x20: {  	[sflag:s8] =	ssyncset.s32 @!p0 $0xFFFFF086;
	s6 =	sadd.s32 @!p0 s3, s7;
	s7 =	simm.s32 @!p0 $0x108  }
0x21: {  	s3 =	sadd.s32 s3, s9;
	s6 =	sadd.s32 @!p0 $0x88, s6;
	s7 =	simm.s32 @p2 $0x1082  }
0x22: {  	[simem:s7], [sflag:s8] =	dma.local @!p0 [hbm:s6], $0xF7A  }
0x23: {  	s9 =	sor.u32 $0xD0000000, s2;
	s6 =	simm.s32 $0x108;
	_ =	swait.ge @!p0 [sflag:s8], $0x0  }
0x24: {  	s3 =	sadd.s32 $0x88, s3;
	s6 =	simm.s32 @!p1 $0x1082;
	[sflag:s4] =	ssyncset.s32 $0xFFFFF086  }
0x25: {  	[simem:s6], [sflag:s4] =	dma.local [hbm:s3], $0xF7A  }
0x26: {  	[smem:$0x3F90] =	sst s1;
	(tag) =	ssettag s2;
	_ =	strace s9  }
0x27: {  	s1 =	sld [smem:$0x3FA0]  }
0x28: {  	s2 =	sld [smem:$0x3FA1]  }
0x29: {  	s4 =	sld [smem:$0x3FA3]  }
0x2a: {  	p0 =	seq.s32 s5, $0x0;
	s5 =	sld [smem:$0x3FA4]  }
0x2b: {  	s6 =	sld [smem:$0x3FA5]  }
0x2c: {  	s7 =	sld [smem:$0x3FA6]  }
0x2d: {  	s3 =	simm.s32 $0x108;
	s8 =	sld [smem:$0x3FA7]  }
0x2e: {  	s3 =	simm.s32 @!p0 $0x1082;
	s9 =	sld [smem:$0x3FA8]  }
0x2f: {  	lr =	sadd.s32 s0, s3;
	s0 =	sld [smem:$0x3F9F]  }
0x30: {  	s3 =	sld [smem:$0x3FA2]  }
0x31: {  	[smem:$0x3FAB] =	sst s10  }
0x32: {  	s10 =	sld [smem:$0x3FA9];
	_ =	sdelay $0x3  }
0x33: {  	p0 =	seq.s32 s10, $0x1;
	s10 =	sld [smem:$0x3FAB];
	_ =	sdelay $0x3  }
0x34: {  	[smem:$0x3FAB] =	sst s10  }
0x35: {  	s10 =	sld [smem:$0x3FAA];
	_ =	sdelay $0x3  }
0x36: {  	p1 =	seq.s32 s10, $0x1;
	s10 =	sld [smem:$0x3FAB];
	_ =	sdelay $0x3  }
0x37: {  	[smem:$0x3FAB] =	sst s10  }
0x38: {  	s10 =	sld [smem:$0x3FAC]  }
0x39: {  	_ = 	snop;
	(pc) =	sbr.ind lr, $3  }
0x3a: {  	_ = 	snop  }
0x3b: {  	_ = 	snop  }
0x3c: {  	p2 =	seq.s32 s10, $0x1;
	s10 =	sld [smem:$0x3FAB]  }
0x3d: {  	_ =	shalt  }
0x3e: {  	_ =	shalt  }
0x3f: {  	_ =	shalt  }
0x40: {  	_ =	shalt  }
0x41: {  	_ =	shalt  }
0x42: {  	_ =	shalt  }
0x43: {  	_ =	shalt  }
0x44: {  	_ =	shalt  }
0x45: {  	_ =	shalt  }
0x46: {  	_ =	shalt  }
0x47: {  	_ =	shalt  }
0x48: {  	_ =	shalt  }
0x49: {  	_ =	shalt  }
0x4a: {  	_ =	shalt  }
0x4b: {  	_ =	shalt  }
0x4c: {  	_ =	shalt  }
0x4d: {  	_ =	shalt  }
0x4e: {  	_ =	shalt  }
0x4f: {  	_ =	shalt  }
0x50: {  	_ =	shalt  }
0x51: {  	_ =	shalt  }
0x52: {  	_ =	shalt  }
0x53: {  	_ =	shalt  }
0x54: {  	_ =	shalt  }
0x55: {  	_ =	shalt  }
0x56: {  	_ =	shalt  }
0x57: {  	_ =	shalt  }
0x58: {  	_ =	shalt  }
0x59: {  	_ =	shalt  }
0x5a: {  	_ =	shalt  }
0x5b: {  	_ =	shalt  }
0x5c: {  	_ =	shalt  }
0x5d: {  	_ =	shalt  }
0x5e: {  	_ =	shalt  }
0x5f: {  	_ =	shalt  }
0x60: {  	_ =	shalt  }
0x61: {  	_ =	shalt  }
0x62: {  	_ =	shalt  }
0x63: {  	_ =	shalt  }
0x64: {  	_ =	shalt  }
0x65: {  	_ =	shalt  }
0x66: {  	_ =	shalt  }
0x67: {  	_ =	shalt  }
0x68: {  	_ =	shalt  }
0x69: {  	_ =	shalt  }
0x6a: {  	_ =	shalt  }
0x6b: {  	_ =	shalt  }
0x6c: {  	_ =	shalt  }
0x6d: {  	_ =	shalt  }
0x6e: {  	_ =	shalt  }
0x6f: {  	_ =	shalt  }
0x70: {  	_ =	shalt  }
0x71: {  	_ =	shalt  }
0x72: {  	_ =	shalt  }
0x73: {  	_ =	shalt  }
0x74: {  	_ =	shalt  }
0x75: {  	_ =	shalt  }
0x76: {  	_ =	shalt  }
0x77: {  	_ =	shalt  }
0x78: {  	_ =	shalt  }
0x79: {  	_ =	shalt  }
0x7a: {  	_ =	shalt  }
0x7b: {  	_ =	shalt  }
0x7c: {  	_ =	shalt  }
0x7d: {  	_ =	shalt  }
0x7e: {  	_ =	shalt  }
0x7f: {  	_ =	shalt  }
0x80: {  	_ =	shalt  }
0x81: {  	_ =	shalt  }
0x82: {  	_ =	shalt  }
0x83: {  	_ =	shalt  }
0x84: {  	_ =	shalt  }
0x85: {  	_ =	shalt  }
0x86: {  	_ =	shalt  }
0x87: {  	_ =	shalt  }
.Lfunc_end0:
.L_simem_size_0:
called_computation.2_lowered:
.L_overlay_start_0:
0x88: {  	s2 =	sld [smem:$0x3FD9]  }
0x89: {  	s3 =	sld [smem:$0x3FFE];
	_ =	sdelay $0x1  }
0x8a: {  	s1 =	srdreg.scid  }
0x8b: {  	s0 =	sand.u32 $0x1, s1  }
0x8c: {  	s15 =	sshll.u32 s0, $0xA;
	s2 =	sadd.s32 s3, s2  }
0x8d: {  	s2 =	sadd.s32 s2, s15  }
0x8e: {  	[smem:$0x3FB7] =	sst s2  }
0x8f: {  	_ = 	snop  }
0x90: {  	s2 =	sld [smem:$0x3FD0];
	_ =	sdelay $0x2  }
0x91: {  	s16 =	simm.s32 $0xB;
	s4 =	simm.s32 $0x10  }
0x92: {  	[smem:s4], [sflag:s16] =	dma.local [hbm:s2], $0x1  }
0x93: {  	_ =	swait.eq [sflag:s16], $0x1  }
0x94: {  	[sflag:s16] =	ssyncset.done $0x0  }
0x95: {  	[sflag:s16] =	ssyncadd.s32 $0xFFFFFFFF  }
0x96: {  	s17 =	sld [smem:$0x10];
	(tm) =	ssettm $0x1  }
0x97: {  	s18 =	sld [smem:$0x3FFB];
	_ =	sdelay $0x3  }
0x98: {  	_ =	strace s18  }
0x99: {  	s2 =	sld [smem:$0x3FFC];
	_ =	sdelay $0x3  }
0x9a: {  	_ =	strace s2  }
0x9b: {  	s2 =	sld [smem:$0x3FFD];
	_ =	sdelay $0x3  }
0x9c: {  	_ =	strace s2  }
0x9d: {  	_ =	strace $0x8FFFFFFF  }
0x9e: {  	s19 =	sld [smem:$0x3FDB];
	_ =	sdelay $0x1  }
0x9f: {  	s20 =	simm.s32 $_scs_section_size  }
0xa0: {  	s5 =	simm.s32 $_size__tile_overlayer_lowered;
	s6 =	simm.s32 $_tile_overlayer_lowered  }
0xa1: {  	s7 =	simm.s32 $0x1BFF;
	s21 =	sshll.u32 s6, $0x1;
	s4 =	sadd.s32 s20, s19  }
0xa2: {  	s22 =	simm.s32 $0x0;
	s5 =	sshll.u32 s5, $0x1;
	s6 =	sadd.s32 s21, s4  }
0xa3: {  	[timem:s22], [sflag:s7] =	dma.local [hbm:s6], s5  }
0xa4: {  	_ =	swait.ge [sflag:s7], s5  }
0xa5: {  	s5 =	ssub.s32 $0x0, s5;
	[sflag:s7] =	ssyncset.done $0x0  }
0xa6: {  	[sflag:s7] =	ssyncadd.s32 s5;
	_ =	sdelay $0x1  }
0xa7: {  	s23 =	simm.s32 $0x1B8B  }
0xa8: {  	_ =	swait.ge [sflag:s23], $0x1  }
0xa9: {  	[sflag:s23] =	ssyncset.done $0x0  }
0xaa: {  	[sflag:s23] =	ssyncadd.s32 $0xFFFFFFFF  }
0xab: {  	s5 =	sld [smem:$0x0]  }
0xac: {  	s6 =	sand.u32 $0xFFFFFFFE, s1  }
0xad: {  	p0 =	sne.s32 s1, s6  }
0xae: {  	s6 =	sshll.u32 @p0 s6, $0xE  }
0xaf: {  	s6 =	sadd.s32 @p0 $0x11B8D, s6;
	s7 =	sshll.u32 @p0 s5, $0x11  }
0xb0: {  	s6 =	sor.u32 @p0 s7, s6  }
0xb1: {  	[sflag:s6] =	ssyncadd.remote.s32 @p0 $0x1;
	_ =	sdelay $0x1  }
0xb2: {  	s6 =	simm.s32 @p0 $0x1B8D  }
0xb3: {  	_ =	swait.eq @p0 [sflag:s6], $0x1  }
0xb4: {  	[sflag:s6] =	ssyncadd.s32 @p0 $0xFFFFFFFF  }
0xb5: {  	s7 =	sshll.u32 @!p0 s1, $0xE  }
0xb6: {  	s7 =	sor.u32 @!p0 $0x4000, s7;
	s6 =	simm.s32 @!p0 $0x1B8D  }
0xb7: {  	s5 =	sshll.u32 @!p0 s5, $0x11;
	s7 =	sadd.s32 @!p0 $0x11B8D, s7;
	_ =	swait.eq @!p0 [sflag:s6], $0x1  }
0xb8: {  	s5 =	sor.u32 @!p0 s5, s7;
	[sflag:s6] =	ssyncadd.s32 @!p0 $0xFFFFFFFF  }
0xb9: {  	s25 =	simm.s32 $0x1B8E;
	s24 =	sld [smem:$0x3FFE];
	[sflag:s5] =	ssyncadd.remote.s32 @!p0 $0x1  }
0xba: {  	s26 =	simm.s32 $execute0_lowered;
	[smem:$0x3FD2] =	sst s25  }
0xbb: {  	s6 =	sshll.u32 s26, $0x1;
	_ =	strace $0x80000049;
	[dreg:$0x1] =	wrdreg $0xFFFFFFFF  }
0xbc: {  	s28 =	simm.s32 $_size_execute0_lowered;
	s4 =	sadd.s32 s4, s6;
	[dreg:$0x0] =	wrdreg $0x0  }
0xbd: {  	s6 =	sshll.u32 s28, $0x1;
	[dreg:$0x2] =	wrdreg s4  }
0xbe: {  	[dreg:$0x3] =	wrdreg s6  }
0xbf: {  	[dreg:$0x4] =	wrdreg $0xC0  }
0xc0: {  	_ =	task [dreg:s22], $0x5FFFF  }
0xc1: {  	[dreg:$0x1] =	wrdreg $0xFFFFFFFF  }
0xc2: {  	[dreg:$0x0] =	wrdreg $0x60  }
0xc3: {  	[dreg:$0x2] =	wrdreg s17  }
0xc4: {  	[dreg:$0x3] =	wrdreg s24  }
0xc5: {  	[dreg:$0x4] =	wrdreg $0xA  }
0xc6: {  	_ =	task.clear_ibuf [dreg:s22], $0x5FFFF;
	_ =	strace $0x90000049  }
0xc7: {  	s29 =	simm.s32 $0xA;
	_ =	strace $0x8000004B  }
0xc8: {  	_ =	swait.ge [sflag:s29], $0x1  }
0xc9: {  	[sflag:s29] =	ssyncadd.s32 $0xFFFFFFFF  }
0xca: {  	_ =	strace $0x9000004B  }
0xcb: {  	_ =	sfence  }
0xcc: {  	s30 =	sld [smem:$0x0];
	_ =	sdelay $0x2  }
0xcd: {  	s31 =	sshll.u32 s1, $0xD;
	s1 =	sshrl.u32 s1, $0x2  }
0xce: {  	s4 =	sand.u32 $0x4000, s31;
	s1 =	sadd.s32 s1, s30  }
0xcf: {  	s0 =	sor.u32 s4, s0;
	s1 =	sshll.u32 s1, $0x11  }
0xd0: {  	s0 =	sor.u32 s1, s0  }
0xd1: {  	s0 =	sadd.s32 $0x8F2B, s0  }
0xd2: {  	[sflag:s0] =	ssyncadd.remote.s32 $0x1  }
0xd3: {  	_ =	sfence.sel $0xFFFF  }
0xd4: {  	[dreg:$0x0] =	wrdreg $0xFFFFFFFF;
	(pc) =	sbr.abs _section_cstart, $3  }
0xd5: {  	[dreg:$0x1] =	wrdreg $0xFFFFFFFF  }
0xd6: {  	_ =	task.clear_ibuf [dreg:s22], $0x2FFFF;
	_ =	strace $0x9FFFFFFF  }
0xd7: {  	(tm) =	ssettm $0x7FFFFFFF  }
tec
execute0_lowered:
.L_overlay_start_1:
0x0: {  	(tag) =	ssettag $0x1  }
0x1: {  	s2 =	rddreg [dreg:$0x0];
	s0 =	srdreg.scid  }
0x2: {  	s1 =	stileid.u32;
	s4 =	rddreg [dreg:$0x1]  }
0x3: {  	s3 =	simm.s32 $0x0;
	s5 =	sand.u32 $0x1, s0;
	s7 =	sshll.u32 s1, $0x1  }
0x4: {  	[smem:$0x7FF] =	sst s3;
	s0 =	sor.u32 s5, s7  }
0x5: {  	s30 =	sadd.s32 $0x15E00, s4;
	[dreg:$0xe] =	wrdreg s5;
	s5 =	sshll.u32 s0, $0x8  }
0x6: {  	s31 =	sadd.s32 $0x17E00, s4;
	s8 =	sshll.u32 s0, $0xF;
	s4 =	sadd.s32 s30, s5  }
0x7: {  	_ =	strace $0x8000004A;
	s5 =	sadd.s32 s31, s8;
	s6 =	sadd.s32 $0x10, s4  }
0x8: {  	[tilespmem:s3], [sflag:$0x4] =	stream.linear.gather [hbm4b:s4+s3], $0x80, $0x38;
	[tilespmem:$0x8080] =	vst v63  }
0x9: {  	s9 =	sadd.s32 $0x800, s5;
	[dreg:$0x3] =	wrdreg s6  }
0xa: {  	s10 =	sadd.s32 $0x20, s4;
	[dreg:$0x4] =	wrdreg s9  }
0xb: {  	s11 =	sadd.s32 $0x1000, s5;
	[dreg:$0x5] =	wrdreg s10  }
0xc: {  	s12 =	sadd.s32 $0x30, s4;
	[dreg:$0x6] =	wrdreg s11  }
0xd: {  	s13 =	sadd.s32 $0x1800, s5;
	[dreg:$0x7] =	wrdreg s12  }
0xe: {  	s14 =	sadd.s32 $0x40, s4;
	[dreg:$0x8] =	wrdreg s13  }
0xf: {  	s15 =	sadd.s32 $0x2000, s5;
	[dreg:$0x9] =	wrdreg s14  }
0x10: {  	s16 =	sadd.s32 $0x50, s4;
	[dreg:$0xa] =	wrdreg s15  }
0x11: {  	s17 =	sadd.s32 $0x2800, s5;
	[dreg:$0xb] =	wrdreg s16  }
0x12: {  	s18 =	sadd.s32 $0x60, s4;
	[dreg:$0xc] =	wrdreg s17  }
0x13: {  	[dreg:$0xd] =	wrdreg s18;
	s6 =	simm.s32 $0x4  }
0x14: {  	_ =	swait.ge [sflag:s6], $0x80  }
0x15: {  	[sflag:s6] =	ssyncset.done $0x0  }
0x16: {  	s7 =	simm.s32 $0x80;
	s8 =	simm.s32 $0x1;
	[sflag:s6] =	ssyncadd.s32 $0xFFFFFF80  }
0x17: {  	[tilespmem:s7], [sflag:$0x1] =	stream.indirect.gather [hbm4b:s2+s7], $0x80, s3, s7, $0xb8;
	[tilespmem:$0x8080] =	vst v63  }
0x18: {  	_ =	swait.ge [sflag:s8], $0x4000  }
0x19: {  	[sflag:s8] =	ssyncset.done $0x0  }
0x1a: {  	[sflag:s8] =	ssyncadd.s32 $0xFFFFC000  }
0x1b: {  	[hbm4b:s5+s3] =	stream.linear.scatter [tilespmem:s7], [sflag:$0x2], $0x4000, $0x38;
	[tilespmem:$0x8080] =	vst v63  }
0x1c: {  	s9 =	rddreg [dreg:$0x3]  }
0x1d: {  	[tilespmem:s3], [sflag:$0x4] =	stream.linear.gather [hbm4b:s9+s3], $0x80, $0x38;
	[tilespmem:$0x8080] =	vst v63  }
0x1e: {  	_ =	swait.ge [sflag:s6], $0x80  }
0x1f: {  	[sflag:s6] =	ssyncset.done $0x0  }
0x20: {  	s9 =	simm.s32 $0x4080;
	[sflag:s6] =	ssyncadd.s32 $0xFFFFFF80  }
0x21: {  	[tilespmem:s9], [sflag:$0x1] =	stream.indirect.gather [hbm4b:s2+s7], $0x80, s3, s7, $0xb8;
	[tilespmem:$0x8080] =	vst v63  }
0x22: {  	_ =	swait.ge [sflag:s8], $0x4000  }
0x23: {  	[sflag:s8] =	ssyncset.done $0x0  }
0x24: {  	s10 =	simm.s32 $0x2;
	s11 =	rddreg [dreg:$0x4];
	[sflag:s8] =	ssyncadd.s32 $0xFFFFC000  }
0x25: {  	[hbm4b:s11+s3] =	stream.linear.scatter [tilespmem:s9], [sflag:$0x3], $0x4000, $0x38;
	[tilespmem:$0x8080] =	vst v63  }
0x26: {  	_ =	swait.ge [sflag:s10], $0x4000  }
0x27: {  	[sflag:s10] =	ssyncset.done $0x0  }
0x28: {  	s19 =	rddreg [dreg:$0x5];
	[sflag:s10] =	ssyncadd.s32 $0xFFFFC000  }
0x29: {  	[tilespmem:s3], [sflag:$0x4] =	stream.linear.gather [hbm4b:s19+s3], $0x80, $0x38;
	[tilespmem:$0x8080] =	vst v63  }
0x2a: {  	_ =	swait.ge [sflag:s6], $0x80  }
0x2b: {  	[sflag:s6] =	ssyncset.done $0x0  }
0x2c: {  	[sflag:s6] =	ssyncadd.s32 $0xFFFFFF80  }
0x2d: {  	[tilespmem:s7], [sflag:$0x1] =	stream.indirect.gather [hbm4b:s2+s7], $0x80, s3, s7, $0xb8;
	[tilespmem:$0x8080] =	vst v63  }
0x2e: {  	_ =	swait.ge [sflag:s8], $0x4000  }
0x2f: {  	[sflag:s8] =	ssyncset.done $0x0  }
0x30: {  	s11 =	simm.s32 $0x3;
	s12 =	rddreg [dreg:$0x6];
	[sflag:s8] =	ssyncadd.s32 $0xFFFFC000  }
0x31: {  	[hbm4b:s12+s3] =	stream.linear.scatter [tilespmem:s7], [sflag:$0x2], $0x4000, $0x38;
	[tilespmem:$0x8080] =	vst v63  }
0x32: {  	_ =	swait.ge [sflag:s11], $0x4000  }
0x33: {  	[sflag:s11] =	ssyncset.done $0x0  }
0x34: {  	s20 =	rddreg [dreg:$0x7];
	[sflag:s11] =	ssyncadd.s32 $0xFFFFC000  }
0x35: {  	[tilespmem:s3], [sflag:$0x4] =	stream.linear.gather [hbm4b:s20+s3], $0x80, $0x38;
	[tilespmem:$0x8080] =	vst v63  }
0x36: {  	_ =	swait.ge [sflag:s6], $0x80  }
0x37: {  	[sflag:s6] =	ssyncset.done $0x0  }
0x38: {  	[sflag:s6] =	ssyncadd.s32 $0xFFFFFF80  }
0x39: {  	[tilespmem:s9], [sflag:$0x1] =	stream.indirect.gather [hbm4b:s2+s7], $0x80, s3, s7, $0xb8;
	[tilespmem:$0x8080] =	vst v63  }
0x3a: {  	_ =	swait.ge [sflag:s8], $0x4000  }
0x3b: {  	[sflag:s8] =	ssyncset.done $0x0  }
0x3c: {  	s21 =	rddreg [dreg:$0x8];
	[sflag:s8] =	ssyncadd.s32 $0xFFFFC000  }
0x3d: {  	[hbm4b:s21+s3] =	stream.linear.scatter [tilespmem:s9], [sflag:$0x3], $0x4000, $0x38;
	[tilespmem:$0x8080] =	vst v63  }
0x3e: {  	_ =	swait.ge [sflag:s10], $0x4000  }
0x3f: {  	[sflag:s10] =	ssyncset.done $0x0  }
0x40: {  	s22 =	rddreg [dreg:$0x9];
	[sflag:s10] =	ssyncadd.s32 $0xFFFFC000  }
0x41: {  	[tilespmem:s3], [sflag:$0x4] =	stream.linear.gather [hbm4b:s22+s3], $0x80, $0x38;
	[tilespmem:$0x8080] =	vst v63  }
0x42: {  	_ =	swait.ge [sflag:s6], $0x80  }
0x43: {  	[sflag:s6] =	ssyncset.done $0x0  }
0x44: {  	[sflag:s6] =	ssyncadd.s32 $0xFFFFFF80  }
0x45: {  	[tilespmem:s7], [sflag:$0x1] =	stream.indirect.gather [hbm4b:s2+s7], $0x80, s3, s7, $0xb8;
	[tilespmem:$0x8080] =	vst v63  }
0x46: {  	_ =	swait.ge [sflag:s8], $0x4000  }
0x47: {  	[sflag:s8] =	ssyncset.done $0x0  }
0x48: {  	s23 =	rddreg [dreg:$0xa];
	[sflag:s8] =	ssyncadd.s32 $0xFFFFC000  }
0x49: {  	[hbm4b:s23+s3] =	stream.linear.scatter [tilespmem:s7], [sflag:$0x2], $0x4000, $0x38;
	[tilespmem:$0x8080] =	vst v63  }
0x4a: {  	_ =	swait.ge [sflag:s11], $0x4000  }
0x4b: {  	[sflag:s11] =	ssyncset.done $0x0  }
0x4c: {  	s24 =	rddreg [dreg:$0xb];
	[sflag:s11] =	ssyncadd.s32 $0xFFFFC000  }
0x4d: {  	[tilespmem:s3], [sflag:$0x4] =	stream.linear.gather [hbm4b:s24+s3], $0x80, $0x38;
	[tilespmem:$0x8080] =	vst v63  }
0x4e: {  	_ =	swait.ge [sflag:s6], $0x80  }
0x4f: {  	[sflag:s6] =	ssyncset.done $0x0  }
0x50: {  	[sflag:s6] =	ssyncadd.s32 $0xFFFFFF80  }
0x51: {  	[tilespmem:s9], [sflag:$0x1] =	stream.indirect.gather [hbm4b:s2+s7], $0x80, s3, s7, $0xb8;
	[tilespmem:$0x8080] =	vst v63  }
0x52: {  	_ =	swait.ge [sflag:s8], $0x4000  }
0x53: {  	[sflag:s8] =	ssyncset.done $0x0  }
0x54: {  	s25 =	rddreg [dreg:$0xc];
	[sflag:s8] =	ssyncadd.s32 $0xFFFFC000  }
0x55: {  	[hbm4b:s25+s3] =	stream.linear.scatter [tilespmem:s9], [sflag:$0x3], $0x4000, $0x38;
	[tilespmem:$0x8080] =	vst v63  }
0x56: {  	_ =	swait.ge [sflag:s10], $0x4000  }
0x57: {  	[sflag:s10] =	ssyncset.done $0x0  }
0x58: {  	s26 =	rddreg [dreg:$0xd];
	[sflag:s10] =	ssyncadd.s32 $0xFFFFC000  }
0x59: {  	[tilespmem:s3], [sflag:$0x4] =	stream.linear.gather [hbm4b:s26+s3], $0x80, $0x38;
	[tilespmem:$0x8080] =	vst v63  }
0x5a: {  	_ =	swait.ge [sflag:s6], $0x80  }
0x5b: {  	[sflag:s6] =	ssyncset.done $0x0  }
0x5c: {  	[sflag:s6] =	ssyncadd.s32 $0xFFFFFF80  }
0x5d: {  	[tilespmem:s7], [sflag:$0x1] =	stream.indirect.gather [hbm4b:s2+s7], $0x80, s3, s7, $0xb8;
	[tilespmem:$0x8080] =	vst v63  }
0x5e: {  	_ =	swait.ge [sflag:s8], $0x4000  }
0x5f: {  	[sflag:s8] =	ssyncset.done $0x0  }
0x60: {  	s12 =	sadd.s32 $0x3000, s5;
	[sflag:s8] =	ssyncadd.s32 $0xFFFFC000  }
0x61: {  	[hbm4b:s12+s3] =	stream.linear.scatter [tilespmem:s7], [sflag:$0x2], $0x4000, $0x38;
	[tilespmem:$0x8080] =	vst v63  }
0x62: {  	_ =	swait.ge [sflag:s11], $0x4000  }
0x63: {  	[sflag:s11] =	ssyncset.done $0x0  }
0x64: {  	s13 =	sadd.s32 $0x70, s4;
	[sflag:s11] =	ssyncadd.s32 $0xFFFFC000  }
0x65: {  	[tilespmem:s3], [sflag:$0x4] =	stream.linear.gather [hbm4b:s13+s3], $0x80, $0x38;
	[tilespmem:$0x8080] =	vst v63  }
0x66: {  	_ =	swait.ge [sflag:s6], $0x80  }
0x67: {  	[sflag:s6] =	ssyncset.done $0x0  }
0x68: {  	[sflag:s6] =	ssyncadd.s32 $0xFFFFFF80  }
0x69: {  	[tilespmem:s9], [sflag:$0x1] =	stream.indirect.gather [hbm4b:s2+s7], $0x80, s3, s7, $0xb8;
	[tilespmem:$0x8080] =	vst v63  }
0x6a: {  	_ =	swait.ge [sflag:s8], $0x4000  }
0x6b: {  	[sflag:s8] =	ssyncset.done $0x0  }
0x6c: {  	s28 =	sshll.u32 s0, $0x4;
	s14 =	sadd.s32 $0x3800, s5;
	[sflag:s8] =	ssyncadd.s32 $0xFFFFC000  }
0x6d: {  	[hbm4b:s14+s3] =	stream.linear.scatter [tilespmem:s9], [sflag:$0x3], $0x4000, $0x38;
	[tilespmem:$0x8080] =	vst v63  }
0x6e: {  	s16 =	sor.u32 $0x8, s28;
	_ =	swait.ge [sflag:s10], $0x4000  }
0x6f: {  	s15 =	sshll.u32 s16, $0x4;
	[sflag:s10] =	ssyncset.done $0x0  }
0x70: {  	s15 =	sadd.s32 s30, s15;
	[sflag:s10] =	ssyncadd.s32 $0xFFFFC000  }
0x71: {  	[tilespmem:s3], [sflag:$0x4] =	stream.linear.gather [hbm4b:s15+s3], $0x80, $0x38;
	[tilespmem:$0x8080] =	vst v63  }
0x72: {  	_ =	swait.ge [sflag:s6], $0x80  }
0x73: {  	[sflag:s6] =	ssyncset.done $0x0  }
0x74: {  	[sflag:s6] =	ssyncadd.s32 $0xFFFFFF80  }
0x75: {  	[tilespmem:s7], [sflag:$0x1] =	stream.indirect.gather [hbm4b:s2+s7], $0x80, s3, s7, $0xb8;
	[tilespmem:$0x8080] =	vst v63  }
0x76: {  	_ =	swait.ge [sflag:s8], $0x4000  }
0x77: {  	s16 =	sshll.u32 s16, $0xB;
	[sflag:s8] =	ssyncset.done $0x0  }
0x78: {  	s16 =	sadd.s32 s31, s16;
	[sflag:s8] =	ssyncadd.s32 $0xFFFFC000  }
0x79: {  	[hbm4b:s16+s3] =	stream.linear.scatter [tilespmem:s7], [sflag:$0x2], $0x4000, $0x38;
	[tilespmem:$0x8080] =	vst v63  }
0x7a: {  	s18 =	sor.u32 $0x9, s28;
	_ =	swait.ge [sflag:s11], $0x4000  }
0x7b: {  	s17 =	sshll.u32 s18, $0x4;
	[sflag:s11] =	ssyncset.done $0x0  }
0x7c: {  	s17 =	sadd.s32 s30, s17;
	[sflag:s11] =	ssyncadd.s32 $0xFFFFC000  }
0x7d: {  	[tilespmem:s3], [sflag:$0x4] =	stream.linear.gather [hbm4b:s17+s3], $0x80, $0x38;
	[tilespmem:$0x8080] =	vst v63  }
0x7e: {  	_ =	swait.ge [sflag:s6], $0x80  }
0x7f: {  	[sflag:s6] =	ssyncset.done $0x0  }
0x80: {  	[sflag:s6] =	ssyncadd.s32 $0xFFFFFF80  }
0x81: {  	[tilespmem:s9], [sflag:$0x1] =	stream.indirect.gather [hbm4b:s2+s7], $0x80, s3, s7, $0xb8;
	[tilespmem:$0x8080] =	vst v63  }
0x82: {  	_ =	swait.ge [sflag:s8], $0x4000  }
0x83: {  	s18 =	sshll.u32 s18, $0xB;
	[sflag:s8] =	ssyncset.done $0x0  }
0x84: {  	s18 =	sadd.s32 s31, s18;
	[sflag:s8] =	ssyncadd.s32 $0xFFFFC000  }
0x85: {  	[hbm4b:s18+s3] =	stream.linear.scatter [tilespmem:s9], [sflag:$0x3], $0x4000, $0x38;
	[tilespmem:$0x8080] =	vst v63  }
0x86: {  	s20 =	sor.u32 $0xA, s28;
	_ =	swait.ge [sflag:s10], $0x4000  }
0x87: {  	s19 =	sshll.u32 s20, $0x4;
	[sflag:s10] =	ssyncset.done $0x0  }
0x88: {  	s19 =	sadd.s32 s30, s19;
	[sflag:s10] =	ssyncadd.s32 $0xFFFFC000  }
0x89: {  	[tilespmem:s3], [sflag:$0x4] =	stream.linear.gather [hbm4b:s19+s3], $0x80, $0x38;
	[tilespmem:$0x8080] =	vst v63  }
0x8a: {  	_ =	swait.ge [sflag:s6], $0x80  }
0x8b: {  	[sflag:s6] =	ssyncset.done $0x0  }
0x8c: {  	[sflag:s6] =	ssyncadd.s32 $0xFFFFFF80  }
0x8d: {  	[tilespmem:s7], [sflag:$0x1] =	stream.indirect.gather [hbm4b:s2+s7], $0x80, s3, s7, $0xb8;
	[tilespmem:$0x8080] =	vst v63  }
0x8e: {  	_ =	swait.ge [sflag:s8], $0x4000  }
0x8f: {  	s20 =	sshll.u32 s20, $0xB;
	[sflag:s8] =	ssyncset.done $0x0  }
0x90: {  	s20 =	sadd.s32 s31, s20;
	[sflag:s8] =	ssyncadd.s32 $0xFFFFC000  }
0x91: {  	[hbm4b:s20+s3] =	stream.linear.scatter [tilespmem:s7], [sflag:$0x2], $0x4000, $0x38;
	[tilespmem:$0x8080] =	vst v63  }
0x92: {  	s22 =	sor.u32 $0xB, s28;
	_ =	swait.ge [sflag:s11], $0x4000  }
0x93: {  	s21 =	sshll.u32 s22, $0x4;
	[sflag:s11] =	ssyncset.done $0x0  }
0x94: {  	s21 =	sadd.s32 s30, s21;
	[sflag:s11] =	ssyncadd.s32 $0xFFFFC000  }
0x95: {  	[tilespmem:s3], [sflag:$0x4] =	stream.linear.gather [hbm4b:s21+s3], $0x80, $0x38;
	[tilespmem:$0x8080] =	vst v63  }
0x96: {  	_ =	swait.ge [sflag:s6], $0x80  }
0x97: {  	[sflag:s6] =	ssyncset.done $0x0  }
0x98: {  	[sflag:s6] =	ssyncadd.s32 $0xFFFFFF80  }
0x99: {  	[tilespmem:s9], [sflag:$0x1] =	stream.indirect.gather [hbm4b:s2+s7], $0x80, s3, s7, $0xb8;
	[tilespmem:$0x8080] =	vst v63  }
0x9a: {  	_ =	swait.ge [sflag:s8], $0x4000  }
0x9b: {  	s22 =	sshll.u32 s22, $0xB;
	[sflag:s8] =	ssyncset.done $0x0  }
0x9c: {  	s22 =	sadd.s32 s31, s22;
	[sflag:s8] =	ssyncadd.s32 $0xFFFFC000  }
0x9d: {  	[hbm4b:s22+s3] =	stream.linear.scatter [tilespmem:s9], [sflag:$0x3], $0x4000, $0x38;
	[tilespmem:$0x8080] =	vst v63  }
0x9e: {  	s24 =	sor.u32 $0xC, s28;
	_ =	swait.ge [sflag:s10], $0x4000  }
0x9f: {  	s23 =	sshll.u32 s24, $0x4;
	[sflag:s10] =	ssyncset.done $0x0  }
0xa0: {  	s23 =	sadd.s32 s30, s23;
	[sflag:s10] =	ssyncadd.s32 $0xFFFFC000  }
0xa1: {  	[tilespmem:s3], [sflag:$0x4] =	stream.linear.gather [hbm4b:s23+s3], $0x80, $0x38;
	[tilespmem:$0x8080] =	vst v63  }
0xa2: {  	_ =	swait.ge [sflag:s6], $0x80  }
0xa3: {  	[sflag:s6] =	ssyncset.done $0x0  }
0xa4: {  	[sflag:s6] =	ssyncadd.s32 $0xFFFFFF80  }
0xa5: {  	[tilespmem:s7], [sflag:$0x1] =	stream.indirect.gather [hbm4b:s2+s7], $0x80, s3, s7, $0xb8;
	[tilespmem:$0x8080] =	vst v63  }
0xa6: {  	_ =	swait.ge [sflag:s8], $0x4000  }
0xa7: {  	s24 =	sshll.u32 s24, $0xB;
	[sflag:s8] =	ssyncset.done $0x0  }
0xa8: {  	s24 =	sadd.s32 s31, s24;
	[sflag:s8] =	ssyncadd.s32 $0xFFFFC000  }
0xa9: {  	[hbm4b:s24+s3] =	stream.linear.scatter [tilespmem:s7], [sflag:$0x2], $0x4000, $0x38;
	[tilespmem:$0x8080] =	vst v63  }
0xaa: {  	s26 =	sor.u32 $0xD, s28;
	_ =	swait.ge [sflag:s11], $0x4000  }
0xab: {  	s25 =	sshll.u32 s26, $0x4;
	[sflag:s11] =	ssyncset.done $0x0  }
0xac: {  	s25 =	sadd.s32 s30, s25;
	[sflag:s11] =	ssyncadd.s32 $0xFFFFC000  }
0xad: {  	[tilespmem:s3], [sflag:$0x4] =	stream.linear.gather [hbm4b:s25+s3], $0x80, $0x38;
	[tilespmem:$0x8080] =	vst v63  }
0xae: {  	_ =	swait.ge [sflag:s6], $0x80  }
0xaf: {  	[sflag:s6] =	ssyncset.done $0x0  }
0xb0: {  	[sflag:s6] =	ssyncadd.s32 $0xFFFFFF80  }
0xb1: {  	[tilespmem:s9], [sflag:$0x1] =	stream.indirect.gather [hbm4b:s2+s7], $0x80, s3, s7, $0xb8;
	[tilespmem:$0x8080] =	vst v63  }
0xb2: {  	_ =	swait.ge [sflag:s8], $0x4000  }
0xb3: {  	s26 =	sshll.u32 s26, $0xB;
	[sflag:s8] =	ssyncset.done $0x0  }
0xb4: {  	s26 =	sadd.s32 s31, s26;
	[sflag:s8] =	ssyncadd.s32 $0xFFFFC000  }
0xb5: {  	[hbm4b:s26+s3] =	stream.linear.scatter [tilespmem:s9], [sflag:$0x3], $0x4000, $0x38;
	[tilespmem:$0x8080] =	vst v63  }
0xb6: {  	s29 =	sor.u32 $0xE, s28;
	_ =	swait.ge [sflag:s10], $0x4000  }
0xb7: {  	s28 =	sshll.u32 s29, $0x4;
	[sflag:s10] =	ssyncset.done $0x0  }
0xb8: {  	s28 =	sadd.s32 s30, s28;
	[sflag:s10] =	ssyncadd.s32 $0xFFFFC000  }
0xb9: {  	[tilespmem:s3], [sflag:$0x4] =	stream.linear.gather [hbm4b:s28+s3], $0x80, $0x38;
	[tilespmem:$0x8080] =	vst v63  }
0xba: {  	_ =	swait.ge [sflag:s6], $0x80  }
0xbb: {  	[sflag:s6] =	ssyncset.done $0x0  }
0xbc: {  	[sflag:s6] =	ssyncadd.s32 $0xFFFFFF80  }
0xbd: {  	[tilespmem:s7], [sflag:$0x1] =	stream.indirect.gather [hbm4b:s2+s7], $0x80, s3, s7, $0xb8;
	[tilespmem:$0x8080] =	vst v63  }
0xbe: {  	_ =	swait.ge [sflag:s8], $0x4000  }
0xbf: {  	s29 =	sshll.u32 s29, $0xB;
	[sflag:s8] =	ssyncset.done $0x0  }
0xc0: {  	s29 =	sadd.s32 s31, s29;
	[sflag:s8] =	ssyncadd.s32 $0xFFFFC000  }
0xc1: {  	[hbm4b:s29+s3] =	stream.linear.scatter [tilespmem:s7], [sflag:$0x2], $0x4000, $0x38;
	[tilespmem:$0x8080] =	vst v63  }
0xc2: {  	s0 =	sshllo.u32 s0, $0x4;
	_ =	swait.ge [sflag:s11], $0x4000  }
0xc3: {  	s1 =	sshll.u32 s0, $0x4;
	[sflag:s11] =	ssyncset.done $0x0  }
0xc4: {  	s30 =	sadd.s32 s30, s1;
	[sflag:s11] =	ssyncadd.s32 $0xFFFFC000  }
0xc5: {  	[tilespmem:s3], [sflag:$0x4] =	stream.linear.gather [hbm4b:s30+s3], $0x80, $0x38;
	[tilespmem:$0x8080] =	vst v63  }
0xc6: {  	_ =	swait.ge [sflag:s6], $0x80  }
0xc7: {  	[sflag:s6] =	ssyncset.done $0x0  }
0xc8: {  	[sflag:s6] =	ssyncadd.s32 $0xFFFFFF80  }
0xc9: {  	[tilespmem:s9], [sflag:$0x1] =	stream.indirect.gather [hbm4b:s2+s7], $0x80, s3, s7, $0xb8;
	[tilespmem:$0x8080] =	vst v63  }
0xca: {  	_ =	swait.ge [sflag:s8], $0x4000  }
0xcb: {  	s0 =	sshll.u32 s0, $0xB;
	[sflag:s8] =	ssyncset.done $0x0;
	s1 =	rddreg [dreg:$0xe]  }
0xcc: {  	s31 =	sadd.s32 s31, s0;
	s0 =	ssub.s32 $0x2, s1;
	[sflag:s8] =	ssyncadd.s32 $0xFFFFC000  }
0xcd: {  	[hbm4b:s31+s3] =	stream.linear.scatter [tilespmem:s9], [sflag:$0x3], $0x4000, $0x38;
	[tilespmem:$0x8080] =	vst v63  }
0xce: {  	s1 =	sshrl.u32 s0, $0x1  }
0xcf: {  	s0 =	ssub.s32 s0, s1  }
0xd0: {  	s0 =	smax.u32 s0, $0x1  }
0xd1: {  	p0 =	sne.s32 s0, $0x1  }
.Ltmp0:
0xd2: {  	_ =	swait.ge [sflag:s10], $0x4000;
	(pc) =	sbr.rel @!p0 .LBB2_2-.Ltmp0, $4  }
0xd3: {  	[sflag:s10] =	ssyncset.done $0x0  }
0xd4: {  	[sflag:s10] =	ssyncadd.s32 $0xFFFFC000  }
0xd5: {  	_ =	swait.ge [sflag:s11], $0x4000  }
0xd6: {  	s1 =	sadd.s32 $0xFFFFFFFF, s0;
	[sflag:s11] =	ssyncset.done $0x0  }
.LBB2_1:
0xd7: {  	[sflag:s11] =	ssyncadd.s32 $0xFFFFC000  }
0xd8: {  	[tilespmem:s3], [sflag:$0x4] =	stream.linear.gather [hbm4b:s4+s3], $0x80, $0x38;
	[tilespmem:$0x8080] =	vst v63  }
0xd9: {  	_ =	swait.ge [sflag:s6], $0x80  }
0xda: {  	[sflag:s6] =	ssyncset.done $0x0  }
0xdb: {  	[sflag:s6] =	ssyncadd.s32 $0xFFFFFF80  }
0xdc: {  	[tilespmem:s7], [sflag:$0x1] =	stream.indirect.gather [hbm4b:s2+s7], $0x80, s3, s7, $0xb8;
	[tilespmem:$0x8080] =	vst v63  }
0xdd: {  	_ =	swait.ge [sflag:s8], $0x4000  }
0xde: {  	[sflag:s8] =	ssyncset.done $0x0  }
0xdf: {  	[sflag:s8] =	ssyncadd.s32 $0xFFFFC000  }
0xe0: {  	[hbm4b:s5+s3] =	stream.linear.scatter [tilespmem:s7], [sflag:$0x2], $0x4000, $0x38;
	[tilespmem:$0x8080] =	vst v63  }
0xe1: {  	s0 =	rddreg [dreg:$0x3]  }
0xe2: {  	[tilespmem:s3], [sflag:$0x4] =	stream.linear.gather [hbm4b:s0+s3], $0x80, $0x38;
	[tilespmem:$0x8080] =	vst v63  }
0xe3: {  	_ =	swait.ge [sflag:s6], $0x80  }
0xe4: {  	[sflag:s6] =	ssyncset.done $0x0  }
0xe5: {  	[sflag:s6] =	ssyncadd.s32 $0xFFFFFF80  }
0xe6: {  	[tilespmem:s9], [sflag:$0x1] =	stream.indirect.gather [hbm4b:s2+s7], $0x80, s3, s7, $0xb8;
	[tilespmem:$0x8080] =	vst v63  }
0xe7: {  	_ =	swait.ge [sflag:s8], $0x4000  }
0xe8: {  	[sflag:s8] =	ssyncset.done $0x0  }
0xe9: {  	s0 =	rddreg [dreg:$0x4];
	[sflag:s8] =	ssyncadd.s32 $0xFFFFC000  }
0xea: {  	[hbm4b:s0+s3] =	stream.linear.scatter [tilespmem:s9], [sflag:$0x3], $0x4000, $0x38;
	[tilespmem:$0x8080] =	vst v63  }
0xeb: {  	_ =	swait.ge [sflag:s10], $0x4000  }
0xec: {  	[sflag:s10] =	ssyncset.done $0x0  }
0xed: {  	s0 =	rddreg [dreg:$0x5];
	[sflag:s10] =	ssyncadd.s32 $0xFFFFC000  }
0xee: {  	[tilespmem:s3], [sflag:$0x4] =	stream.linear.gather [hbm4b:s0+s3], $0x80, $0x38;
	[tilespmem:$0x8080] =	vst v63  }
0xef: {  	_ =	swait.ge [sflag:s6], $0x80  }
0xf0: {  	[sflag:s6] =	ssyncset.done $0x0  }
0xf1: {  	[sflag:s6] =	ssyncadd.s32 $0xFFFFFF80  }
0xf2: {  	[tilespmem:s7], [sflag:$0x1] =	stream.indirect.gather [hbm4b:s2+s7], $0x80, s3, s7, $0xb8;
	[tilespmem:$0x8080] =	vst v63  }
0xf3: {  	_ =	swait.ge [sflag:s8], $0x4000  }
0xf4: {  	[sflag:s8] =	ssyncset.done $0x0  }
0xf5: {  	s0 =	rddreg [dreg:$0x6];
	[sflag:s8] =	ssyncadd.s32 $0xFFFFC000  }
0xf6: {  	[hbm4b:s0+s3] =	stream.linear.scatter [tilespmem:s7], [sflag:$0x2], $0x4000, $0x38;
	[tilespmem:$0x8080] =	vst v63  }
0xf7: {  	_ =	swait.ge [sflag:s11], $0x4000  }
0xf8: {  	[sflag:s11] =	ssyncset.done $0x0  }
0xf9: {  	s0 =	rddreg [dreg:$0x7];
	[sflag:s11] =	ssyncadd.s32 $0xFFFFC000  }
0xfa: {  	[tilespmem:s3], [sflag:$0x4] =	stream.linear.gather [hbm4b:s0+s3], $0x80, $0x38;
	[tilespmem:$0x8080] =	vst v63  }
0xfb: {  	_ =	swait.ge [sflag:s6], $0x80  }
0xfc: {  	[sflag:s6] =	ssyncset.done $0x0  }
0xfd: {  	[sflag:s6] =	ssyncadd.s32 $0xFFFFFF80  }
0xfe: {  	[tilespmem:s9], [sflag:$0x1] =	stream.indirect.gather [hbm4b:s2+s7], $0x80, s3, s7, $0xb8;
	[tilespmem:$0x8080] =	vst v63  }
0xff: {  	_ =	swait.ge [sflag:s8], $0x4000  }
0x100: {  	[sflag:s8] =	ssyncset.done $0x0  }
0x101: {  	s0 =	rddreg [dreg:$0x8];
	[sflag:s8] =	ssyncadd.s32 $0xFFFFC000  }
0x102: {  	[hbm4b:s0+s3] =	stream.linear.scatter [tilespmem:s9], [sflag:$0x3], $0x4000, $0x38;
	[tilespmem:$0x8080] =	vst v63  }
0x103: {  	_ =	swait.ge [sflag:s10], $0x4000  }
0x104: {  	[sflag:s10] =	ssyncset.done $0x0  }
0x105: {  	s0 =	rddreg [dreg:$0x9];
	[sflag:s10] =	ssyncadd.s32 $0xFFFFC000  }
0x106: {  	[tilespmem:s3], [sflag:$0x4] =	stream.linear.gather [hbm4b:s0+s3], $0x80, $0x38;
	[tilespmem:$0x8080] =	vst v63  }
0x107: {  	_ =	swait.ge [sflag:s6], $0x80  }
0x108: {  	[sflag:s6] =	ssyncset.done $0x0  }
0x109: {  	[sflag:s6] =	ssyncadd.s32 $0xFFFFFF80  }
0x10a: {  	[tilespmem:s7], [sflag:$0x1] =	stream.indirect.gather [hbm4b:s2+s7], $0x80, s3, s7, $0xb8;
	[tilespmem:$0x8080] =	vst v63  }
0x10b: {  	_ =	swait.ge [sflag:s8], $0x4000  }
0x10c: {  	[sflag:s8] =	ssyncset.done $0x0  }
0x10d: {  	s0 =	rddreg [dreg:$0xa];
	[sflag:s8] =	ssyncadd.s32 $0xFFFFC000  }
0x10e: {  	[hbm4b:s0+s3] =	stream.linear.scatter [tilespmem:s7], [sflag:$0x2], $0x4000, $0x38;
	[tilespmem:$0x8080] =	vst v63  }
0x10f: {  	_ =	swait.ge [sflag:s11], $0x4000  }
0x110: {  	[sflag:s11] =	ssyncset.done $0x0  }
0x111: {  	s0 =	rddreg [dreg:$0xb];
	[sflag:s11] =	ssyncadd.s32 $0xFFFFC000  }
0x112: {  	[tilespmem:s3], [sflag:$0x4] =	stream.linear.gather [hbm4b:s0+s3], $0x80, $0x38;
	[tilespmem:$0x8080] =	vst v63  }
0x113: {  	_ =	swait.ge [sflag:s6], $0x80  }
0x114: {  	[sflag:s6] =	ssyncset.done $0x0  }
0x115: {  	[sflag:s6] =	ssyncadd.s32 $0xFFFFFF80  }
0x116: {  	[tilespmem:s9], [sflag:$0x1] =	stream.indirect.gather [hbm4b:s2+s7], $0x80, s3, s7, $0xb8;
	[tilespmem:$0x8080] =	vst v63  }
0x117: {  	_ =	swait.ge [sflag:s8], $0x4000  }
0x118: {  	[sflag:s8] =	ssyncset.done $0x0  }
0x119: {  	s0 =	rddreg [dreg:$0xc];
	[sflag:s8] =	ssyncadd.s32 $0xFFFFC000  }
0x11a: {  	[hbm4b:s0+s3] =	stream.linear.scatter [tilespmem:s9], [sflag:$0x3], $0x4000, $0x38;
	[tilespmem:$0x8080] =	vst v63  }
0x11b: {  	_ =	swait.ge [sflag:s10], $0x4000  }
0x11c: {  	[sflag:s10] =	ssyncset.done $0x0  }
0x11d: {  	s0 =	rddreg [dreg:$0xd];
	[sflag:s10] =	ssyncadd.s32 $0xFFFFC000  }
0x11e: {  	[tilespmem:s3], [sflag:$0x4] =	stream.linear.gather [hbm4b:s0+s3], $0x80, $0x38;
	[tilespmem:$0x8080] =	vst v63  }
0x11f: {  	_ =	swait.ge [sflag:s6], $0x80  }
0x120: {  	[sflag:s6] =	ssyncset.done $0x0  }
0x121: {  	[sflag:s6] =	ssyncadd.s32 $0xFFFFFF80  }
0x122: {  	[tilespmem:s7], [sflag:$0x1] =	stream.indirect.gather [hbm4b:s2+s7], $0x80, s3, s7, $0xb8;
	[tilespmem:$0x8080] =	vst v63  }
0x123: {  	_ =	swait.ge [sflag:s8], $0x4000  }
0x124: {  	[sflag:s8] =	ssyncset.done $0x0  }
0x125: {  	[sflag:s8] =	ssyncadd.s32 $0xFFFFC000  }
0x126: {  	[hbm4b:s12+s3] =	stream.linear.scatter [tilespmem:s7], [sflag:$0x2], $0x4000, $0x38;
	[tilespmem:$0x8080] =	vst v63  }
0x127: {  	_ =	swait.ge [sflag:s11], $0x4000  }
0x128: {  	[sflag:s11] =	ssyncset.done $0x0  }
0x129: {  	[sflag:s11] =	ssyncadd.s32 $0xFFFFC000  }
0x12a: {  	[tilespmem:s3], [sflag:$0x4] =	stream.linear.gather [hbm4b:s13+s3], $0x80, $0x38;
	[tilespmem:$0x8080] =	vst v63  }
0x12b: {  	_ =	swait.ge [sflag:s6], $0x80  }
0x12c: {  	[sflag:s6] =	ssyncset.done $0x0  }
0x12d: {  	[sflag:s6] =	ssyncadd.s32 $0xFFFFFF80  }
0x12e: {  	[tilespmem:s9], [sflag:$0x1] =	stream.indirect.gather [hbm4b:s2+s7], $0x80, s3, s7, $0xb8;
	[tilespmem:$0x8080] =	vst v63  }
0x12f: {  	_ =	swait.ge [sflag:s8], $0x4000  }
0x130: {  	[sflag:s8] =	ssyncset.done $0x0  }
0x131: {  	[sflag:s8] =	ssyncadd.s32 $0xFFFFC000  }
0x132: {  	[hbm4b:s14+s3] =	stream.linear.scatter [tilespmem:s9], [sflag:$0x3], $0x4000, $0x38;
	[tilespmem:$0x8080] =	vst v63  }
0x133: {  	_ =	swait.ge [sflag:s10], $0x4000  }
0x134: {  	[sflag:s10] =	ssyncset.done $0x0  }
0x135: {  	[sflag:s10] =	ssyncadd.s32 $0xFFFFC000  }
0x136: {  	[tilespmem:s3], [sflag:$0x4] =	stream.linear.gather [hbm4b:s15+s3], $0x80, $0x38;
	[tilespmem:$0x8080] =	vst v63  }
0x137: {  	_ =	swait.ge [sflag:s6], $0x80  }
0x138: {  	[sflag:s6] =	ssyncset.done $0x0  }
0x139: {  	[sflag:s6] =	ssyncadd.s32 $0xFFFFFF80  }
0x13a: {  	[tilespmem:s7], [sflag:$0x1] =	stream.indirect.gather [hbm4b:s2+s7], $0x80, s3, s7, $0xb8;
	[tilespmem:$0x8080] =	vst v63  }
0x13b: {  	_ =	swait.ge [sflag:s8], $0x4000  }
0x13c: {  	[sflag:s8] =	ssyncset.done $0x0  }
0x13d: {  	[sflag:s8] =	ssyncadd.s32 $0xFFFFC000  }
0x13e: {  	[hbm4b:s16+s3] =	stream.linear.scatter [tilespmem:s7], [sflag:$0x2], $0x4000, $0x38;
	[tilespmem:$0x8080] =	vst v63  }
0x13f: {  	_ =	swait.ge [sflag:s11], $0x4000  }
0x140: {  	[sflag:s11] =	ssyncset.done $0x0  }
0x141: {  	[sflag:s11] =	ssyncadd.s32 $0xFFFFC000  }
0x142: {  	[tilespmem:s3], [sflag:$0x4] =	stream.linear.gather [hbm4b:s17+s3], $0x80, $0x38;
	[tilespmem:$0x8080] =	vst v63  }
0x143: {  	_ =	swait.ge [sflag:s6], $0x80  }
0x144: {  	[sflag:s6] =	ssyncset.done $0x0  }
0x145: {  	[sflag:s6] =	ssyncadd.s32 $0xFFFFFF80  }
0x146: {  	[tilespmem:s9], [sflag:$0x1] =	stream.indirect.gather [hbm4b:s2+s7], $0x80, s3, s7, $0xb8;
	[tilespmem:$0x8080] =	vst v63  }
0x147: {  	_ =	swait.ge [sflag:s8], $0x4000  }
0x148: {  	[sflag:s8] =	ssyncset.done $0x0  }
0x149: {  	[sflag:s8] =	ssyncadd.s32 $0xFFFFC000  }
0x14a: {  	[hbm4b:s18+s3] =	stream.linear.scatter [tilespmem:s9], [sflag:$0x3], $0x4000, $0x38;
	[tilespmem:$0x8080] =	vst v63  }
0x14b: {  	_ =	swait.ge [sflag:s10], $0x4000  }
0x14c: {  	[sflag:s10] =	ssyncset.done $0x0  }
0x14d: {  	[sflag:s10] =	ssyncadd.s32 $0xFFFFC000  }
0x14e: {  	[tilespmem:s3], [sflag:$0x4] =	stream.linear.gather [hbm4b:s19+s3], $0x80, $0x38;
	[tilespmem:$0x8080] =	vst v63  }
0x14f: {  	_ =	swait.ge [sflag:s6], $0x80  }
0x150: {  	[sflag:s6] =	ssyncset.done $0x0  }
0x151: {  	[sflag:s6] =	ssyncadd.s32 $0xFFFFFF80  }
0x152: {  	[tilespmem:s7], [sflag:$0x1] =	stream.indirect.gather [hbm4b:s2+s7], $0x80, s3, s7, $0xb8;
	[tilespmem:$0x8080] =	vst v63  }
0x153: {  	_ =	swait.ge [sflag:s8], $0x4000  }
0x154: {  	[sflag:s8] =	ssyncset.done $0x0  }
0x155: {  	[sflag:s8] =	ssyncadd.s32 $0xFFFFC000  }
0x156: {  	[hbm4b:s20+s3] =	stream.linear.scatter [tilespmem:s7], [sflag:$0x2], $0x4000, $0x38;
	[tilespmem:$0x8080] =	vst v63  }
0x157: {  	_ =	swait.ge [sflag:s11], $0x4000  }
0x158: {  	[sflag:s11] =	ssyncset.done $0x0  }
0x159: {  	[sflag:s11] =	ssyncadd.s32 $0xFFFFC000  }
0x15a: {  	[tilespmem:s3], [sflag:$0x4] =	stream.linear.gather [hbm4b:s21+s3], $0x80, $0x38;
	[tilespmem:$0x8080] =	vst v63  }
0x15b: {  	_ =	swait.ge [sflag:s6], $0x80  }
0x15c: {  	[sflag:s6] =	ssyncset.done $0x0  }
0x15d: {  	[sflag:s6] =	ssyncadd.s32 $0xFFFFFF80  }
0x15e: {  	[tilespmem:s9], [sflag:$0x1] =	stream.indirect.gather [hbm4b:s2+s7], $0x80, s3, s7, $0xb8;
	[tilespmem:$0x8080] =	vst v63  }
0x15f: {  	_ =	swait.ge [sflag:s8], $0x4000  }
0x160: {  	[sflag:s8] =	ssyncset.done $0x0  }
0x161: {  	[sflag:s8] =	ssyncadd.s32 $0xFFFFC000  }
0x162: {  	[hbm4b:s22+s3] =	stream.linear.scatter [tilespmem:s9], [sflag:$0x3], $0x4000, $0x38;
	[tilespmem:$0x8080] =	vst v63  }
0x163: {  	_ =	swait.ge [sflag:s10], $0x4000  }
0x164: {  	[sflag:s10] =	ssyncset.done $0x0  }
0x165: {  	[sflag:s10] =	ssyncadd.s32 $0xFFFFC000  }
0x166: {  	[tilespmem:s3], [sflag:$0x4] =	stream.linear.gather [hbm4b:s23+s3], $0x80, $0x38;
	[tilespmem:$0x8080] =	vst v63  }
0x167: {  	_ =	swait.ge [sflag:s6], $0x80  }
0x168: {  	[sflag:s6] =	ssyncset.done $0x0  }
0x169: {  	[sflag:s6] =	ssyncadd.s32 $0xFFFFFF80  }
0x16a: {  	[tilespmem:s7], [sflag:$0x1] =	stream.indirect.gather [hbm4b:s2+s7], $0x80, s3, s7, $0xb8;
	[tilespmem:$0x8080] =	vst v63  }
0x16b: {  	_ =	swait.ge [sflag:s8], $0x4000  }
0x16c: {  	[sflag:s8] =	ssyncset.done $0x0  }
0x16d: {  	[sflag:s8] =	ssyncadd.s32 $0xFFFFC000  }
0x16e: {  	[hbm4b:s24+s3] =	stream.linear.scatter [tilespmem:s7], [sflag:$0x2], $0x4000, $0x38;
	[tilespmem:$0x8080] =	vst v63  }
0x16f: {  	_ =	swait.ge [sflag:s11], $0x4000  }
0x170: {  	[sflag:s11] =	ssyncset.done $0x0  }
0x171: {  	[sflag:s11] =	ssyncadd.s32 $0xFFFFC000  }
0x172: {  	[tilespmem:s3], [sflag:$0x4] =	stream.linear.gather [hbm4b:s25+s3], $0x80, $0x38;
	[tilespmem:$0x8080] =	vst v63  }
0x173: {  	_ =	swait.ge [sflag:s6], $0x80  }
0x174: {  	[sflag:s6] =	ssyncset.done $0x0  }
0x175: {  	[sflag:s6] =	ssyncadd.s32 $0xFFFFFF80  }
0x176: {  	[tilespmem:s9], [sflag:$0x1] =	stream.indirect.gather [hbm4b:s2+s7], $0x80, s3, s7, $0xb8;
	[tilespmem:$0x8080] =	vst v63  }
0x177: {  	_ =	swait.ge [sflag:s8], $0x4000  }
0x178: {  	[sflag:s8] =	ssyncset.done $0x0  }
0x179: {  	[sflag:s8] =	ssyncadd.s32 $0xFFFFC000  }
0x17a: {  	[hbm4b:s26+s3] =	stream.linear.scatter [tilespmem:s9], [sflag:$0x3], $0x4000, $0x38;
	[tilespmem:$0x8080] =	vst v63  }
0x17b: {  	_ =	swait.ge [sflag:s10], $0x4000  }
0x17c: {  	[sflag:s10] =	ssyncset.done $0x0  }
0x17d: {  	[sflag:s10] =	ssyncadd.s32 $0xFFFFC000  }
0x17e: {  	[tilespmem:s3], [sflag:$0x4] =	stream.linear.gather [hbm4b:s28+s3], $0x80, $0x38;
	[tilespmem:$0x8080] =	vst v63  }
0x17f: {  	_ =	swait.ge [sflag:s6], $0x80  }
0x180: {  	[sflag:s6] =	ssyncset.done $0x0  }
0x181: {  	[sflag:s6] =	ssyncadd.s32 $0xFFFFFF80  }
0x182: {  	[tilespmem:s7], [sflag:$0x1] =	stream.indirect.gather [hbm4b:s2+s7], $0x80, s3, s7, $0xb8;
	[tilespmem:$0x8080] =	vst v63  }
0x183: {  	_ =	swait.ge [sflag:s8], $0x4000  }
0x184: {  	[sflag:s8] =	ssyncset.done $0x0  }
0x185: {  	[sflag:s8] =	ssyncadd.s32 $0xFFFFC000  }
0x186: {  	[hbm4b:s29+s3] =	stream.linear.scatter [tilespmem:s7], [sflag:$0x2], $0x4000, $0x38;
	[tilespmem:$0x8080] =	vst v63  }
0x187: {  	_ =	swait.ge [sflag:s11], $0x4000  }
0x188: {  	[sflag:s11] =	ssyncset.done $0x0  }
0x189: {  	[sflag:s11] =	ssyncadd.s32 $0xFFFFC000  }
0x18a: {  	[tilespmem:s3], [sflag:$0x4] =	stream.linear.gather [hbm4b:s30+s3], $0x80, $0x38;
	[tilespmem:$0x8080] =	vst v63  }
0x18b: {  	_ =	swait.ge [sflag:s6], $0x80  }
0x18c: {  	[sflag:s6] =	ssyncset.done $0x0  }
0x18d: {  	[sflag:s6] =	ssyncadd.s32 $0xFFFFFF80  }
0x18e: {  	[tilespmem:s9], [sflag:$0x1] =	stream.indirect.gather [hbm4b:s2+s7], $0x80, s3, s7, $0xb8;
	[tilespmem:$0x8080] =	vst v63  }
0x18f: {  	_ =	swait.ge [sflag:s8], $0x4000  }
0x190: {  	[sflag:s8] =	ssyncset.done $0x0  }
0x191: {  	p0 =	sne.s32 s1, $0x1;
	[sflag:s8] =	ssyncadd.s32 $0xFFFFC000  }
0x192: {  	[hbm4b:s31+s3] =	stream.linear.scatter [tilespmem:s9], [sflag:$0x3], $0x4000, $0x38;
	[tilespmem:$0x8080] =	vst v63  }
.Ltmp1:
0x193: {  	_ =	swait.ge [sflag:s10], $0x4000;
	(pc) =	sbr.rel @p0 .LBB2_1-.Ltmp1, $4  }
0x194: {  	[sflag:s10] =	ssyncset.done $0x0  }
0x195: {  	[sflag:s10] =	ssyncadd.s32 $0xFFFFC000  }
0x196: {  	_ =	swait.ge [sflag:s11], $0x4000  }
0x197: {  	s1 =	sadd.s32 $0xFFFFFFFF, s1;
	[sflag:s11] =	ssyncset.done $0x0  }
.LBB2_2:
0x198: {  	[sflag:s11] =	ssyncadd.s32 $0xFFFFC000  }
0x199: {  	_ =	sfence.sel $0x180000  }
0x19a: {  	[bflag:$0x0] =	sbarrier.arrive $0xFFFF  }
0x19b: {  	_ =	strace $0x9000004A  }
0x19c: {  	s0 =	stileid.u32;
	[bflag:$0x2] =	sbarrier.arrive $0xFFFF  }
0x19d: {  	p0 =	sne.s32 s0, $0x0;
	s0 =	rddreg [dreg:$0x2]  }
0x19e: {  	s0 =	sadd.s32 @!p0 $0x100000, s0  }
0x19f: {  	[sflag:s0] =	ssyncadd.tile.s32 @!p0 $0x1;
	_ =	shalt  }
.Lfunc_end2:
_tile_overlayer_lowered:
.L_overlay_start_2:
0x1a0: {  	(tag) =	ssettag $0x2  }
0x1a1: {  	s0 =	rddreg [dreg:$0x0];
	s2 =	stileid.u32  }
0x1a2: {  	s1 =	rddreg [dreg:$0x1];
	p0 =	sne.s32 s2, $0x0  }
0x1a3: {  	s3 =	rddreg [dreg:$0x2];
	[bflag:$0x3] =	sbarrier.arrive $0xFFFF;
	s2 =	simm.s32 @!p0 $0x1C04  }
0x1a4: {  	[timem:s3], [sflag:s2] =	dma.local @!p0 [hbm:s0], s1  }
0x1a5: {  	s0 =	simm.s32 @!p0 $0x4  }
0x1a6: {  	_ =	swait.ge @!p0 [sflag:s0], s1  }
0x1a7: {  	s1 =	ssub.s32 @!p0 $0x0, s1;
	[sflag:s0] =	ssyncset.done @!p0 $0x0  }
0x1a8: {  	[sflag:s0] =	ssyncadd.s32 @!p0 s1  }
0x1a9: {  	[bflag:$0x3] =	sbarrier.arrive $0xFFFF  }
0x1aa: {  	_ =	shalt  }

// kernel: kernel.8.cloned.1.call-start
scs
__scs_entry_jumppad:
0x0: {  	(pc) =	sbr.rel $0x88, $3  }
0x1: {  	(tag) =	ssettag $0x0;
	lr =	simm.s32 $0x1  }
0x2: {  	[smem:$0x3F90] =	sst lr;
	_ =	strace $0xD0000000  }
0x3: {  	_ = 	snop  }
0x4: {  	_ = 	snop  }
0x5: {  	_ = 	snop  }
0x6: {  	_ = 	snop  }
0x7: {  	_ = 	snop  }
__scs_overlays_trampoline_lowered:
0x8: {  	[smem:$0x3F9F] =	sst s0  }
0x9: {  	[smem:$0x3FA0] =	sst s1  }
0xa: {  	[smem:$0x3FA1] =	sst s2  }
0xb: {  	[smem:$0x3FA2] =	sst s3  }
0xc: {  	[smem:$0x3FA3] =	sst s4  }
0xd: {  	[smem:$0x3FA4] =	sst s5  }
0xe: {  	[smem:$0x3FA5] =	sst s6  }
0xf: {  	[smem:$0x3FA6] =	sst s7  }
0x10: {  	[smem:$0x3FA7] =	sst s8  }
0x11: {  	[smem:$0x3FA8] =	sst s9;
	s0 =	simm.s32 @!p0 $0x0  }
0x12: {  	s1 =	sld [smem:$0x3F8E];
	s0 =	simm.s32 @p0 $0x1  }
0x13: {  	[smem:$0x3FA9] =	sst s0;
	s0 =	simm.s32 @!p1 $0x0  }
0x14: {  	s2 =	sld [smem:$0x3F8D];
	s0 =	simm.s32 @p1 $0x1  }
0x15: {  	[smem:$0x3FAA] =	sst s0;
	s0 =	simm.s32 @!p2 $0x0  }
0x16: {  	s3 =	sld [smem:$0x3FDB];
	s0 =	simm.s32 @p2 $0x1  }
0x17: {  	s4 =	simm.s32 $0x1BF5;
	[smem:$0x3FAC] =	sst s0  }
0x18: {  	s0 =	sld [smem:$0x3F8F];
	_ =	swait.ge [sflag:s4], $0x0  }
0x19: {  	s7 =	sld [smem:$0x3F90]  }
0x1a: {  	s8 =	sadd.s32 $0xFFFFE003, lr  }
0x1b: {  	s9 =	sadd.s32 $0xFFFFFEF7, lr;
	s5 =	simm.s32 $0xFFFFFFFF;
	p2 =	slt.u32 s8, $0xFFFFF086  }
0x1c: {  	p1 =	slt.u32 s9, $0xF7A;
	s5 =	simm.s32 @!p2 $0x0  }
0x1d: {  	s5 =	simm.s32 @p1 $0x1;
	p0 =	seq.s32 s7, s2  }
0x1e: {  	s7 =	smul.u32 @!p0 $0xF7A, s2;
	p2 =	seq.s32 @!p0 s5, $0x0  }
0x1f: {  	s9 =	smul.u32 $0xF7A, s1;
	s8 =	simm.s32 @!p0 $0x1BF5;
	p2 =	por !p2, p0  }
0x20: {  	[sflag:s8] =	ssyncset.s32 @!p0 $0xFFFFF086;
	s6 =	sadd.s32 @!p0 s3, s7;
	s7 =	simm.s32 @!p0 $0x108  }
0x21: {  	s3 =	sadd.s32 s3, s9;
	s6 =	sadd.s32 @!p0 $0x88, s6;
	s7 =	simm.s32 @p2 $0x1082  }
0x22: {  	[simem:s7], [sflag:s8] =	dma.local @!p0 [hbm:s6], $0xF7A  }
0x23: {  	s9 =	sor.u32 $0xD0000000, s2;
	s6 =	simm.s32 $0x108;
	_ =	swait.ge @!p0 [sflag:s8], $0x0  }
0x24: {  	s3 =	sadd.s32 $0x88, s3;
	s6 =	simm.s32 @!p1 $0x1082;
	[sflag:s4] =	ssyncset.s32 $0xFFFFF086  }
0x25: {  	[simem:s6], [sflag:s4] =	dma.local [hbm:s3], $0xF7A  }
0x26: {  	[smem:$0x3F90] =	sst s1;
	(tag) =	ssettag s2;
	_ =	strace s9  }
0x27: {  	s1 =	sld [smem:$0x3FA0]  }
0x28: {  	s2 =	sld [smem:$0x3FA1]  }
0x29: {  	s4 =	sld [smem:$0x3FA3]  }
0x2a: {  	p0 =	seq.s32 s5, $0x0;
	s5 =	sld [smem:$0x3FA4]  }
0x2b: {  	s6 =	sld [smem:$0x3FA5]  }
0x2c: {  	s7 =	sld [smem:$0x3FA6]  }
0x2d: {  	s3 =	simm.s32 $0x108;
	s8 =	sld [smem:$0x3FA7]  }
0x2e: {  	s3 =	simm.s32 @!p0 $0x1082;
	s9 =	sld [smem:$0x3FA8]  }
0x2f: {  	lr =	sadd.s32 s0, s3;
	s0 =	sld [smem:$0x3F9F]  }
0x30: {  	s3 =	sld [smem:$0x3FA2]  }
0x31: {  	[smem:$0x3FAB] =	sst s10  }
0x32: {  	s10 =	sld [smem:$0x3FA9];
	_ =	sdelay $0x3  }
0x33: {  	p0 =	seq.s32 s10, $0x1;
	s10 =	sld [smem:$0x3FAB];
	_ =	sdelay $0x3  }
0x34: {  	[smem:$0x3FAB] =	sst s10  }
0x35: {  	s10 =	sld [smem:$0x3FAA];
	_ =	sdelay $0x3  }
0x36: {  	p1 =	seq.s32 s10, $0x1;
	s10 =	sld [smem:$0x3FAB];
	_ =	sdelay $0x3  }
0x37: {  	[smem:$0x3FAB] =	sst s10  }
0x38: {  	s10 =	sld [smem:$0x3FAC]  }
0x39: {  	_ = 	snop;
	(pc) =	sbr.ind lr, $3  }
0x3a: {  	_ = 	snop  }
0x3b: {  	_ = 	snop  }
0x3c: {  	p2 =	seq.s32 s10, $0x1;
	s10 =	sld [smem:$0x3FAB]  }
0x3d: {  	_ =	shalt  }
0x3e: {  	_ =	shalt  }
0x3f: {  	_ =	shalt  }
0x40: {  	_ =	shalt  }
0x41: {  	_ =	shalt  }
0x42: {  	_ =	shalt  }
0x43: {  	_ =	shalt  }
0x44: {  	_ =	shalt  }
0x45: {  	_ =	shalt  }
0x46: {  	_ =	shalt  }
0x47: {  	_ =	shalt  }
0x48: {  	_ =	shalt  }
0x49: {  	_ =	shalt  }
0x4a: {  	_ =	shalt  }
0x4b: {  	_ =	shalt  }
0x4c: {  	_ =	shalt  }
0x4d: {  	_ =	shalt  }
0x4e: {  	_ =	shalt  }
0x4f: {  	_ =	shalt  }
0x50: {  	_ =	shalt  }
0x51: {  	_ =	shalt  }
0x52: {  	_ =	shalt  }
0x53: {  	_ =	shalt  }
0x54: {  	_ =	shalt  }
0x55: {  	_ =	shalt  }
0x56: {  	_ =	shalt  }
0x57: {  	_ =	shalt  }
0x58: {  	_ =	shalt  }
0x59: {  	_ =	shalt  }
0x5a: {  	_ =	shalt  }
0x5b: {  	_ =	shalt  }
0x5c: {  	_ =	shalt  }
0x5d: {  	_ =	shalt  }
0x5e: {  	_ =	shalt  }
0x5f: {  	_ =	shalt  }
0x60: {  	_ =	shalt  }
0x61: {  	_ =	shalt  }
0x62: {  	_ =	shalt  }
0x63: {  	_ =	shalt  }
0x64: {  	_ =	shalt  }
0x65: {  	_ =	shalt  }
0x66: {  	_ =	shalt  }
0x67: {  	_ =	shalt  }
0x68: {  	_ =	shalt  }
0x69: {  	_ =	shalt  }
0x6a: {  	_ =	shalt  }
0x6b: {  	_ =	shalt  }
0x6c: {  	_ =	shalt  }
0x6d: {  	_ =	shalt  }
0x6e: {  	_ =	shalt  }
0x6f: {  	_ =	shalt  }
0x70: {  	_ =	shalt  }
0x71: {  	_ =	shalt  }
0x72: {  	_ =	shalt  }
0x73: {  	_ =	shalt  }
0x74: {  	_ =	shalt  }
0x75: {  	_ =	shalt  }
0x76: {  	_ =	shalt  }
0x77: {  	_ =	shalt  }
0x78: {  	_ =	shalt  }
0x79: {  	_ =	shalt  }
0x7a: {  	_ =	shalt  }
0x7b: {  	_ =	shalt  }
0x7c: {  	_ =	shalt  }
0x7d: {  	_ =	shalt  }
0x7e: {  	_ =	shalt  }
0x7f: {  	_ =	shalt  }
0x80: {  	_ =	shalt  }
0x81: {  	_ =	shalt  }
0x82: {  	_ =	shalt  }
0x83: {  	_ =	shalt  }
0x84: {  	_ =	shalt  }
0x85: {  	_ =	shalt  }
0x86: {  	_ =	shalt  }
0x87: {  	_ =	shalt  }
.Lfunc_end0:
.L_simem_size_0:
called_computation.1_lowered:
.L_overlay_start_0:
0x88: {  	s2 =	sld [smem:$0x3FD9]  }
0x89: {  	s3 =	sld [smem:$0x3FFE];
	_ =	sdelay $0x1  }
0x8a: {  	s1 =	srdreg.scid  }
0x8b: {  	s0 =	sand.u32 $0x1, s1  }
0x8c: {  	s14 =	sshll.u32 s0, $0xA;
	s2 =	sadd.s32 s3, s2  }
0x8d: {  	s2 =	sadd.s32 s2, s14  }
0x8e: {  	[smem:$0x3FB7] =	sst s2  }
0x8f: {  	_ = 	snop  }
0x90: {  	s2 =	sld [smem:$0x3FD0];
	_ =	sdelay $0x2  }
0x91: {  	s15 =	simm.s32 $0xB;
	s4 =	simm.s32 $0x10  }
0x92: {  	[smem:s4], [sflag:s15] =	dma.local [hbm:s2], $0x1  }
0x93: {  	_ =	swait.eq [sflag:s15], $0x1  }
0x94: {  	[sflag:s15] =	ssyncset.done $0x0  }
0x95: {  	[sflag:s15] =	ssyncadd.s32 $0xFFFFFFFF  }
0x96: {  	s16 =	sld [smem:$0x11];
	(tm) =	ssettm $0x1  }
0x97: {  	s17 =	sld [smem:$0x3FFB];
	_ =	sdelay $0x3  }
0x98: {  	_ =	strace s17  }
0x99: {  	s3 =	sld [smem:$0x3FFC];
	_ =	sdelay $0x3  }
0x9a: {  	_ =	strace s3  }
0x9b: {  	s3 =	sld [smem:$0x3FFD];
	_ =	sdelay $0x3  }
0x9c: {  	_ =	strace s3  }
0x9d: {  	_ =	strace $0x8FFFFFFF  }
0x9e: {  	s18 =	sld [smem:$0x3FDB];
	_ =	sdelay $0x1  }
0x9f: {  	s19 =	simm.s32 $_scs_section_size  }
0xa0: {  	s5 =	simm.s32 $_size__tile_overlayer_lowered;
	s6 =	simm.s32 $_tile_overlayer_lowered  }
0xa1: {  	s22 =	simm.s32 $0x1BFF;
	s21 =	sshll.u32 s6, $0x1;
	s3 =	sadd.s32 s19, s18  }
0xa2: {  	s7 =	simm.s32 $0x0;
	s20 =	sshll.u32 s5, $0x1;
	s5 =	sadd.s32 s21, s3  }
0xa3: {  	[timem:s7], [sflag:s22] =	dma.local [hbm:s5], s20  }
0xa4: {  	_ =	swait.ge [sflag:s22], s20  }
0xa5: {  	s4 =	ssub.s32 $0x0, s20;
	[sflag:s22] =	ssyncset.done $0x0  }
0xa6: {  	[sflag:s22] =	ssyncadd.s32 s4;
	_ =	sdelay $0x1  }
0xa7: {  	s23 =	simm.s32 $0x1B8B  }
0xa8: {  	_ =	swait.ge [sflag:s23], $0x1  }
0xa9: {  	[sflag:s23] =	ssyncset.done $0x0  }
0xaa: {  	s25 =	simm.s32 $0x1B8E;
	s24 =	sld [smem:$0x3FFE];
	[sflag:s23] =	ssyncadd.s32 $0xFFFFFFFF  }
0xab: {  	s26 =	simm.s32 $execute0_lowered;
	[smem:$0x3FD2] =	sst s25  }
0xac: {  	s5 =	sshll.u32 s26, $0x1;
	_ =	strace $0x80000046;
	[dreg:$0x1] =	wrdreg $0xFFFFFFFF  }
0xad: {  	s28 =	simm.s32 $_size_execute0_lowered;
	s3 =	sadd.s32 s3, s5;
	[dreg:$0x0] =	wrdreg $0x0  }
0xae: {  	s5 =	sshll.u32 s28, $0x1;
	[dreg:$0x2] =	wrdreg s3  }
0xaf: {  	[dreg:$0x3] =	wrdreg s5  }
0xb0: {  	[dreg:$0x4] =	wrdreg $0xC0  }
0xb1: {  	_ =	task [dreg:s7], $0x5FFFF  }
0xb2: {  	[dreg:$0x1] =	wrdreg $0xFFFFFFFF  }
0xb3: {  	[dreg:$0x0] =	wrdreg $0x60  }
0xb4: {  	[dreg:$0x2] =	wrdreg s24  }
0xb5: {  	[dreg:$0x3] =	wrdreg s16  }
0xb6: {  	[dreg:$0x4] =	wrdreg $0x9  }
0xb7: {  	_ =	task.clear_ibuf [dreg:s7], $0x5FFFF;
	_ =	strace $0x90000046  }
0xb8: {  	s29 =	simm.s32 $0x9;
	_ =	strace $0x80000048  }
0xb9: {  	_ =	swait.ge [sflag:s29], $0x1  }
0xba: {  	[sflag:s29] =	ssyncadd.s32 $0xFFFFFFFF  }
0xbb: {  	_ =	strace $0x90000048  }
0xbc: {  	_ =	sfence  }
0xbd: {  	s30 =	sld [smem:$0x0];
	_ =	sdelay $0x2  }
0xbe: {  	s31 =	sshll.u32 s1, $0xD;
	s1 =	sshrl.u32 s1, $0x2  }
0xbf: {  	s3 =	sand.u32 $0x4000, s31;
	s1 =	sadd.s32 s1, s30  }
0xc0: {  	s0 =	sor.u32 s3, s0;
	s1 =	sshll.u32 s1, $0x11  }
0xc1: {  	s0 =	sor.u32 s1, s0  }
0xc2: {  	s0 =	sadd.s32 $0x8F2B, s0  }
0xc3: {  	[sflag:s0] =	ssyncadd.remote.s32 $0x1  }
0xc4: {  	_ =	sfence.sel $0xFFFF  }
0xc5: {  	[dreg:$0x0] =	wrdreg $0xFFFFFFFF;
	(pc) =	sbr.abs _section_cstart, $3  }
0xc6: {  	[dreg:$0x1] =	wrdreg $0xFFFFFFFF  }
0xc7: {  	_ =	task.clear_ibuf [dreg:s7], $0x2FFFF;
	_ =	strace $0x9FFFFFFF  }
0xc8: {  	(tm) =	ssettm $0x7FFFFFFF  }
0xc9: {  	_ =	shalt  }
tec
execute0_lowered:
.L_overlay_start_1:
0x0: {  	(tag) =	ssettag $0x1  }
0x1: {  	s0 =	srdreg.scid;
	s2 =	stileid.u32  }
0x2: {  	s6 =	rddreg [dreg:$0x0];
	s0 =	sand.u32 $0x1, s0;
	s2 =	sshll.u32 s2, $0x1  }
0x3: {  	s1 =	rddreg [dreg:$0x1];
	s30 =	sadd.s32 $0x13E00, s6;
	s31 =	sor.u32 s0, s2  }
0x4: {  	[dreg:$0xe] =	wrdreg s0;
	s2 =	simm.s32 $0x0;
	s3 =	sshll.u32 s31, $0x8  }
0x5: {  	[smem:$0x7FF] =	sst s2;
	s4 =	sshll.u32 s31, $0xF;
	s3 =	sadd.s32 s30, s3  }
0x6: {  	_ =	strace $0x80000047;
	s4 =	sadd.s32 s1, s4;
	s5 =	sadd.s32 $0x10, s3  }
0x7: {  	[tilespmem:s2], [sflag:$0x4] =	stream.linear.gather [hbm4b:s3+s2], $0x80, $0x38;
	[tilespmem:$0x8080] =	vst v63  }
0x8: {  	s10 =	sadd.s32 $0x800, s4;
	[dreg:$0x3] =	wrdreg s5  }
0x9: {  	s11 =	sadd.s32 $0x20, s3;
	[dreg:$0x4] =	wrdreg s10  }
0xa: {  	s12 =	sadd.s32 $0x1000, s4;
	[dreg:$0x5] =	wrdreg s11  }
0xb: {  	s13 =	sadd.s32 $0x30, s3;
	[dreg:$0x6] =	wrdreg s12  }
0xc: {  	s14 =	sadd.s32 $0x1800, s4;
	[dreg:$0x7] =	wrdreg s13  }
0xd: {  	s15 =	sadd.s32 $0x40, s3;
	[dreg:$0x8] =	wrdreg s14  }
0xe: {  	s16 =	sadd.s32 $0x2000, s4;
	[dreg:$0x9] =	wrdreg s15  }
0xf: {  	s17 =	sadd.s32 $0x50, s3;
	[dreg:$0xa] =	wrdreg s16  }
0x10: {  	s18 =	sadd.s32 $0x2800, s4;
	[dreg:$0xb] =	wrdreg s17  }
0x11: {  	s19 =	sadd.s32 $0x60, s3;
	[dreg:$0xc] =	wrdreg s18  }
0x12: {  	[dreg:$0xd] =	wrdreg s19;
	s5 =	simm.s32 $0x4  }
0x13: {  	_ =	swait.ge [sflag:s5], $0x80  }
0x14: {  	s7 =	simm.s32 $0x80;
	[sflag:s5] =	ssyncset.done $0x0  }
0x15: {  	s8 =	simm.s32 $0x1;
	s6 =	sadd.s32 $0x3E00, s6;
	[sflag:s5] =	ssyncadd.s32 $0xFFFFFF80  }
0x16: {  	[tilespmem:s7], [sflag:$0x1] =	stream.indirect.gather [hbm4b:s6+s7], $0x80, s2, s7, $0xb8;
	[tilespmem:$0x8080] =	vst v63  }
0x17: {  	_ =	swait.ge [sflag:s8], $0x4000  }
0x18: {  	[sflag:s8] =	ssyncset.done $0x0  }
0x19: {  	[sflag:s8] =	ssyncadd.s32 $0xFFFFC000  }
0x1a: {  	[hbm4b:s4+s2] =	stream.linear.scatter [tilespmem:s7], [sflag:$0x2], $0x4000, $0x38;
	[tilespmem:$0x8080] =	vst v63  }
0x1b: {  	s9 =	rddreg [dreg:$0x3]  }
0x1c: {  	[tilespmem:s2], [sflag:$0x4] =	stream.linear.gather [hbm4b:s9+s2], $0x80, $0x38;
	[tilespmem:$0x8080] =	vst v63  }
0x1d: {  	_ =	swait.ge [sflag:s5], $0x80  }
0x1e: {  	[sflag:s5] =	ssyncset.done $0x0  }
0x1f: {  	s9 =	simm.s32 $0x4080;
	[sflag:s5] =	ssyncadd.s32 $0xFFFFFF80  }
0x20: {  	[tilespmem:s9], [sflag:$0x1] =	stream.indirect.gather [hbm4b:s6+s7], $0x80, s2, s7, $0xb8;
	[tilespmem:$0x8080] =	vst v63  }
0x21: {  	_ =	swait.ge [sflag:s8], $0x4000  }
0x22: {  	[sflag:s8] =	ssyncset.done $0x0  }
0x23: {  	s10 =	simm.s32 $0x2;
	s11 =	rddreg [dreg:$0x4];
	[sflag:s8] =	ssyncadd.s32 $0xFFFFC000  }
0x24: {  	[hbm4b:s11+s2] =	stream.linear.scatter [tilespmem:s9], [sflag:$0x3], $0x4000, $0x38;
	[tilespmem:$0x8080] =	vst v63  }
0x25: {  	_ =	swait.ge [sflag:s10], $0x4000  }
0x26: {  	[sflag:s10] =	ssyncset.done $0x0  }
0x27: {  	s20 =	rddreg [dreg:$0x5];
	[sflag:s10] =	ssyncadd.s32 $0xFFFFC000  }
0x28: {  	[tilespmem:s2], [sflag:$0x4] =	stream.linear.gather [hbm4b:s20+s2], $0x80, $0x38;
	[tilespmem:$0x8080] =	vst v63  }
0x29: {  	_ =	swait.ge [sflag:s5], $0x80  }
0x2a: {  	[sflag:s5] =	ssyncset.done $0x0  }
0x2b: {  	[sflag:s5] =	ssyncadd.s32 $0xFFFFFF80  }
0x2c: {  	[tilespmem:s7], [sflag:$0x1] =	stream.indirect.gather [hbm4b:s6+s7], $0x80, s2, s7, $0xb8;
	[tilespmem:$0x8080] =	vst v63  }
0x2d: {  	_ =	swait.ge [sflag:s8], $0x4000  }
0x2e: {  	[sflag:s8] =	ssyncset.done $0x0  }
0x2f: {  	s11 =	simm.s32 $0x3;
	s12 =	rddreg [dreg:$0x6];
	[sflag:s8] =	ssyncadd.s32 $0xFFFFC000  }
0x30: {  	[hbm4b:s12+s2] =	stream.linear.scatter [tilespmem:s7], [sflag:$0x2], $0x4000, $0x38;
	[tilespmem:$0x8080] =	vst v63  }
0x31: {  	_ =	swait.ge [sflag:s11], $0x4000  }
0x32: {  	[sflag:s11] =	ssyncset.done $0x0  }
0x33: {  	s21 =	rddreg [dreg:$0x7];
	[sflag:s11] =	ssyncadd.s32 $0xFFFFC000  }
0x34: {  	[tilespmem:s2], [sflag:$0x4] =	stream.linear.gather [hbm4b:s21+s2], $0x80, $0x38;
	[tilespmem:$0x8080] =	vst v63  }
0x35: {  	_ =	swait.ge [sflag:s5], $0x80  }
0x36: {  	[sflag:s5] =	ssyncset.done $0x0  }
0x37: {  	[sflag:s5] =	ssyncadd.s32 $0xFFFFFF80  }
0x38: {  	[tilespmem:s9], [sflag:$0x1] =	stream.indirect.gather [hbm4b:s6+s7], $0x80, s2, s7, $0xb8;
	[tilespmem:$0x8080] =	vst v63  }
0x39: {  	_ =	swait.ge [sflag:s8], $0x4000  }
0x3a: {  	[sflag:s8] =	ssyncset.done $0x0  }
0x3b: {  	s22 =	rddreg [dreg:$0x8];
	[sflag:s8] =	ssyncadd.s32 $0xFFFFC000  }
0x3c: {  	[hbm4b:s22+s2] =	stream.linear.scatter [tilespmem:s9], [sflag:$0x3], $0x4000, $0x38;
	[tilespmem:$0x8080] =	vst v63  }
0x3d: {  	_ =	swait.ge [sflag:s10], $0x4000  }
0x3e: {  	[sflag:s10] =	ssyncset.done $0x0  }
0x3f: {  	s23 =	rddreg [dreg:$0x9];
	[sflag:s10] =	ssyncadd.s32 $0xFFFFC000  }
0x40: {  	[tilespmem:s2], [sflag:$0x4] =	stream.linear.gather [hbm4b:s23+s2], $0x80, $0x38;
	[tilespmem:$0x8080] =	vst v63  }
0x41: {  	_ =	swait.ge [sflag:s5], $0x80  }
0x42: {  	[sflag:s5] =	ssyncset.done $0x0  }
0x43: {  	[sflag:s5] =	ssyncadd.s32 $0xFFFFFF80  }
0x44: {  	[tilespmem:s7], [sflag:$0x1] =	stream.indirect.gather [hbm4b:s6+s7], $0x80, s2, s7, $0xb8;
	[tilespmem:$0x8080] =	vst v63  }
0x45: {  	_ =	swait.ge [sflag:s8], $0x4000  }
0x46: {  	[sflag:s8] =	ssyncset.done $0x0  }
0x47: {  	s24 =	rddreg [dreg:$0xa];
	[sflag:s8] =	ssyncadd.s32 $0xFFFFC000  }
0x48: {  	[hbm4b:s24+s2] =	stream.linear.scatter [tilespmem:s7], [sflag:$0x2], $0x4000, $0x38;
	[tilespmem:$0x8080] =	vst v63  }
0x49: {  	_ =	swait.ge [sflag:s11], $0x4000  }
0x4a: {  	[sflag:s11] =	ssyncset.done $0x0  }
0x4b: {  	s25 =	rddreg [dreg:$0xb];
	[sflag:s11] =	ssyncadd.s32 $0xFFFFC000  }
0x4c: {  	[tilespmem:s2], [sflag:$0x4] =	stream.linear.gather [hbm4b:s25+s2], $0x80, $0x38;
	[tilespmem:$0x8080] =	vst v63  }
0x4d: {  	_ =	swait.ge [sflag:s5], $0x80  }
0x4e: {  	[sflag:s5] =	ssyncset.done $0x0  }
0x4f: {  	[sflag:s5] =	ssyncadd.s32 $0xFFFFFF80  }
0x50: {  	[tilespmem:s9], [sflag:$0x1] =	stream.indirect.gather [hbm4b:s6+s7], $0x80, s2, s7, $0xb8;
	[tilespmem:$0x8080] =	vst v63  }
0x51: {  	_ =	swait.ge [sflag:s8], $0x4000  }
0x52: {  	[sflag:s8] =	ssyncset.done $0x0  }
0x53: {  	s26 =	rddreg [dreg:$0xc];
	[sflag:s8] =	ssyncadd.s32 $0xFFFFC000  }
0x54: {  	[hbm4b:s26+s2] =	stream.linear.scatter [tilespmem:s9], [sflag:$0x3], $0x4000, $0x38;
	[tilespmem:$0x8080] =	vst v63  }
0x55: {  	_ =	swait.ge [sflag:s10], $0x4000  }
0x56: {  	[sflag:s10] =	ssyncset.done $0x0  }
0x57: {  	s0 =	rddreg [dreg:$0xd];
	[sflag:s10] =	ssyncadd.s32 $0xFFFFC000  }
0x58: {  	[tilespmem:s2], [sflag:$0x4] =	stream.linear.gather [hbm4b:s0+s2], $0x80, $0x38;
	[tilespmem:$0x8080] =	vst v63  }
0x59: {  	_ =	swait.ge [sflag:s5], $0x80  }
0x5a: {  	[sflag:s5] =	ssyncset.done $0x0  }
0x5b: {  	[sflag:s5] =	ssyncadd.s32 $0xFFFFFF80  }
0x5c: {  	[tilespmem:s7], [sflag:$0x1] =	stream.indirect.gather [hbm4b:s6+s7], $0x80, s2, s7, $0xb8;
	[tilespmem:$0x8080] =	vst v63  }
0x5d: {  	_ =	swait.ge [sflag:s8], $0x4000  }
0x5e: {  	[sflag:s8] =	ssyncset.done $0x0  }
0x5f: {  	s12 =	sadd.s32 $0x3000, s4;
	[sflag:s8] =	ssyncadd.s32 $0xFFFFC000  }
0x60: {  	[hbm4b:s12+s2] =	stream.linear.scatter [tilespmem:s7], [sflag:$0x2], $0x4000, $0x38;
	[tilespmem:$0x8080] =	vst v63  }
0x61: {  	_ =	swait.ge [sflag:s11], $0x4000  }
0x62: {  	[sflag:s11] =	ssyncset.done $0x0  }
0x63: {  	s13 =	sadd.s32 $0x70, s3;
	[sflag:s11] =	ssyncadd.s32 $0xFFFFC000  }
0x64: {  	[tilespmem:s2], [sflag:$0x4] =	stream.linear.gather [hbm4b:s13+s2], $0x80, $0x38;
	[tilespmem:$0x8080] =	vst v63  }
0x65: {  	_ =	swait.ge [sflag:s5], $0x80  }
0x66: {  	[sflag:s5] =	ssyncset.done $0x0  }
0x67: {  	[sflag:s5] =	ssyncadd.s32 $0xFFFFFF80  }
0x68: {  	[tilespmem:s9], [sflag:$0x1] =	stream.indirect.gather [hbm4b:s6+s7], $0x80, s2, s7, $0xb8;
	[tilespmem:$0x8080] =	vst v63  }
0x69: {  	_ =	swait.ge [sflag:s8], $0x4000  }
0x6a: {  	[sflag:s8] =	ssyncset.done $0x0  }
0x6b: {  	s28 =	sshll.u32 s31, $0x4;
	s14 =	sadd.s32 $0x3800, s4;
	[sflag:s8] =	ssyncadd.s32 $0xFFFFC000  }
0x6c: {  	[hbm4b:s14+s2] =	stream.linear.scatter [tilespmem:s9], [sflag:$0x3], $0x4000, $0x38;
	[tilespmem:$0x8080] =	vst v63  }
0x6d: {  	s16 =	sor.u32 $0x8, s28;
	_ =	swait.ge [sflag:s10], $0x4000  }
0x6e: {  	s15 =	sshll.u32 s16, $0x4;
	[sflag:s10] =	ssyncset.done $0x0  }
0x6f: {  	s15 =	sadd.s32 s30, s15;
	[sflag:s10] =	ssyncadd.s32 $0xFFFFC000  }
0x70: {  	[tilespmem:s2], [sflag:$0x4] =	stream.linear.gather [hbm4b:s15+s2], $0x80, $0x38;
	[tilespmem:$0x8080] =	vst v63  }
0x71: {  	_ =	swait.ge [sflag:s5], $0x80  }
0x72: {  	[sflag:s5] =	ssyncset.done $0x0  }
0x73: {  	[sflag:s5] =	ssyncadd.s32 $0xFFFFFF80  }
0x74: {  	[tilespmem:s7], [sflag:$0x1] =	stream.indirect.gather [hbm4b:s6+s7], $0x80, s2, s7, $0xb8;
	[tilespmem:$0x8080] =	vst v63  }
0x75: {  	_ =	swait.ge [sflag:s8], $0x4000  }
0x76: {  	s16 =	sshll.u32 s16, $0xB;
	[sflag:s8] =	ssyncset.done $0x0  }
0x77: {  	s16 =	sadd.s32 s1, s16;
	[sflag:s8] =	ssyncadd.s32 $0xFFFFC000  }
0x78: {  	[hbm4b:s16+s2] =	stream.linear.scatter [tilespmem:s7], [sflag:$0x2], $0x4000, $0x38;
	[tilespmem:$0x8080] =	vst v63  }
0x79: {  	s18 =	sor.u32 $0x9, s28;
	_ =	swait.ge [sflag:s11], $0x4000  }
0x7a: {  	s17 =	sshll.u32 s18, $0x4;
	[sflag:s11] =	ssyncset.done $0x0  }
0x7b: {  	s17 =	sadd.s32 s30, s17;
	[sflag:s11] =	ssyncadd.s32 $0xFFFFC000  }
0x7c: {  	[tilespmem:s2], [sflag:$0x4] =	stream.linear.gather [hbm4b:s17+s2], $0x80, $0x38;
	[tilespmem:$0x8080] =	vst v63  }
0x7d: {  	_ =	swait.ge [sflag:s5], $0x80  }
0x7e: {  	[sflag:s5] =	ssyncset.done $0x0  }
0x7f: {  	[sflag:s5] =	ssyncadd.s32 $0xFFFFFF80  }
0x80: {  	[tilespmem:s9], [sflag:$0x1] =	stream.indirect.gather [hbm4b:s6+s7], $0x80, s2, s7, $0xb8;
	[tilespmem:$0x8080] =	vst v63  }
0x81: {  	_ =	swait.ge [sflag:s8], $0x4000  }
0x82: {  	s18 =	sshll.u32 s18, $0xB;
	[sflag:s8] =	ssyncset.done $0x0  }
0x83: {  	s18 =	sadd.s32 s1, s18;
	[sflag:s8] =	ssyncadd.s32 $0xFFFFC000  }
0x84: {  	[hbm4b:s18+s2] =	stream.linear.scatter [tilespmem:s9], [sflag:$0x3], $0x4000, $0x38;
	[tilespmem:$0x8080] =	vst v63  }
0x85: {  	s20 =	sor.u32 $0xA, s28;
	_ =	swait.ge [sflag:s10], $0x4000  }
0x86: {  	s19 =	sshll.u32 s20, $0x4;
	[sflag:s10] =	ssyncset.done $0x0  }
0x87: {  	s19 =	sadd.s32 s30, s19;
	[sflag:s10] =	ssyncadd.s32 $0xFFFFC000  }
0x88: {  	[tilespmem:s2], [sflag:$0x4] =	stream.linear.gather [hbm4b:s19+s2], $0x80, $0x38;
	[tilespmem:$0x8080] =	vst v63  }
0x89: {  	_ =	swait.ge [sflag:s5], $0x80  }
0x8a: {  	[sflag:s5] =	ssyncset.done $0x0  }
0x8b: {  	[sflag:s5] =	ssyncadd.s32 $0xFFFFFF80  }
0x8c: {  	[tilespmem:s7], [sflag:$0x1] =	stream.indirect.gather [hbm4b:s6+s7], $0x80, s2, s7, $0xb8;
	[tilespmem:$0x8080] =	vst v63  }
0x8d: {  	_ =	swait.ge [sflag:s8], $0x4000  }
0x8e: {  	s20 =	sshll.u32 s20, $0xB;
	[sflag:s8] =	ssyncset.done $0x0  }
0x8f: {  	s20 =	sadd.s32 s1, s20;
	[sflag:s8] =	ssyncadd.s32 $0xFFFFC000  }
0x90: {  	[hbm4b:s20+s2] =	stream.linear.scatter [tilespmem:s7], [sflag:$0x2], $0x4000, $0x38;
	[tilespmem:$0x8080] =	vst v63  }
0x91: {  	s22 =	sor.u32 $0xB, s28;
	_ =	swait.ge [sflag:s11], $0x4000  }
0x92: {  	s21 =	sshll.u32 s22, $0x4;
	[sflag:s11] =	ssyncset.done $0x0  }
0x93: {  	s21 =	sadd.s32 s30, s21;
	[sflag:s11] =	ssyncadd.s32 $0xFFFFC000  }
0x94: {  	[tilespmem:s2], [sflag:$0x4] =	stream.linear.gather [hbm4b:s21+s2], $0x80, $0x38;
	[tilespmem:$0x8080] =	vst v63  }
0x95: {  	_ =	swait.ge [sflag:s5], $0x80  }
0x96: {  	[sflag:s5] =	ssyncset.done $0x0  }
0x97: {  	[sflag:s5] =	ssyncadd.s32 $0xFFFFFF80  }
0x98: {  	[tilespmem:s9], [sflag:$0x1] =	stream.indirect.gather [hbm4b:s6+s7], $0x80, s2, s7, $0xb8;
	[tilespmem:$0x8080] =	vst v63  }
0x99: {  	_ =	swait.ge [sflag:s8], $0x4000  }
0x9a: {  	s22 =	sshll.u32 s22, $0xB;
	[sflag:s8] =	ssyncset.done $0x0  }
0x9b: {  	s22 =	sadd.s32 s1, s22;
	[sflag:s8] =	ssyncadd.s32 $0xFFFFC000  }
0x9c: {  	[hbm4b:s22+s2] =	stream.linear.scatter [tilespmem:s9], [sflag:$0x3], $0x4000, $0x38;
	[tilespmem:$0x8080] =	vst v63  }
0x9d: {  	s24 =	sor.u32 $0xC, s28;
	_ =	swait.ge [sflag:s10], $0x4000  }
0x9e: {  	s23 =	sshll.u32 s24, $0x4;
	[sflag:s10] =	ssyncset.done $0x0  }
0x9f: {  	s23 =	sadd.s32 s30, s23;
	[sflag:s10] =	ssyncadd.s32 $0xFFFFC000  }
0xa0: {  	[tilespmem:s2], [sflag:$0x4] =	stream.linear.gather [hbm4b:s23+s2], $0x80, $0x38;
	[tilespmem:$0x8080] =	vst v63  }
0xa1: {  	_ =	swait.ge [sflag:s5], $0x80  }
0xa2: {  	[sflag:s5] =	ssyncset.done $0x0  }
0xa3: {  	[sflag:s5] =	ssyncadd.s32 $0xFFFFFF80  }
0xa4: {  	[tilespmem:s7], [sflag:$0x1] =	stream.indirect.gather [hbm4b:s6+s7], $0x80, s2, s7, $0xb8;
	[tilespmem:$0x8080] =	vst v63  }
0xa5: {  	_ =	swait.ge [sflag:s8], $0x4000  }
0xa6: {  	s24 =	sshll.u32 s24, $0xB;
	[sflag:s8] =	ssyncset.done $0x0  }
0xa7: {  	s24 =	sadd.s32 s1, s24;
	[sflag:s8] =	ssyncadd.s32 $0xFFFFC000  }
0xa8: {  	[hbm4b:s24+s2] =	stream.linear.scatter [tilespmem:s7], [sflag:$0x2], $0x4000, $0x38;
	[tilespmem:$0x8080] =	vst v63  }
0xa9: {  	s26 =	sor.u32 $0xD, s28;
	_ =	swait.ge [sflag:s11], $0x4000  }
0xaa: {  	s25 =	sshll.u32 s26, $0x4;
	[sflag:s11] =	ssyncset.done $0x0  }
0xab: {  	s25 =	sadd.s32 s30, s25;
	[sflag:s11] =	ssyncadd.s32 $0xFFFFC000  }
0xac: {  	[tilespmem:s2], [sflag:$0x4] =	stream.linear.gather [hbm4b:s25+s2], $0x80, $0x38;
	[tilespmem:$0x8080] =	vst v63  }
0xad: {  	_ =	swait.ge [sflag:s5], $0x80  }
0xae: {  	[sflag:s5] =	ssyncset.done $0x0  }
0xaf: {  	[sflag:s5] =	ssyncadd.s32 $0xFFFFFF80  }
0xb0: {  	[tilespmem:s9], [sflag:$0x1] =	stream.indirect.gather [hbm4b:s6+s7], $0x80, s2, s7, $0xb8;
	[tilespmem:$0x8080] =	vst v63  }
0xb1: {  	_ =	swait.ge [sflag:s8], $0x4000  }
0xb2: {  	s26 =	sshll.u32 s26, $0xB;
	[sflag:s8] =	ssyncset.done $0x0  }
0xb3: {  	s26 =	sadd.s32 s1, s26;
	[sflag:s8] =	ssyncadd.s32 $0xFFFFC000  }
0xb4: {  	[hbm4b:s26+s2] =	stream.linear.scatter [tilespmem:s9], [sflag:$0x3], $0x4000, $0x38;
	[tilespmem:$0x8080] =	vst v63  }
0xb5: {  	s29 =	sor.u32 $0xE, s28;
	_ =	swait.ge [sflag:s10], $0x4000  }
0xb6: {  	s28 =	sshll.u32 s29, $0x4;
	[sflag:s10] =	ssyncset.done $0x0  }
0xb7: {  	s28 =	sadd.s32 s30, s28;
	[sflag:s10] =	ssyncadd.s32 $0xFFFFC000  }
0xb8: {  	[tilespmem:s2], [sflag:$0x4] =	stream.linear.gather [hbm4b:s28+s2], $0x80, $0x38;
	[tilespmem:$0x8080] =	vst v63  }
0xb9: {  	_ =	swait.ge [sflag:s5], $0x80  }
0xba: {  	[sflag:s5] =	ssyncset.done $0x0  }
0xbb: {  	[sflag:s5] =	ssyncadd.s32 $0xFFFFFF80  }
0xbc: {  	[tilespmem:s7], [sflag:$0x1] =	stream.indirect.gather [hbm4b:s6+s7], $0x80, s2, s7, $0xb8;
	[tilespmem:$0x8080] =	vst v63  }
0xbd: {  	_ =	swait.ge [sflag:s8], $0x4000  }
0xbe: {  	s29 =	sshll.u32 s29, $0xB;
	[sflag:s8] =	ssyncset.done $0x0  }
0xbf: {  	s29 =	sadd.s32 s1, s29;
	[sflag:s8] =	ssyncadd.s32 $0xFFFFC000  }
0xc0: {  	[hbm4b:s29+s2] =	stream.linear.scatter [tilespmem:s7], [sflag:$0x2], $0x4000, $0x38;
	[tilespmem:$0x8080] =	vst v63  }
0xc1: {  	s31 =	sshllo.u32 s31, $0x4;
	_ =	swait.ge [sflag:s11], $0x4000  }
0xc2: {  	s0 =	sshll.u32 s31, $0x4;
	[sflag:s11] =	ssyncset.done $0x0  }
0xc3: {  	s30 =	sadd.s32 s30, s0;
	[sflag:s11] =	ssyncadd.s32 $0xFFFFC000  }
0xc4: {  	[tilespmem:s2], [sflag:$0x4] =	stream.linear.gather [hbm4b:s30+s2], $0x80, $0x38;
	[tilespmem:$0x8080] =	vst v63  }
0xc5: {  	_ =	swait.ge [sflag:s5], $0x80  }
0xc6: {  	[sflag:s5] =	ssyncset.done $0x0  }
0xc7: {  	[sflag:s5] =	ssyncadd.s32 $0xFFFFFF80  }
0xc8: {  	[tilespmem:s9], [sflag:$0x1] =	stream.indirect.gather [hbm4b:s6+s7], $0x80, s2, s7, $0xb8;
	[tilespmem:$0x8080] =	vst v63  }
0xc9: {  	s0 =	sshll.u32 s31, $0xB;
	_ =	swait.ge [sflag:s8], $0x4000  }
0xca: {  	s31 =	sadd.s32 s1, s0;
	[sflag:s8] =	ssyncset.done $0x0;
	s1 =	rddreg [dreg:$0xe]  }
0xcb: {  	s0 =	ssub.s32 $0x2, s1;
	[sflag:s8] =	ssyncadd.s32 $0xFFFFC000  }
0xcc: {  	[hbm4b:s31+s2] =	stream.linear.scatter [tilespmem:s9], [sflag:$0x3], $0x4000, $0x38;
	[tilespmem:$0x8080] =	vst v63  }
0xcd: {  	s1 =	sshrl.u32 s0, $0x1  }
0xce: {  	s0 =	ssub.s32 s0, s1  }
0xcf: {  	s0 =	smax.u32 s0, $0x1  }
0xd0: {  	p0 =	sne.s32 s0, $0x1  }
.Ltmp0:
0xd1: {  	_ =	swait.ge [sflag:s10], $0x4000;
	(pc) =	sbr.rel @!p0 .LBB2_2-.Ltmp0, $4  }
0xd2: {  	[sflag:s10] =	ssyncset.done $0x0  }
0xd3: {  	[sflag:s10] =	ssyncadd.s32 $0xFFFFC000  }
0xd4: {  	_ =	swait.ge [sflag:s11], $0x4000  }
0xd5: {  	s1 =	sadd.s32 $0xFFFFFFFF, s0;
	[sflag:s11] =	ssyncset.done $0x0  }
.LBB2_1:
0xd6: {  	[sflag:s11] =	ssyncadd.s32 $0xFFFFC000  }
0xd7: {  	[tilespmem:s2], [sflag:$0x4] =	stream.linear.gather [hbm4b:s3+s2], $0x80, $0x38;
	[tilespmem:$0x8080] =	vst v63  }
0xd8: {  	_ =	swait.ge [sflag:s5], $0x80  }
0xd9: {  	[sflag:s5] =	ssyncset.done $0x0  }
0xda: {  	[sflag:s5] =	ssyncadd.s32 $0xFFFFFF80  }
0xdb: {  	[tilespmem:s7], [sflag:$0x1] =	stream.indirect.gather [hbm4b:s6+s7], $0x80, s2, s7, $0xb8;
	[tilespmem:$0x8080] =	vst v63  }
0xdc: {  	_ =	swait.ge [sflag:s8], $0x4000  }
0xdd: {  	[sflag:s8] =	ssyncset.done $0x0  }
0xde: {  	[sflag:s8] =	ssyncadd.s32 $0xFFFFC000  }
0xdf: {  	[hbm4b:s4+s2] =	stream.linear.scatter [tilespmem:s7], [sflag:$0x2], $0x4000, $0x38;
	[tilespmem:$0x8080] =	vst v63  }
0xe0: {  	s0 =	rddreg [dreg:$0x3]  }
0xe1: {  	[tilespmem:s2], [sflag:$0x4] =	stream.linear.gather [hbm4b:s0+s2], $0x80, $0x38;
	[tilespmem:$0x8080] =	vst v63  }
0xe2: {  	_ =	swait.ge [sflag:s5], $0x80  }
0xe3: {  	[sflag:s5] =	ssyncset.done $0x0  }
0xe4: {  	[sflag:s5] =	ssyncadd.s32 $0xFFFFFF80  }
0xe5: {  	[tilespmem:s9], [sflag:$0x1] =	stream.indirect.gather [hbm4b:s6+s7], $0x80, s2, s7, $0xb8;
	[tilespmem:$0x8080] =	vst v63  }
0xe6: {  	_ =	swait.ge [sflag:s8], $0x4000  }
0xe7: {  	[sflag:s8] =	ssyncset.done $0x0  }
0xe8: {  	s0 =	rddreg [dreg:$0x4];
	[sflag:s8] =	ssyncadd.s32 $0xFFFFC000  }
0xe9: {  	[hbm4b:s0+s2] =	stream.linear.scatter [tilespmem:s9], [sflag:$0x3], $0x4000, $0x38;
	[tilespmem:$0x8080] =	vst v63  }
0xea: {  	_ =	swait.ge [sflag:s10], $0x4000  }
0xeb: {  	[sflag:s10] =	ssyncset.done $0x0  }
0xec: {  	s0 =	rddreg [dreg:$0x5];
	[sflag:s10] =	ssyncadd.s32 $0xFFFFC000  }
0xed: {  	[tilespmem:s2], [sflag:$0x4] =	stream.linear.gather [hbm4b:s0+s2], $0x80, $0x38;
	[tilespmem:$0x8080] =	vst v63  }
0xee: {  	_ =	swait.ge [sflag:s5], $0x80  }
0xef: {  	[sflag:s5] =	ssyncset.done $0x0  }
0xf0: {  	[sflag:s5] =	ssyncadd.s32 $0xFFFFFF80  }
0xf1: {  	[tilespmem:s7], [sflag:$0x1] =	stream.indirect.gather [hbm4b:s6+s7], $0x80, s2, s7, $0xb8;
	[tilespmem:$0x8080] =	vst v63  }
0xf2: {  	_ =	swait.ge [sflag:s8], $0x4000  }
0xf3: {  	[sflag:s8] =	ssyncset.done $0x0  }
0xf4: {  	s0 =	rddreg [dreg:$0x6];
	[sflag:s8] =	ssyncadd.s32 $0xFFFFC000  }
0xf5: {  	[hbm4b:s0+s2] =	stream.linear.scatter [tilespmem:s7], [sflag:$0x2], $0x4000, $0x38;
	[tilespmem:$0x8080] =	vst v63  }
0xf6: {  	_ =	swait.ge [sflag:s11], $0x4000  }
0xf7: {  	[sflag:s11] =	ssyncset.done $0x0  }
0xf8: {  	s0 =	rddreg [dreg:$0x7];
	[sflag:s11] =	ssyncadd.s32 $0xFFFFC000  }
0xf9: {  	[tilespmem:s2], [sflag:$0x4] =	stream.linear.gather [hbm4b:s0+s2], $0x80, $0x38;
	[tilespmem:$0x8080] =	vst v63  }
0xfa: {  	_ =	swait.ge [sflag:s5], $0x80  }
0xfb: {  	[sflag:s5] =	ssyncset.done $0x0  }
0xfc: {  	[sflag:s5] =	ssyncadd.s32 $0xFFFFFF80  }
0xfd: {  	[tilespmem:s9], [sflag:$0x1] =	stream.indirect.gather [hbm4b:s6+s7], $0x80, s2, s7, $0xb8;
	[tilespmem:$0x8080] =	vst v63  }
0xfe: {  	_ =	swait.ge [sflag:s8], $0x4000  }
0xff: {  	[sflag:s8] =	ssyncset.done $0x0  }
0x100: {  	s0 =	rddreg [dreg:$0x8];
	[sflag:s8] =	ssyncadd.s32 $0xFFFFC000  }
0x101: {  	[hbm4b:s0+s2] =	stream.linear.scatter [tilespmem:s9], [sflag:$0x3], $0x4000, $0x38;
	[tilespmem:$0x8080] =	vst v63  }
0x102: {  	_ =	swait.ge [sflag:s10], $0x4000  }
0x103: {  	[sflag:s10] =	ssyncset.done $0x0  }
0x104: {  	s0 =	rddreg [dreg:$0x9];
	[sflag:s10] =	ssyncadd.s32 $0xFFFFC000  }
0x105: {  	[tilespmem:s2], [sflag:$0x4] =	stream.linear.gather [hbm4b:s0+s2], $0x80, $0x38;
	[tilespmem:$0x8080] =	vst v63  }
0x106: {  	_ =	swait.ge [sflag:s5], $0x80  }
0x107: {  	[sflag:s5] =	ssyncset.done $0x0  }
0x108: {  	[sflag:s5] =	ssyncadd.s32 $0xFFFFFF80  }
0x109: {  	[tilespmem:s7], [sflag:$0x1] =	stream.indirect.gather [hbm4b:s6+s7], $0x80, s2, s7, $0xb8;
	[tilespmem:$0x8080] =	vst v63  }
0x10a: {  	_ =	swait.ge [sflag:s8], $0x4000  }
0x10b: {  	[sflag:s8] =	ssyncset.done $0x0  }
0x10c: {  	s0 =	rddreg [dreg:$0xa];
	[sflag:s8] =	ssyncadd.s32 $0xFFFFC000  }
0x10d: {  	[hbm4b:s0+s2] =	stream.linear.scatter [tilespmem:s7], [sflag:$0x2], $0x4000, $0x38;
	[tilespmem:$0x8080] =	vst v63  }
0x10e: {  	_ =	swait.ge [sflag:s11], $0x4000  }
0x10f: {  	[sflag:s11] =	ssyncset.done $0x0  }
0x110: {  	s0 =	rddreg [dreg:$0xb];
	[sflag:s11] =	ssyncadd.s32 $0xFFFFC000  }
0x111: {  	[tilespmem:s2], [sflag:$0x4] =	stream.linear.gather [hbm4b:s0+s2], $0x80, $0x38;
	[tilespmem:$0x8080] =	vst v63  }
0x112: {  	_ =	swait.ge [sflag:s5], $0x80  }
0x113: {  	[sflag:s5] =	ssyncset.done $0x0  }
0x114: {  	[sflag:s5] =	ssyncadd.s32 $0xFFFFFF80  }
0x115: {  	[tilespmem:s9], [sflag:$0x1] =	stream.indirect.gather [hbm4b:s6+s7], $0x80, s2, s7, $0xb8;
	[tilespmem:$0x8080] =	vst v63  }
0x116: {  	_ =	swait.ge [sflag:s8], $0x4000  }
0x117: {  	[sflag:s8] =	ssyncset.done $0x0  }
0x118: {  	s0 =	rddreg [dreg:$0xc];
	[sflag:s8] =	ssyncadd.s32 $0xFFFFC000  }
0x119: {  	[hbm4b:s0+s2] =	stream.linear.scatter [tilespmem:s9], [sflag:$0x3], $0x4000, $0x38;
	[tilespmem:$0x8080] =	vst v63  }
0x11a: {  	_ =	swait.ge [sflag:s10], $0x4000  }
0x11b: {  	[sflag:s10] =	ssyncset.done $0x0  }
0x11c: {  	s0 =	rddreg [dreg:$0xd];
	[sflag:s10] =	ssyncadd.s32 $0xFFFFC000  }
0x11d: {  	[tilespmem:s2], [sflag:$0x4] =	stream.linear.gather [hbm4b:s0+s2], $0x80, $0x38;
	[tilespmem:$0x8080] =	vst v63  }
0x11e: {  	_ =	swait.ge [sflag:s5], $0x80  }
0x11f: {  	[sflag:s5] =	ssyncset.done $0x0  }
0x120: {  	[sflag:s5] =	ssyncadd.s32 $0xFFFFFF80  }
0x121: {  	[tilespmem:s7], [sflag:$0x1] =	stream.indirect.gather [hbm4b:s6+s7], $0x80, s2, s7, $0xb8;
	[tilespmem:$0x8080] =	vst v63  }
0x122: {  	_ =	swait.ge [sflag:s8], $0x4000  }
0x123: {  	[sflag:s8] =	ssyncset.done $0x0  }
0x124: {  	[sflag:s8] =	ssyncadd.s32 $0xFFFFC000  }
0x125: {  	[hbm4b:s12+s2] =	stream.linear.scatter [tilespmem:s7], [sflag:$0x2], $0x4000, $0x38;
	[tilespmem:$0x8080] =	vst v63  }
0x126: {  	_ =	swait.ge [sflag:s11], $0x4000  }
0x127: {  	[sflag:s11] =	ssyncset.done $0x0  }
0x128: {  	[sflag:s11] =	ssyncadd.s32 $0xFFFFC000  }
0x129: {  	[tilespmem:s2], [sflag:$0x4] =	stream.linear.gather [hbm4b:s13+s2], $0x80, $0x38;
	[tilespmem:$0x8080] =	vst v63  }
0x12a: {  	_ =	swait.ge [sflag:s5], $0x80  }
0x12b: {  	[sflag:s5] =	ssyncset.done $0x0  }
0x12c: {  	[sflag:s5] =	ssyncadd.s32 $0xFFFFFF80  }
0x12d: {  	[tilespmem:s9], [sflag:$0x1] =	stream.indirect.gather [hbm4b:s6+s7], $0x80, s2, s7, $0xb8;
	[tilespmem:$0x8080] =	vst v63  }
0x12e: {  	_ =	swait.ge [sflag:s8], $0x4000  }
0x12f: {  	[sflag:s8] =	ssyncset.done $0x0  }
0x130: {  	[sflag:s8] =	ssyncadd.s32 $0xFFFFC000  }
0x131: {  	[hbm4b:s14+s2] =	stream.linear.scatter [tilespmem:s9], [sflag:$0x3], $0x4000, $0x38;
	[tilespmem:$0x8080] =	vst v63  }
0x132: {  	_ =	swait.ge [sflag:s10], $0x4000  }
0x133: {  	[sflag:s10] =	ssyncset.done $0x0  }
0x134: {  	[sflag:s10] =	ssyncadd.s32 $0xFFFFC000  }
0x135: {  	[tilespmem:s2], [sflag:$0x4] =	stream.linear.gather [hbm4b:s15+s2], $0x80, $0x38;
	[tilespmem:$0x8080] =	vst v63  }
0x136: {  	_ =	swait.ge [sflag:s5], $0x80  }
0x137: {  	[sflag:s5] =	ssyncset.done $0x0  }
0x138: {  	[sflag:s5] =	ssyncadd.s32 $0xFFFFFF80  }
0x139: {  	[tilespmem:s7], [sflag:$0x1] =	stream.indirect.gather [hbm4b:s6+s7], $0x80, s2, s7, $0xb8;
	[tilespmem:$0x8080] =	vst v63  }
0x13a: {  	_ =	swait.ge [sflag:s8], $0x4000  }
0x13b: {  	[sflag:s8] =	ssyncset.done $0x0  }
0x13c: {  	[sflag:s8] =	ssyncadd.s32 $0xFFFFC000  }
0x13d: {  	[hbm4b:s16+s2] =	stream.linear.scatter [tilespmem:s7], [sflag:$0x2], $0x4000, $0x38;
	[tilespmem:$0x8080] =	vst v63  }
0x13e: {  	_ =	swait.ge [sflag:s11], $0x4000  }
0x13f: {  	[sflag:s11] =	ssyncset.done $0x0  }
0x140: {  	[sflag:s11] =	ssyncadd.s32 $0xFFFFC000  }
0x141: {  	[tilespmem:s2], [sflag:$0x4] =	stream.linear.gather [hbm4b:s17+s2], $0x80, $0x38;
	[tilespmem:$0x8080] =	vst v63  }
0x142: {  	_ =	swait.ge [sflag:s5], $0x80  }
0x143: {  	[sflag:s5] =	ssyncset.done $0x0  }
0x144: {  	[sflag:s5] =	ssyncadd.s32 $0xFFFFFF80  }
0x145: {  	[tilespmem:s9], [sflag:$0x1] =	stream.indirect.gather [hbm4b:s6+s7], $0x80, s2, s7, $0xb8;
	[tilespmem:$0x8080] =	vst v63  }
0x146: {  	_ =	swait.ge [sflag:s8], $0x4000  }
0x147: {  	[sflag:s8] =	ssyncset.done $0x0  }
0x148: {  	[sflag:s8] =	ssyncadd.s32 $0xFFFFC000  }
0x149: {  	[hbm4b:s18+s2] =	stream.linear.scatter [tilespmem:s9], [sflag:$0x3], $0x4000, $0x38;
	[tilespmem:$0x8080] =	vst v63  }
0x14a: {  	_ =	swait.ge [sflag:s10], $0x4000  }
0x14b: {  	[sflag:s10] =	ssyncset.done $0x0  }
0x14c: {  	[sflag:s10] =	ssyncadd.s32 $0xFFFFC000  }
0x14d: {  	[tilespmem:s2], [sflag:$0x4] =	stream.linear.gather [hbm4b:s19+s2], $0x80, $0x38;
	[tilespmem:$0x8080] =	vst v63  }
0x14e: {  	_ =	swait.ge [sflag:s5], $0x80  }
0x14f: {  	[sflag:s5] =	ssyncset.done $0x0  }
0x150: {  	[sflag:s5] =	ssyncadd.s32 $0xFFFFFF80  }
0x151: {  	[tilespmem:s7], [sflag:$0x1] =	stream.indirect.gather [hbm4b:s6+s7], $0x80, s2, s7, $0xb8;
	[tilespmem:$0x8080] =	vst v63  }
0x152: {  	_ =	swait.ge [sflag:s8], $0x4000  }
0x153: {  	[sflag:s8] =	ssyncset.done $0x0  }
0x154: {  	[sflag:s8] =	ssyncadd.s32 $0xFFFFC000  }
0x155: {  	[hbm4b:s20+s2] =	stream.linear.scatter [tilespmem:s7], [sflag:$0x2], $0x4000, $0x38;
	[tilespmem:$0x8080] =	vst v63  }
0x156: {  	_ =	swait.ge [sflag:s11], $0x4000  }
0x157: {  	[sflag:s11] =	ssyncset.done $0x0  }
0x158: {  	[sflag:s11] =	ssyncadd.s32 $0xFFFFC000  }
0x159: {  	[tilespmem:s2], [sflag:$0x4] =	stream.linear.gather [hbm4b:s21+s2], $0x80, $0x38;
	[tilespmem:$0x8080] =	vst v63  }
0x15a: {  	_ =	swait.ge [sflag:s5], $0x80  }
0x15b: {  	[sflag:s5] =	ssyncset.done $0x0  }
0x15c: {  	[sflag:s5] =	ssyncadd.s32 $0xFFFFFF80  }
0x15d: {  	[tilespmem:s9], [sflag:$0x1] =	stream.indirect.gather [hbm4b:s6+s7], $0x80, s2, s7, $0xb8;
	[tilespmem:$0x8080] =	vst v63  }
0x15e: {  	_ =	swait.ge [sflag:s8], $0x4000  }
0x15f: {  	[sflag:s8] =	ssyncset.done $0x0  }
0x160: {  	[sflag:s8] =	ssyncadd.s32 $0xFFFFC000  }
0x161: {  	[hbm4b:s22+s2] =	stream.linear.scatter [tilespmem:s9], [sflag:$0x3], $0x4000, $0x38;
	[tilespmem:$0x8080] =	vst v63  }
0x162: {  	_ =	swait.ge [sflag:s10], $0x4000  }
0x163: {  	[sflag:s10] =	ssyncset.done $0x0  }
0x164: {  	[sflag:s10] =	ssyncadd.s32 $0xFFFFC000  }
0x165: {  	[tilespmem:s2], [sflag:$0x4] =	stream.linear.gather [hbm4b:s23+s2], $0x80, $0x38;
	[tilespmem:$0x8080] =	vst v63  }
0x166: {  	_ =	swait.ge [sflag:s5], $0x80  }
0x167: {  	[sflag:s5] =	ssyncset.done $0x0  }
0x168: {  	[sflag:s5] =	ssyncadd.s32 $0xFFFFFF80  }
0x169: {  	[tilespmem:s7], [sflag:$0x1] =	stream.indirect.gather [hbm4b:s6+s7], $0x80, s2, s7, $0xb8;
	[tilespmem:$0x8080] =	vst v63  }
0x16a: {  	_ =	swait.ge [sflag:s8], $0x4000  }
0x16b: {  	[sflag:s8] =	ssyncset.done $0x0  }
0x16c: {  	[sflag:s8] =	ssyncadd.s32 $0xFFFFC000  }
0x16d: {  	[hbm4b:s24+s2] =	stream.linear.scatter [tilespmem:s7], [sflag:$0x2], $0x4000, $0x38;
	[tilespmem:$0x8080] =	vst v63  }
0x16e: {  	_ =	swait.ge [sflag:s11], $0x4000  }
0x16f: {  	[sflag:s11] =	ssyncset.done $0x0  }
0x170: {  	[sflag:s11] =	ssyncadd.s32 $0xFFFFC000  }
0x171: {  	[tilespmem:s2], [sflag:$0x4] =	stream.linear.gather [hbm4b:s25+s2], $0x80, $0x38;
	[tilespmem:$0x8080] =	vst v63  }
0x172: {  	_ =	swait.ge [sflag:s5], $0x80  }
0x173: {  	[sflag:s5] =	ssyncset.done $0x0  }
0x174: {  	[sflag:s5] =	ssyncadd.s32 $0xFFFFFF80  }
0x175: {  	[tilespmem:s9], [sflag:$0x1] =	stream.indirect.gather [hbm4b:s6+s7], $0x80, s2, s7, $0xb8;
	[tilespmem:$0x8080] =	vst v63  }
0x176: {  	_ =	swait.ge [sflag:s8], $0x4000  }
0x177: {  	[sflag:s8] =	ssyncset.done $0x0  }
0x178: {  	[sflag:s8] =	ssyncadd.s32 $0xFFFFC000  }
0x179: {  	[hbm4b:s26+s2] =	stream.linear.scatter [tilespmem:s9], [sflag:$0x3], $0x4000, $0x38;
	[tilespmem:$0x8080] =	vst v63  }
0x17a: {  	_ =	swait.ge [sflag:s10], $0x4000  }
0x17b: {  	[sflag:s10] =	ssyncset.done $0x0  }
0x17c: {  	[sflag:s10] =	ssyncadd.s32 $0xFFFFC000  }
0x17d: {  	[tilespmem:s2], [sflag:$0x4] =	stream.linear.gather [hbm4b:s28+s2], $0x80, $0x38;
	[tilespmem:$0x8080] =	vst v63  }
0x17e: {  	_ =	swait.ge [sflag:s5], $0x80  }
0x17f: {  	[sflag:s5] =	ssyncset.done $0x0  }
0x180: {  	[sflag:s5] =	ssyncadd.s32 $0xFFFFFF80  }
0x181: {  	[tilespmem:s7], [sflag:$0x1] =	stream.indirect.gather [hbm4b:s6+s7], $0x80, s2, s7, $0xb8;
	[tilespmem:$0x8080] =	vst v63  }
0x182: {  	_ =	swait.ge [sflag:s8], $0x4000  }
0x183: {  	[sflag:s8] =	ssyncset.done $0x0  }
0x184: {  	[sflag:s8] =	ssyncadd.s32 $0xFFFFC000  }
0x185: {  	[hbm4b:s29+s2] =	stream.linear.scatter [tilespmem:s7], [sflag:$0x2], $0x4000, $0x38;
	[tilespmem:$0x8080] =	vst v63  }
0x186: {  	_ =	swait.ge [sflag:s11], $0x4000  }
0x187: {  	[sflag:s11] =	ssyncset.done $0x0  }
0x188: {  	[sflag:s11] =	ssyncadd.s32 $0xFFFFC000  }
0x189: {  	[tilespmem:s2], [sflag:$0x4] =	stream.linear.gather [hbm4b:s30+s2], $0x80, $0x38;
	[tilespmem:$0x8080] =	vst v63  }
0x18a: {  	_ =	swait.ge [sflag:s5], $0x80  }
0x18b: {  	[sflag:s5] =	ssyncset.done $0x0  }
0x18c: {  	[sflag:s5] =	ssyncadd.s32 $0xFFFFFF80  }
0x18d: {  	[tilespmem:s9], [sflag:$0x1] =	stream.indirect.gather [hbm4b:s6+s7], $0x80, s2, s7, $0xb8;
	[tilespmem:$0x8080] =	vst v63  }
0x18e: {  	_ =	swait.ge [sflag:s8], $0x4000  }
0x18f: {  	[sflag:s8] =	ssyncset.done $0x0  }
0x190: {  	p0 =	sne.s32 s1, $0x1;
	[sflag:s8] =	ssyncadd.s32 $0xFFFFC000  }
0x191: {  	[hbm4b:s31+s2] =	stream.linear.scatter [tilespmem:s9], [sflag:$0x3], $0x4000, $0x38;
	[tilespmem:$0x8080] =	vst v63  }
.Ltmp1:
0x192: {  	_ =	swait.ge [sflag:s10], $0x4000;
	(pc) =	sbr.rel @p0 .LBB2_1-.Ltmp1, $4  }
0x193: {  	[sflag:s10] =	ssyncset.done $0x0  }
0x194: {  	[sflag:s10] =	ssyncadd.s32 $0xFFFFC000  }
0x195: {  	_ =	swait.ge [sflag:s11], $0x4000  }
0x196: {  	s1 =	sadd.s32 $0xFFFFFFFF, s1;
	[sflag:s11] =	ssyncset.done $0x0  }
.LBB2_2:
0x197: {  	[sflag:s11] =	ssyncadd.s32 $0xFFFFC000  }
0x198: {  	_ =	sfence.sel $0x180000  }
0x199: {  	[bflag:$0x0] =	sbarrier.arrive $0xFFFF  }
0x19a: {  	_ =	strace $0x90000047  }
0x19b: {  	s0 =	stileid.u32;
	[bflag:$0x2] =	sbarrier.arrive $0xFFFF  }
0x19c: {  	p0 =	sne.s32 s0, $0x0;
	s0 =	rddreg [dreg:$0x2]  }
0x19d: {  	s0 =	sadd.s32 @!p0 $0x100000, s0  }
0x19e: {  	[sflag:s0] =	ssyncadd.tile.s32 @!p0 $0x1;
	_ =	shalt  }
.Lfunc_end2:
_tile_overlayer_lowered:
.L_overlay_start_2:
0x19f: {  	(tag) =	ssettag $0x2  }
0x1a0: {  	s0 =	rddreg [dreg:$0x0];
	s2 =	stileid.u32  }
0x1a1: {  	s1 =	rddreg [dreg:$0x1];
	p0 =	sne.s32 s2, $0x0  }
0x1a2: {  	s3 =	rddreg [dreg:$0x2];
	[bflag:$0x3] =	sbarrier.arrive $0xFFFF;
	s2 =	simm.s32 @!p0 $0x1C04  }
0x1a3: {  	[timem:s3], [sflag:s2] =	dma.local @!p0 [hbm:s0], s1  }
0x1a4: {  	s0 =	simm.s32 @!p0 $0x4  }
0x1a5: {  	_ =	swait.ge @!p0 [sflag:s0], s1  }
0x1a6: {  	s1 =	ssub.s32 @!p0 $0x0, s1;
	[sflag:s0] =	ssyncset.done @!p0 $0x0  }
0x1a7: {  	[sflag:s0] =	ssyncadd.s32 @!p0 s1  }
0x1a8: {  	[bflag:$0x3] =	sbarrier.arrive $0xFFFF  }
0x1a9: {  	_ =	shalt  }

// kernel: sparse-core-data-format-call.cloned.1.call-start
scs
called_computation_lowered:
.L_overlay_start_0:
0x0: {  	s2 =	sld [smem:$0x3FD9]  }
0x1: {  	s3 =	sld [smem:$0x3FFE];
	_ =	sdelay $0x1  }
0x2: {  	s1 =	srdreg.scid  }
0x3: {  	s0 =	sand.u32 $0x1, s1  }
0x4: {  	s15 =	sshll.u32 s0, $0xA;
	s2 =	sadd.s32 s3, s2  }
0x5: {  	s2 =	sadd.s32 s2, s15  }
0x6: {  	[smem:$0x3FB7] =	sst s2  }
0x7: {  	_ = 	snop  }
0x8: {  	s2 =	sld [smem:$0x3FD0];
	_ =	sdelay $0x2  }
0x9: {  	s16 =	simm.s32 $0xB;
	s4 =	simm.s32 $0x10  }
0xa: {  	[smem:s4], [sflag:s16] =	dma.local [hbm:s2], $0x1  }
0xb: {  	_ =	swait.eq [sflag:s16], $0x1  }
0xc: {  	[sflag:s16] =	ssyncset.done $0x0  }
0xd: {  	[sflag:s16] =	ssyncadd.s32 $0xFFFFFFFF  }
0xe: {  	s17 =	sld [smem:$0x11];
	(tm) =	ssettm $0x1  }
0xf: {  	s18 =	sld [smem:$0x3FFB];
	_ =	sdelay $0x3  }
0x10: {  	_ =	strace s18  }
0x11: {  	s3 =	sld [smem:$0x3FFC];
	_ =	sdelay $0x3  }
0x12: {  	_ =	strace s3  }
0x13: {  	s3 =	sld [smem:$0x3FFD];
	_ =	sdelay $0x3  }
0x14: {  	_ =	strace s3  }
0x15: {  	_ =	strace $0x8FFFFFFF  }
0x16: {  	s19 =	sld [smem:$0x3FDB];
	_ =	sdelay $0x1  }
0x17: {  	s20 =	simm.s32 $_scs_section_size  }
0x18: {  	s5 =	simm.s32 $_size__tile_overlayer_lowered;
	s6 =	simm.s32 $_tile_overlayer_lowered  }
0x19: {  	s23 =	simm.s32 $0x1BFF;
	s22 =	sshll.u32 s6, $0x1;
	s3 =	sadd.s32 s20, s19  }
0x1a: {  	s7 =	simm.s32 $0x0;
	s21 =	sshll.u32 s5, $0x1;
	s5 =	sadd.s32 s22, s3  }
0x1b: {  	[timem:s7], [sflag:s23] =	dma.local [hbm:s5], s21  }
0x1c: {  	_ =	swait.ge [sflag:s23], s21  }
0x1d: {  	s4 =	ssub.s32 $0x0, s21;
	[sflag:s23] =	ssyncset.done $0x0  }
0x1e: {  	[sflag:s23] =	ssyncadd.s32 s4;
	_ =	sdelay $0x1  }
0x1f: {  	s24 =	simm.s32 $0x1B8B  }
0x20: {  	_ =	swait.ge [sflag:s24], $0x1  }
0x21: {  	[sflag:s24] =	ssyncset.done $0x0  }
0x22: {  	s26 =	simm.s32 $0x1B8E;
	s25 =	sld [smem:$0x3FFE];
	[sflag:s24] =	ssyncadd.s32 $0xFFFFFFFF  }
0x23: {  	s27 =	simm.s32 $execute0_lowered;
	[smem:$0x3FD2] =	sst s26  }
0x24: {  	s5 =	sshll.u32 s27, $0x1;
	_ =	strace $0x8000004C;
	[dreg:$0x1] =	wrdreg $0xFFFFFFFF  }
0x25: {  	s28 =	simm.s32 $_size_execute0_lowered;
	s3 =	sadd.s32 s3, s5;
	[dreg:$0x0] =	wrdreg $0x0  }
0x26: {  	s5 =	sshll.u32 s28, $0x1;
	[dreg:$0x2] =	wrdreg s3  }
0x27: {  	[dreg:$0x3] =	wrdreg s5  }
0x28: {  	[dreg:$0x4] =	wrdreg $0xC0  }
0x29: {  	_ =	task [dreg:s7], $0x5FFFF  }
0x2a: {  	[dreg:$0x1] =	wrdreg $0xFFFFFFFF  }
0x2b: {  	[dreg:$0x0] =	wrdreg $0x60  }
0x2c: {  	[dreg:$0x2] =	wrdreg s25  }
0x2d: {  	[dreg:$0x3] =	wrdreg s17  }
0x2e: {  	[dreg:$0x4] =	wrdreg $0x9  }
0x2f: {  	_ =	task.clear_ibuf [dreg:s7], $0x5FFFF;
	_ =	strace $0x9000004C  }
0x30: {  	s29 =	simm.s32 $0x9;
	_ =	strace $0x8000004E  }
0x31: {  	_ =	swait.ge [sflag:s29], $0x1  }
0x32: {  	[sflag:s29] =	ssyncadd.s32 $0xFFFFFFFF  }
0x33: {  	_ =	strace $0x9000004E  }
0x34: {  	_ =	sfence  }
0x35: {  	s30 =	sld [smem:$0x0];
	_ =	sdelay $0x2  }
0x36: {  	s31 =	sshll.u32 s1, $0xD;
	s1 =	sshrl.u32 s1, $0x2  }
0x37: {  	s3 =	sand.u32 $0x4000, s31;
	s1 =	sadd.s32 s1, s30  }
0x38: {  	s0 =	sor.u32 s3, s0;
	s1 =	sshll.u32 s1, $0x11  }
0x39: {  	s0 =	sor.u32 s1, s0  }
0x3a: {  	s0 =	sadd.s32 $0x8F2B, s0  }
0x3b: {  	[sflag:s0] =	ssyncadd.remote.s32 $0x1  }
0x3c: {  	_ =	sfence.sel $0xFFFF  }
0x3d: {  	[dreg:$0x0] =	wrdreg $0xFFFFFFFF;
	(pc) =	sbr.abs _section_cstart, $3  }
0x3e: {  	[dreg:$0x1] =	wrdreg $0xFFFFFFFF  }
0x3f: {  	_ =	task.clear_ibuf [dreg:s7], $0x2FFFF;
	_ =	strace $0x9FFFFFFF  }
0x40: {  	(tm) =	ssettm $0x7FFFFFFF  }
0x41: {  	_ =	shalt  }
tec
execute0_lowered:
.L_overlay_start_1:
0x0: {  	(tag) =	ssettag $0x1  }
0x1: {  	s0 =	stileid.u32  }
0x2: {  	s1 =	srdreg.scid;
	s5 =	rddreg [dreg:$0x0];
	s31 =	simm.s32 $0x2  }
0x3: {  	s14 =	simm.s32 $0x0;
	s2 =	sshll.u32 s0, $0x6;
	s1 =	sshll.u32 s1, $0xA  }
0x4: {  	s9 =	simm.s32 $0x8000;
	s15 =	simm.s32 $0x0;
	s1 =	sor.u32 s2, s1  }
0x5: {  	s16 =	simm.s32 $0x0;
	s10 =	simm.s32 $0x0;
	s1 =	sand.u32 $0x780, s1  }
0x6: {  	s13 =	simm.s32 $0x0;
	s2 =	sand.u32 $0x1, s0;
	s3 =	ssub.s32 $0x1000, s1  }
0x7: {  	s5 =	sadd.s32 $0x217E00, s5;
	s4 =	ssub.s32 $0x2, s2;
	s6 =	sand.u32 $0x780, s3  }
0x8: {  	s7 =	sshrl.u32 s4, $0x1;
	p0 =	sne.s32 s6, $0x0;
	s6 =	simm.s32 $0x1  }
0x9: {  	s8 =	sand.u32 $0x1, s4;
	s3 =	sshrl.u32 s3, $0xB;
	s6 =	simm.s32 @!p0 $0x0  }
.Ltmp0:
0xa: {  	s7 =	sadd.s32 s8, s7;
	s6 =	sadd.s32 s6, s3;
	(pc) =	sbr.rel .LBB1_1-.Ltmp0, $4  }
0xb: {  	s12 =	smov.u32 s2;
	s4 =	rddreg [dreg:$0x1];
	s7 =	smul.u32 s6, s7  }
0xc: {  	s3 =	rddreg [dreg:$0x2];
	_ =	strace $0x8000004D;
	s6 =	simm.s32 $0x1  }
0xd: {  	s11 =	smov.u32 s1;
	[sflag:s6] =	ssyncpa.u1 $0x0;
	s7 =	sshll.u32 s7, $0x4  }
0xe: {  	p0 =	por $0x0, $0x0;
	[sflag:s31] =	ssyncpa.u1 $0x0;
	s8 =	sor.u32 $0x1, s7  }
.LBB1_4:
0xf: {  	s19 =	sshll.u32 s15, $0x3  }
0x10: {  	s20 =	sand.u32 $0x78, s15;
	s16 =	sshll.u32 s16, $0x13;
	s30 =	sand.u32 $0x7E00, s15  }
0x11: {  	s14 =	sshll.u32 s14, $0xF;
	s19 =	sand.u32 $0xC00, s19;
	s16 =	sadd.s32 s4, s16  }
0x12: {  	[tilespmem:s18+$0x810 ss:$0x81] =	vst.msk $0xffff, v2;
	s31 =	sand.u32 $0x7, s15;
	s19 =	sor.u32 s20, s19;
	s16 =	sadd.s32 s30, s16  }
0x13: {  	[tilespmem:s18+$0x1020 ss:$0x81] =	vst.msk $0xffff, v0;
	s15 =	sshll.u32 s31, $0x12;
	s19 =	sshrl.u32 s19, $0x3;
	s14 =	sadd.s32 s14, s16  }
0x14: {  	[tilespmem:s18+$0x0 ss:$0x81] =	vst.msk $0xffff, v1;
	s15 =	sor.u32 $0x400, s15;
	s14 =	sadd.s32 s19, s14  }
0x15: {  	[hbm4b:s14+s15] =	stream.strided.scatter [tilespmem:s17], [sflag:$0x2], $0x2000, s9, s15, $0x20;
	[tilespmem:$0x8080] =	vst v63  }
.LBB1_5:
0x16: {  	s17 =	sadd.s32 $0x1, s10  }
0x17: {  	s14 =	sadd.s32 $0x800, s11;
	s18 =	smov.u32 s11;
	p2 =	sgt.s32 s17, $0xF  }
0x18: {  	s18 =	smov.u32 @p2 s14  }
0x19: {  	s20 =	smov.u32 s12;
	s14 =	sadd.s32 $0x2, s12;
	p3 =	sgt.s32 s18, $0xFFF  }
0x1a: {  	s20 =	smov.u32 @p3 s14  }
0x1b: {  	s17 =	simm.s32 @p2 $0x0;
	p2 =	sgt.s32 s20, $0x1  }
0x1c: {  	p1 =	slt.u32 s13, $0x2;
	s20 =	smov.u32 @p2 s2;
	p2 =	sne.s32 s13, s8  }
.Ltmp1:
0x1d: {  	s19 =	simm.s32 @!p1 $0x2;
	(pc) =	sbr.rel @!p2 .LBB1_6-.Ltmp1, $4  }
0x1e: {  	s15 =	smov.u32 s11;
	s16 =	smov.u32 s12;
	_ =	swait.ge @!p1 [sflag:s19], $0x2000  }
0x1f: {  	p0 =	por !p0, !p0;
	[sflag:s19] =	ssyncset.done @!p1 $0x0;
	s18 =	smov.u32 @p3 s1  }
0x20: {  	s14 =	smov.u32 s10;
	[sflag:s19] =	ssyncadd.s32 @!p1 $0xFFFFE000;
	s10 =	smov.u32 s17  }
0x21: {  	s11 =	smov.u32 s18;
	s13 =	sadd.s32 $0x1, s13;
	s12 =	smov.u32 s20  }
.LBB1_1:
0x22: {  	p1 =	sge.u32 s13, s7;
	s31 =	sadd.s32 $0xFFFFFFFF, s13  }
0x23: {  	s17 =	sxor.u32 @!p1 $0xFFFFFFFF, s13;
	s18 =	sshll.u32 @!p1 s12, $0x14;
	s19 =	sshll.u32 @!p1 s11, $0x8  }
0x24: {  	s20 =	sshll.u32 @!p1 s10, $0x4;
	s17 =	sshll.u32 @!p1 s17, $0xD;
	s18 =	sadd.s32 @!p1 s5, s18  }
0x25: {  	s20 =	sand.u32 @!p1 $0xF0, s20;
	s17 =	sand.u32 @!p1 $0x2000, s17;
	s18 =	sadd.s32 @!p1 s19, s18  }
0x26: {  	s19 =	simm.s32 @!p1 $0x40;
	s18 =	sadd.s32 @!p1 s20, s18;
	s20 =	simm.s32 @!p1 $0x800  }
0x27: {  	[tilespmem:s17], [sflag:$0x1] =	stream.strided.gather @!p1 [hbm4b:s18+s19], $0x2000, s20, s19, $0x38;
	[tilespmem:$0x8080] =	vst v63  }
0x28: {  	p1 =	sge.u32 s31, s7  }
.Ltmp2:
0x29: {  	_ = 	snop;
	(pc) =	sbr.rel @p1 .LBB1_5-.Ltmp2, $1  }
0x2a: {  	_ =	sdelay $0x3  }
0x2b: {  	s17 =	simm.s32 $0x1  }
0x2c: {  	_ =	swait.ge [sflag:s6], $0x2000;
	s17 =	simm.s32 @!p0 $0x0  }
0x2d: {  	[sflag:s6] =	ssyncset.done $0x0;
	s18 =	sshll.u32 s17, $0xD  }
0x2e: {  	[sflag:s6] =	ssyncadd.s32 $0xFFFFE000;
	s21 =	sor.u32 $0x20, s18  }
0x2f: {  	s17 =	smul.u32 $0x8100, s17;
	v3 =	vld [tilespmem:s21+$0x10]  }
0x30: {  	s30 =	sand.u32 $0x1, s13;
	v2 =	vld [tilespmem:s21+$0xFFFFFFF0]  }
0x31: {  	s18 =	smul.u32 $0x8100, s30;
	s17 =	sshrl.u32 s17, $0x2;
	v0 =	vld [tilespmem:s21+$0x0]  }
0x32: {  	v1 =	vld [tilespmem:s21+$0xFFFFFFE0];
	s19 =	sor.u32 $0x4000, s17  }
0x33: {  	s31 =	sshrl.u32 s18, $0x2;
	s18 =	sadd.s32 $0x0, s19  }
0x34: {  	s20 =	simm.s32 $0x4;
	s21 =	sadd.s32 $0x40, s21;
	s17 =	sor.u32 $0x4000, s31;
	[tilespmem:s18+$0x1830 ss:$0x81] =	vst.msk $0xffff, v3  }
.LBB1_3:
0x35: {  	v3 =	vld [tilespmem:s21+$0x10];
	p1 =	sne.s32 s20, $0x1FC;
	[tilespmem:s18+$0x810 ss:$0x81] =	vst.msk $0xffff, v2;
	s22 =	smov.u32 s20;
	s20 =	sadd.s32 $0x4, s20  }
.Ltmp3:
0x36: {  	v2 =	vld [tilespmem:s21+$0xFFFFFFF0];
	[tilespmem:s18+$0x1020 ss:$0x81] =	vst.msk $0xffff, v0;
	(pc) =	sbr.rel @p1 .LBB1_3-.Ltmp3, $4  }
0x37: {  	v0 =	vld [tilespmem:s21+$0x0];
	[tilespmem:s18+$0x0 ss:$0x81] =	vst.msk $0xffff, v1  }
0x38: {  	s18 =	sshra.s32 s22, $0x2;
	v1 =	vld [tilespmem:s21+$0xFFFFFFE0]  }
0x39: {  	s18 =	sadd.s32 s18, s19  }
0x3a: {  	s21 =	sadd.s32 $0x40, s21;
	[tilespmem:s18+$0x1830 ss:$0x81] =	vst.msk $0xffff, v3  }
.Ltmp4:
0x3b: {  	_ = 	snop;
	(pc) =	sbr.rel .LBB1_4-.Ltmp4, $1  }
0x3c: {  	_ =	sdelay $0x3  }
.LBB1_6:
0x3d: {  	_ =	sfence.sel $0x180000  }
0x3e: {  	s1 =	simm.s32 $0x1;
	[bflag:$0x0] =	sbarrier.arrive $0xFFFF  }
0x3f: {  	s31 =	simm.s32 $0x2;
	[sflag:s1] =	ssyncpa.u1 $0x1  }
0x40: {  	[sflag:s31] =	ssyncpa.u1 $0x1  }
0x41: {  	p0 =	sne.s32 s0, $0x0;
	_ =	strace $0x9000004D  }
0x42: {  	s0 =	sadd.s32 @!p0 $0x100000, s3;
	[bflag:$0x2] =	sbarrier.arrive $0xFFFF  }
0x43: {  	[sflag:s0] =	ssyncadd.tile.s32 @!p0 $0x1;
	_ =	shalt  }
.Lfunc_end1:
_tile_overlayer_lowered:
.L_overlay_start_2:
0x44: {  	(tag) =	ssettag $0x2  }
0x45: {  	s0 =	rddreg [dreg:$0x0];
	s2 =	stileid.u32  }
0x46: {  	s1 =	rddreg [dreg:$0x1];
	p0 =	sne.s32 s2, $0x0  }
0x47: {  	s3 =	rddreg [dreg:$0x2];
	[bflag:$0x3] =	sbarrier.arrive $0xFFFF;
	s2 =	simm.s32 @!p0 $0x1C01  }
0x48: {  	[timem:s3], [sflag:s2] =	dma.local @!p0 [hbm:s0], s1  }
0x49: {  	s0 =	simm.s32 @!p0 $0x1  }
0x4a: {  	_ =	swait.ge @!p0 [sflag:s0], s1  }
0x4b: {  	s1 =	ssub.s32 @!p0 $0x0, s1;
	[sflag:s0] =	ssyncset.done @!p0 $0x0  }
0x4c: {  	[sflag:s0] =	ssyncadd.s32 @!p0 s1  }
0x4d: {  	[bflag:$0x3] =	sbarrier.arrive $0xFFFF  }
0x4e: {  	_ =	shalt  }

</sc_bundles>
